<compile_context>
chip_gen: v7x
topology: tpu7x:2x2x1
jax: 0.10.2.dev20260603
libtpu: 0.0.44.dev20260713+nightly
codegen_flags: <defaults>
</compile_context>

<pallas_src>
import functools

import jax
import jax.numpy as jnp
from jax import lax
from jax.experimental import pallas as pl
from jax.experimental.pallas import tpu as pltpu
from jax.experimental.pallas import tpu_sc as plsc

_NC = 2
_NS = 16
_NW = _NC * _NS
_L = 16

_BATCH = 16384
_D = 64
_W = 128
_BPW = _BATCH // _NW
_CHUNK = 256
_NCHUNK = _BPW // _CHUNK
_GROUPS = _CHUNK // _L


def _sc_body(u_hbm, i_hbm, mu_hbm, bu_hbm, bi_hbm, pq_hbm, out_hbm,
             uidx_v, iidx_v, pu_v, qi_v, bu_v, bi_v, mu_v, out_v, sem):
    wid = lax.axis_index("s") * _NC + lax.axis_index("c")
    base = wid * _BPW
    pltpu.sync_copy(mu_hbm, mu_v)
    mu_vec = mu_v[...]

    lane_iota = lax.iota(jnp.int32, _L)
    lane_masks = [lane_iota == r for r in range(_L)]

    for chunk in range(_NCHUNK):
        cbase = base + chunk * _CHUNK
        csl = pl.ds(cbase, _CHUNK)
        pltpu.sync_copy(u_hbm.at[csl], uidx_v)
        pltpu.sync_copy(i_hbm.at[csl], iidx_v)
        cps = [
            pltpu.async_copy(bu_hbm.at[uidx_v], bu_v, sem),
            pltpu.async_copy(bi_hbm.at[iidx_v], bi_v, sem),
            pltpu.async_copy(pq_hbm.at[uidx_v], pu_v, sem),
            pltpu.async_copy(pq_hbm.at[iidx_v], qi_v, sem),
        ]
        for cp in cps:
            cp.wait()

        def group(g, carry):
            gb = pl.multiple_of(g * _L, _L)
            sl = pl.ds(gb, _L)
            dots = jnp.zeros((_L,), jnp.float32)
            for r in range(_L):
                b = gb + r
                acc = pu_v[b, pl.ds(0, _L)] * qi_v[b, pl.ds(_D, _L)]
                for c in range(1, _D // _L):
                    acc = acc + (pu_v[b, pl.ds(c * _L, _L)] *
                                 qi_v[b, pl.ds(_D + c * _L, _L)])
                dots = jnp.where(lane_masks[r], jnp.sum(acc), dots)
            out_v[sl] = mu_vec + bu_v[sl] + bi_v[sl] + dots
            return carry

        lax.fori_loop(0, _GROUPS, group, 0)
        pltpu.sync_copy(out_v, out_hbm.at[csl])


def kernel(u_idx, i_idx, mu, b_u, b_i, P, Q):
    u_idx = u_idx.astype(jnp.int32)
    i_idx = i_idx.astype(jnp.int32)
    mu_vec = jnp.broadcast_to(mu.astype(jnp.float32), (_L,))
    PQ = jnp.concatenate([P, Q], axis=1)
    mesh = plsc.VectorSubcoreMesh(core_axis_name="c", subcore_axis_name="s")
    run = functools.partial(
        pl.kernel,
        mesh=mesh,
        compiler_params=pltpu.CompilerParams(
            needs_layout_passes=False, use_tc_tiling_on_sc=True),
        out_type=jax.ShapeDtypeStruct((_BATCH,), jnp.float32),
        scratch_types=[
            pltpu.VMEM((_CHUNK,), jnp.int32),
            pltpu.VMEM((_CHUNK,), jnp.int32),
            pltpu.VMEM((_CHUNK, _W), jnp.float32),
            pltpu.VMEM((_CHUNK, _W), jnp.float32),
            pltpu.VMEM((_CHUNK,), jnp.float32),
            pltpu.VMEM((_CHUNK,), jnp.float32),
            pltpu.VMEM((_L,), jnp.float32),
            pltpu.VMEM((_CHUNK,), jnp.float32),
            pltpu.SemaphoreType.DMA,
        ],
    )(_sc_body)
    return run(u_idx, i_idx, mu_vec, b_u, b_i, PQ)

# --- scband reference (transcript-rebuilt; emitter-appended) ---
"""Pipeline reference for scband-matrix-factorization-23974507446721 (READ-ONLY COPY).

The authoritative reference and input builder live on the scoring server;
editing this copy changes nothing except your own understanding.
"""

import jax, jax.numpy as jnp
import numpy as np

N_USERS = 1000000
N_ITEMS = 1000000
N_FACTORS = 64
BATCH = 16384

def setup_inputs(seed: int = 0) -> dict:
    key = jax.random.key(seed)
    k1, k2, k3, k4 = jax.random.split(key, 4)
    u_idx = jax.random.randint(k1, (BATCH,), 0, N_USERS, dtype=jnp.int64) if jax.config.jax_enable_x64 else jax.random.randint(k1, (BATCH,), 0, N_USERS, dtype=jnp.int32)
    i_idx = jax.random.randint(k2, (BATCH,), 0, N_ITEMS, dtype=jnp.int32)
    mu = jnp.zeros((), dtype=jnp.float32)
    b_u = jnp.zeros((N_USERS,), dtype=jnp.float32)
    b_i = jnp.zeros((N_ITEMS,), dtype=jnp.float32)
    P = jax.random.normal(k3, (N_USERS, N_FACTORS), dtype=jnp.float32) * 0.1
    Q = jax.random.normal(k4, (N_ITEMS, N_FACTORS), dtype=jnp.float32) * 0.1
    return {"u_idx": u_idx, "i_idx": i_idx, "mu": mu, "b_u": b_u, "b_i": b_i, "P": P, "Q": Q}

def reference(u_idx, i_idx, mu, b_u, b_i, P, Q):
    bu = jnp.take(b_u, u_idx, axis=0)
    bi = jnp.take(b_i, i_idx, axis=0)
    pu = jnp.take(P, u_idx, axis=0)
    qi = jnp.take(Q, i_idx, axis=0)
    return mu + bu + bi + jnp.sum(pu * qi, axis=1)

if __name__ == "__main__":
    import jax
    _d = setup_inputs()
    print(jax.jit(kernel)(*tuple(_d.values())))

</pallas_src>

<mosaic_0001>
#map = affine_map<(d0, d1) -> (0)>
#map1 = affine_map<(d0, d1) -> (0, 0)>
module attributes {stable_mosaic.version = 14 : i64} {
  func.func @_sc_body(%arg0: i32, %arg1: i32, %arg2: memref<16384xi32, #tpu.memory_space<hbm>>, %arg3: memref<16384xi32, #tpu.memory_space<hbm>>, %arg4: memref<16xf32, #tpu.memory_space<hbm>>, %arg5: memref<1000000xf32, #tpu.memory_space<hbm>>, %arg6: memref<1000000xf32, #tpu.memory_space<hbm>>, %arg7: memref<1000000x128xf32, #tpu.memory_space<hbm>>, %arg8: memref<16384xf32, #tpu.memory_space<hbm>>, %arg9: memref<256xi32, #tpu.memory_space<vmem>>, %arg10: memref<256xi32, #tpu.memory_space<vmem>>, %arg11: memref<256x128xf32, #tpu.memory_space<vmem>>, %arg12: memref<256x128xf32, #tpu.memory_space<vmem>>, %arg13: memref<256xf32, #tpu.memory_space<vmem>>, %arg14: memref<256xf32, #tpu.memory_space<vmem>>, %arg15: memref<16xf32, #tpu.memory_space<vmem>>, %arg16: memref<256xf32, #tpu.memory_space<vmem>>, %arg17: memref<!tpu.dma_semaphore, #tpu.memory_space<semaphore_mem>>) attributes {dimension_semantics = [#tpu.dimension_semantics<core_parallel>, #tpu.dimension_semantics<subcore_parallel>], iteration_bounds = array<i64: 2, 16>, scalar_prefetch = 0 : i64, scratch_operands = 9 : i64, tpu.core_type = #tpu.core_type<sc_vector_subcore>, window_params = [{transform_indices = #map}, {transform_indices = #map}, {transform_indices = #map}, {transform_indices = #map}, {transform_indices = #map}, {transform_indices = #map1}, {transform_indices = #map}]} {
    %mul3A = arith.constant 2 : i32
    %mul3A_0 = arith.muli %arg1, %mul3A : i32
    %add3A = arith.addi %mul3A_0, %arg0 : i32
    %mul3A_1 = arith.constant 512 : i32
    %mul3A_2 = arith.muli %add3A, %mul3A_1 : i32
    "tpu.region"() ({
      %run_scoped3A = tpu.sem_alloc : memref<!tpu.dma_semaphore, #tpu.memory_space<semaphore_mem>>
      tpu.enqueue_dma source(%arg4 : memref<16xf32, #tpu.memory_space<hbm>>) target(%arg15 : memref<16xf32, #tpu.memory_space<vmem>>) target_semaphore(%run_scoped3A : memref<!tpu.dma_semaphore, #tpu.memory_space<semaphore_mem>>)
      tpu.wait_dma2 semaphore(%run_scoped3A : memref<!tpu.dma_semaphore, #tpu.memory_space<semaphore_mem>>) src(%arg4 : memref<16xf32, #tpu.memory_space<hbm>>) dst(%arg15 : memref<16xf32, #tpu.memory_space<vmem>>)
      tpu.yield
    }) : () -> ()
    %get3A = arith.constant 0 : index
    %get3A_3 = tpu.vector_load %arg15[%get3A] {strides = array<i32>} : memref<16xf32, #tpu.memory_space<vmem>>, vector<16xf32>,
    %iota3A = tpu.iota {dimensions = array<i32: 0>} : vector<16xi32>
    %eq3A = arith.constant 0 : i32
    %eq3A_4 = vector.broadcast %eq3A : i32 to vector<16xi32>
    %eq3A_5 = arith.cmpi eq, %iota3A, %eq3A_4 : vector<16xi32>
    %eq3A_6 = arith.constant 1 : i32
    %eq3A_7 = vector.broadcast %eq3A_6 : i32 to vector<16xi32>
    %eq3A_8 = arith.cmpi eq, %iota3A, %eq3A_7 : vector<16xi32>
    %eq3A_9 = arith.constant 2 : i32
    %eq3A_10 = vector.broadcast %eq3A_9 : i32 to vector<16xi32>
    %eq3A_11 = arith.cmpi eq, %iota3A, %eq3A_10 : vector<16xi32>
    %eq3A_12 = arith.constant 3 : i32
    %eq3A_13 = vector.broadcast %eq3A_12 : i32 to vector<16xi32>
    %eq3A_14 = arith.cmpi eq, %iota3A, %eq3A_13 : vector<16xi32>
    %eq3A_15 = arith.constant 4 : i32
    %eq3A_16 = vector.broadcast %eq3A_15 : i32 to vector<16xi32>
    %eq3A_17 = arith.cmpi eq, %iota3A, %eq3A_16 : vector<16xi32>
    %eq3A_18 = arith.constant 5 : i32
    %eq3A_19 = vector.broadcast %eq3A_18 : i32 to vector<16xi32>
    %eq3A_20 = arith.cmpi eq, %iota3A, %eq3A_19 : vector<16xi32>
    %eq3A_21 = arith.constant 6 : i32
    %eq3A_22 = vector.broadcast %eq3A_21 : i32 to vector<16xi32>
    %eq3A_23 = arith.cmpi eq, %iota3A, %eq3A_22 : vector<16xi32>
    %eq3A_24 = arith.constant 7 : i32
    %eq3A_25 = vector.broadcast %eq3A_24 : i32 to vector<16xi32>
    %eq3A_26 = arith.cmpi eq, %iota3A, %eq3A_25 : vector<16xi32>
    %eq3A_27 = arith.constant 8 : i32
    %eq3A_28 = vector.broadcast %eq3A_27 : i32 to vector<16xi32>
    %eq3A_29 = arith.cmpi eq, %iota3A, %eq3A_28 : vector<16xi32>
    %eq3A_30 = arith.constant 9 : i32
    %eq3A_31 = vector.broadcast %eq3A_30 : i32 to vector<16xi32>
    %eq3A_32 = arith.cmpi eq, %iota3A, %eq3A_31 : vector<16xi32>
    %eq3A_33 = arith.constant 10 : i32
    %eq3A_34 = vector.broadcast %eq3A_33 : i32 to vector<16xi32>
    %eq3A_35 = arith.cmpi eq, %iota3A, %eq3A_34 : vector<16xi32>
    %eq3A_36 = arith.constant 11 : i32
    %eq3A_37 = vector.broadcast %eq3A_36 : i32 to vector<16xi32>
    %eq3A_38 = arith.cmpi eq, %iota3A, %eq3A_37 : vector<16xi32>
    %eq3A_39 = arith.constant 12 : i32
    %eq3A_40 = vector.broadcast %eq3A_39 : i32 to vector<16xi32>
    %eq3A_41 = arith.cmpi eq, %iota3A, %eq3A_40 : vector<16xi32>
    %eq3A_42 = arith.constant 13 : i32
    %eq3A_43 = vector.broadcast %eq3A_42 : i32 to vector<16xi32>
    %eq3A_44 = arith.cmpi eq, %iota3A, %eq3A_43 : vector<16xi32>
    %eq3A_45 = arith.constant 14 : i32
    %eq3A_46 = vector.broadcast %eq3A_45 : i32 to vector<16xi32>
    %eq3A_47 = arith.cmpi eq, %iota3A, %eq3A_46 : vector<16xi32>
    %eq3A_48 = arith.constant 15 : i32
    %eq3A_49 = vector.broadcast %eq3A_48 : i32 to vector<16xi32>
    %eq3A_50 = arith.cmpi eq, %iota3A, %eq3A_49 : vector<16xi32>
    %add3A_51 = arith.constant 0 : i32
    %add3A_52 = arith.addi %mul3A_2, %add3A_51 : i32
    "tpu.region"() ({
      %run_scoped3A = tpu.sem_alloc : memref<!tpu.dma_semaphore, #tpu.memory_space<semaphore_mem>>
      %dma_start3A_104 = tpu.memref_slice %arg2[%add3A_52] : memref<16384xi32, #tpu.memory_space<hbm>> -> memref<256xi32, #tpu.memory_space<hbm>>
      %dma_start3A_105 = tpu.memref_slice %arg2[%add3A_52] : memref<16384xi32, #tpu.memory_space<hbm>> -> memref<256xi32, #tpu.memory_space<hbm>>
      tpu.enqueue_dma source(%dma_start3A_105 : memref<256xi32, #tpu.memory_space<hbm>>) target(%arg9 : memref<256xi32, #tpu.memory_space<vmem>>) target_semaphore(%run_scoped3A : memref<!tpu.dma_semaphore, #tpu.memory_space<semaphore_mem>>)
      %dma_wait3A_106 = tpu.memref_slice %arg2[%add3A_52] : memref<16384xi32, #tpu.memory_space<hbm>> -> memref<256xi32, #tpu.memory_space<hbm>>
      %dma_wait3A_107 = tpu.memref_slice %arg2[%add3A_52] : memref<16384xi32, #tpu.memory_space<hbm>> -> memref<256xi32, #tpu.memory_space<hbm>>
      tpu.wait_dma2 semaphore(%run_scoped3A : memref<!tpu.dma_semaphore, #tpu.memory_space<semaphore_mem>>) src(%dma_wait3A_107 : memref<256xi32, #tpu.memory_space<hbm>>) dst(%arg9 : memref<256xi32, #tpu.memory_space<vmem>>)
      tpu.yield
    }) : () -> ()
    "tpu.region"() ({
      %run_scoped3A = tpu.sem_alloc : memref<!tpu.dma_semaphore, #tpu.memory_space<semaphore_mem>>
      %dma_start3A_104 = tpu.memref_slice %arg3[%add3A_52] : memref<16384xi32, #tpu.memory_space<hbm>> -> memref<256xi32, #tpu.memory_space<hbm>>
      %dma_start3A_105 = tpu.memref_slice %arg3[%add3A_52] : memref<16384xi32, #tpu.memory_space<hbm>> -> memref<256xi32, #tpu.memory_space<hbm>>
      tpu.enqueue_dma source(%dma_start3A_105 : memref<256xi32, #tpu.memory_space<hbm>>) target(%arg10 : memref<256xi32, #tpu.memory_space<vmem>>) target_semaphore(%run_scoped3A : memref<!tpu.dma_semaphore, #tpu.memory_space<semaphore_mem>>)
      %dma_wait3A_106 = tpu.memref_slice %arg3[%add3A_52] : memref<16384xi32, #tpu.memory_space<hbm>> -> memref<256xi32, #tpu.memory_space<hbm>>
      %dma_wait3A_107 = tpu.memref_slice %arg3[%add3A_52] : memref<16384xi32, #tpu.memory_space<hbm>> -> memref<256xi32, #tpu.memory_space<hbm>>
      tpu.wait_dma2 semaphore(%run_scoped3A : memref<!tpu.dma_semaphore, #tpu.memory_space<semaphore_mem>>) src(%dma_wait3A_107 : memref<256xi32, #tpu.memory_space<hbm>>) dst(%arg10 : memref<256xi32, #tpu.memory_space<vmem>>)
      tpu.yield
    }) : () -> ()
    %dma_start3A = arith.constant 0 : i32
    %dma_start3A_53 = tpu.memref_slice %arg5[%dma_start3A] : memref<1000000xf32, #tpu.memory_space<hbm>> -> memref<1000000xf32, #tpu.memory_space<hbm>>
    tpu.enqueue_indirect_dma source(%dma_start3A_53 : memref<1000000xf32, #tpu.memory_space<hbm>>) target(%arg13 : memref<256xf32, #tpu.memory_space<vmem>>) offsets(%arg9 : memref<256xi32, #tpu.memory_space<vmem>>) semaphore(%arg17 : memref<!tpu.dma_semaphore, #tpu.memory_space<semaphore_mem>>)
    %dma_start3A_54 = arith.constant 0 : i32
    %dma_start3A_55 = tpu.memref_slice %arg6[%dma_start3A_54] : memref<1000000xf32, #tpu.memory_space<hbm>> -> memref<1000000xf32, #tpu.memory_space<hbm>>
    tpu.enqueue_indirect_dma source(%dma_start3A_55 : memref<1000000xf32, #tpu.memory_space<hbm>>) target(%arg14 : memref<256xf32, #tpu.memory_space<vmem>>) offsets(%arg10 : memref<256xi32, #tpu.memory_space<vmem>>) semaphore(%arg17 : memref<!tpu.dma_semaphore, #tpu.memory_space<semaphore_mem>>)
    %dma_start3A_56 = arith.constant 0 : i32
    %dma_start3A_57 = arith.constant 0 : i32
    %dma_start3A_58 = tpu.memref_slice %arg7[%dma_start3A_56, %dma_start3A_57] : memref<1000000x128xf32, #tpu.memory_space<hbm>> -> memref<1000000x128xf32, #tpu.memory_space<hbm>>
    tpu.enqueue_indirect_dma source(%dma_start3A_58 : memref<1000000x128xf32, #tpu.memory_space<hbm>>) target(%arg11 : memref<256x128xf32, #tpu.memory_space<vmem>>) offsets(%arg9 : memref<256xi32, #tpu.memory_space<vmem>>) semaphore(%arg17 : memref<!tpu.dma_semaphore, #tpu.memory_space<semaphore_mem>>)
    %dma_start3A_59 = arith.constant 0 : i32
    %dma_start3A_60 = arith.constant 0 : i32
    %dma_start3A_61 = tpu.memref_slice %arg7[%dma_start3A_59, %dma_start3A_60] : memref<1000000x128xf32, #tpu.memory_space<hbm>> -> memref<1000000x128xf32, #tpu.memory_space<hbm>>
    tpu.enqueue_indirect_dma source(%dma_start3A_61 : memref<1000000x128xf32, #tpu.memory_space<hbm>>) target(%arg12 : memref<256x128xf32, #tpu.memory_space<vmem>>) offsets(%arg10 : memref<256xi32, #tpu.memory_space<vmem>>) semaphore(%arg17 : memref<!tpu.dma_semaphore, #tpu.memory_space<semaphore_mem>>)
    %dma_wait3A = arith.constant 0 : i32
    %dma_wait3A_62 = tpu.memref_slice %arg5[%dma_wait3A] : memref<1000000xf32, #tpu.memory_space<hbm>> -> memref<1000000xf32, #tpu.memory_space<hbm>>
    tpu.wait_indirect_dma semaphore(%arg17 : memref<!tpu.dma_semaphore, #tpu.memory_space<semaphore_mem>>) src(%dma_wait3A_62 : memref<1000000xf32, #tpu.memory_space<hbm>>) dst(%arg13 : memref<256xf32, #tpu.memory_space<vmem>>)
    %dma_wait3A_63 = arith.constant 0 : i32
    %dma_wait3A_64 = tpu.memref_slice %arg6[%dma_wait3A_63] : memref<1000000xf32, #tpu.memory_space<hbm>> -> memref<1000000xf32, #tpu.memory_space<hbm>>
    tpu.wait_indirect_dma semaphore(%arg17 : memref<!tpu.dma_semaphore, #tpu.memory_space<semaphore_mem>>) src(%dma_wait3A_64 : memref<1000000xf32, #tpu.memory_space<hbm>>) dst(%arg14 : memref<256xf32, #tpu.memory_space<vmem>>)
    %dma_wait3A_65 = arith.constant 0 : i32
    %dma_wait3A_66 = arith.constant 0 : i32
    %dma_wait3A_67 = tpu.memref_slice %arg7[%dma_wait3A_65, %dma_wait3A_66] : memref<1000000x128xf32, #tpu.memory_space<hbm>> -> memref<1000000x128xf32, #tpu.memory_space<hbm>>
    tpu.wait_indirect_dma semaphore(%arg17 : memref<!tpu.dma_semaphore, #tpu.memory_space<semaphore_mem>>) src(%dma_wait3A_67 : memref<1000000x128xf32, #tpu.memory_space<hbm>>) dst(%arg11 : memref<256x128xf32, #tpu.memory_space<vmem>>)
    %dma_wait3A_68 = arith.constant 0 : i32
    %dma_wait3A_69 = arith.constant 0 : i32
    %dma_wait3A_70 = tpu.memref_slice %arg7[%dma_wait3A_68, %dma_wait3A_69] : memref<1000000x128xf32, #tpu.memory_space<hbm>> -> memref<1000000x128xf32, #tpu.memory_space<hbm>>
    tpu.wait_indirect_dma semaphore(%arg17 : memref<!tpu.dma_semaphore, #tpu.memory_space<semaphore_mem>>) src(%dma_wait3A_70 : memref<1000000x128xf32, #tpu.memory_space<hbm>>) dst(%arg12 : memref<256x128xf32, #tpu.memory_space<vmem>>)
    %scan3A = arith.constant 0 : i32
    %scan3A_71 = arith.constant 0 : i32
    %scan3A_72 = arith.constant 16 : i32
    %scan3A_73 = arith.addi %scan3A_71, %scan3A_72 : i32
    %scan3A_74 = arith.constant 1 : i32
    scf.for %scan3A_104 = %scan3A_71 to %scan3A_73 step %scan3A_74  : i32 {
      %mul3A_105 = arith.constant 16 : i32
      %mul3A_106 = arith.muli %scan3A_104, %mul3A_105 : i32
      %multiple_of3A = tpu.assume_multiple %mul3A_106, 16 : i32
      %broadcast_in_dim3A = arith.constant 0.000000e+00 : f32
      %broadcast_in_dim3A_107 = vector.broadcast %broadcast_in_dim3A : f32 to vector<16xf32>
      %add3A_108 = arith.constant 0 : i32
      %add3A_109 = arith.addi %multiple_of3A, %add3A_108 : i32
      %get3A_110 = arith.index_cast %add3A_109 : i32 to index
      %get3A_111 = arith.constant 0 : index
      %get3A_112 = tpu.vector_load %arg11[%get3A_110, %get3A_111] {strides = array<i32>} : memref<256x128xf32, #tpu.memory_space<vmem>>, vector<16xf32>,
      %get3A_113 = arith.index_cast %add3A_109 : i32 to index
      %get3A_114 = arith.constant 64 : index
      %get3A_115 = tpu.vector_load %arg12[%get3A_113, %get3A_114] {strides = array<i32>} : memref<256x128xf32, #tpu.memory_space<vmem>>, vector<16xf32>,
      %mul3A_116 = arith.mulf %get3A_112, %get3A_115 : vector<16xf32>
      %get3A_117 = arith.index_cast %add3A_109 : i32 to index
      %get3A_118 = arith.constant 16 : index
      %get3A_119 = tpu.vector_load %arg11[%get3A_117, %get3A_118] {strides = array<i32>} : memref<256x128xf32, #tpu.memory_space<vmem>>, vector<16xf32>,
      %get3A_120 = arith.index_cast %add3A_109 : i32 to index
      %get3A_121 = arith.constant 80 : index
      %get3A_122 = tpu.vector_load %arg12[%get3A_120, %get3A_121] {strides = array<i32>} : memref<256x128xf32, #tpu.memory_space<vmem>>, vector<16xf32>,
      %mul3A_123 = arith.mulf %get3A_119, %get3A_122 : vector<16xf32>
      %add3A_124 = arith.addf %mul3A_116, %mul3A_123 : vector<16xf32>
      %get3A_125 = arith.index_cast %add3A_109 : i32 to index
      %get3A_126 = arith.constant 32 : index
      %get3A_127 = tpu.vector_load %arg11[%get3A_125, %get3A_126] {strides = array<i32>} : memref<256x128xf32, #tpu.memory_space<vmem>>, vector<16xf32>,
      %get3A_128 = arith.index_cast %add3A_109 : i32 to index
      %get3A_129 = arith.constant 96 : index
      %get3A_130 = tpu.vector_load %arg12[%get3A_128, %get3A_129] {strides = array<i32>} : memref<256x128xf32, #tpu.memory_space<vmem>>, vector<16xf32>,
      %mul3A_131 = arith.mulf %get3A_127, %get3A_130 : vector<16xf32>
      %add3A_132 = arith.addf %add3A_124, %mul3A_131 : vector<16xf32>
      %get3A_133 = arith.index_cast %add3A_109 : i32 to index
      %get3A_134 = arith.constant 48 : index
      %get3A_135 = tpu.vector_load %arg11[%get3A_133, %get3A_134] {strides = array<i32>} : memref<256x128xf32, #tpu.memory_space<vmem>>, vector<16xf32>,
      %get3A_136 = arith.index_cast %add3A_109 : i32 to index
      %get3A_137 = arith.constant 112 : index
      %get3A_138 = tpu.vector_load %arg12[%get3A_136, %get3A_137] {strides = array<i32>} : memref<256x128xf32, #tpu.memory_space<vmem>>, vector<16xf32>,
      %mul3A_139 = arith.mulf %get3A_135, %get3A_138 : vector<16xf32>
      %add3A_140 = arith.addf %add3A_132, %mul3A_139 : vector<16xf32>
      %reduce_sum3A = arith.constant true
      %reduce_sum3A_141 = vector.broadcast %reduce_sum3A : i1 to vector<16xi1>
      %reduce_sum3A_142 = tpu.scan <sum>, %add3A_140 masked %reduce_sum3A_141 : vector<16xf32>, vector<16xi1> -> vector<16xf32>
      %reduce_sum3A_143 = vector.extract %reduce_sum3A_142[15] : f32 from vector<16xf32>
      %broadcast_in_dim3A_144 = vector.broadcast %reduce_sum3A_143 : f32 to vector<16xf32>
      %select_n3A = arith.select %eq3A_5, %broadcast_in_dim3A_144, %broadcast_in_dim3A_107 : vector<16xi1>, vector<16xf32>
      %add3A_145 = arith.constant 1 : i32
      %add3A_146 = arith.addi %multiple_of3A, %add3A_145 : i32
      %get3A_147 = arith.index_cast %add3A_146 : i32 to index
      %get3A_148 = arith.constant 0 : index
      %get3A_149 = tpu.vector_load %arg11[%get3A_147, %get3A_148] {strides = array<i32>} : memref<256x128xf32, #tpu.memory_space<vmem>>, vector<16xf32>,
      %get3A_150 = arith.index_cast %add3A_146 : i32 to index
      %get3A_151 = arith.constant 64 : index
      %get3A_152 = tpu.vector_load %arg12[%get3A_150, %get3A_151] {strides = array<i32>} : memref<256x128xf32, #tpu.memory_space<vmem>>, vector<16xf32>,
      %mul3A_153 = arith.mulf %get3A_149, %get3A_152 : vector<16xf32>
      %get3A_154 = arith.index_cast %add3A_146 : i32 to index
      %get3A_155 = arith.constant 16 : index
      %get3A_156 = tpu.vector_load %arg11[%get3A_154, %get3A_155] {strides = array<i32>} : memref<256x128xf32, #tpu.memory_space<vmem>>, vector<16xf32>,
      %get3A_157 = arith.index_cast %add3A_146 : i32 to index
      %get3A_158 = arith.constant 80 : index
      %get3A_159 = tpu.vector_load %arg12[%get3A_157, %get3A_158] {strides = array<i32>} : memref<256x128xf32, #tpu.memory_space<vmem>>, vector<16xf32>,
      %mul3A_160 = arith.mulf %get3A_156, %get3A_159 : vector<16xf32>
      %add3A_161 = arith.addf %mul3A_153, %mul3A_160 : vector<16xf32>
      %get3A_162 = arith.index_cast %add3A_146 : i32 to index
      %get3A_163 = arith.constant 32 : index
      %get3A_164 = tpu.vector_load %arg11[%get3A_162, %get3A_163] {strides = array<i32>} : memref<256x128xf32, #tpu.memory_space<vmem>>, vector<16xf32>,
      %get3A_165 = arith.index_cast %add3A_146 : i32 to index
      %get3A_166 = arith.constant 96 : index
      %get3A_167 = tpu.vector_load %arg12[%get3A_165, %get3A_166] {strides = array<i32>} : memref<256x128xf32, #tpu.memory_space<vmem>>, vector<16xf32>,
      %mul3A_168 = arith.mulf %get3A_164, %get3A_167 : vector<16xf32>
      %add3A_169 = arith.addf %add3A_161, %mul3A_168 : vector<16xf32>
      %get3A_170 = arith.index_cast %add3A_146 : i32 to index
      %get3A_171 = arith.constant 48 : index
      %get3A_172 = tpu.vector_load %arg11[%get3A_170, %get3A_171] {strides = array<i32>} : memref<256x128xf32, #tpu.memory_space<vmem>>, vector<16xf32>,
      %get3A_173 = arith.index_cast %add3A_146 : i32 to index
      %get3A_174 = arith.constant 112 : index
      %get3A_175 = tpu.vector_load %arg12[%get3A_173, %get3A_174] {strides = array<i32>} : memref<256x128xf32, #tpu.memory_space<vmem>>, vector<16xf32>,
      %mul3A_176 = arith.mulf %get3A_172, %get3A_175 : vector<16xf32>
      %add3A_177 = arith.addf %add3A_169, %mul3A_176 : vector<16xf32>
      %reduce_sum3A_178 = arith.constant true
      %reduce_sum3A_179 = vector.broadcast %reduce_sum3A_178 : i1 to vector<16xi1>
      %reduce_sum3A_180 = tpu.scan <sum>, %add3A_177 masked %reduce_sum3A_179 : vector<16xf32>, vector<16xi1> -> vector<16xf32>
      %reduce_sum3A_181 = vector.extract %reduce_sum3A_180[15] : f32 from vector<16xf32>
      %broadcast_in_dim3A_182 = vector.broadcast %reduce_sum3A_181 : f32 to vector<16xf32>
      %select_n3A_183 = arith.select %eq3A_8, %broadcast_in_dim3A_182, %select_n3A : vector<16xi1>, vector<16xf32>
      %add3A_184 = arith.constant 2 : i32
      %add3A_185 = arith.addi %multiple_of3A, %add3A_184 : i32
      %get3A_186 = arith.index_cast %add3A_185 : i32 to index
      %get3A_187 = arith.constant 0 : index
      %get3A_188 = tpu.vector_load %arg11[%get3A_186, %get3A_187] {strides = array<i32>} : memref<256x128xf32, #tpu.memory_space<vmem>>, vector<16xf32>,
      %get3A_189 = arith.index_cast %add3A_185 : i32 to index
      %get3A_190 = arith.constant 64 : index
      %get3A_191 = tpu.vector_load %arg12[%get3A_189, %get3A_190] {strides = array<i32>} : memref<256x128xf32, #tpu.memory_space<vmem>>, vector<16xf32>,
      %mul3A_192 = arith.mulf %get3A_188, %get3A_191 : vector<16xf32>
      %get3A_193 = arith.index_cast %add3A_185 : i32 to index
      %get3A_194 = arith.constant 16 : index
      %get3A_195 = tpu.vector_load %arg11[%get3A_193, %get3A_194] {strides = array<i32>} : memref<256x128xf32, #tpu.memory_space<vmem>>, vector<16xf32>,
      %get3A_196 = arith.index_cast %add3A_185 : i32 to index
      %get3A_197 = arith.constant 80 : index
      %get3A_198 = tpu.vector_load %arg12[%get3A_196, %get3A_197] {strides = array<i32>} : memref<256x128xf32, #tpu.memory_space<vmem>>, vector<16xf32>,
      %mul3A_199 = arith.mulf %get3A_195, %get3A_198 : vector<16xf32>
      %add3A_200 = arith.addf %mul3A_192, %mul3A_199 : vector<16xf32>
      %get3A_201 = arith.index_cast %add3A_185 : i32 to index
      %get3A_202 = arith.constant 32 : index
      %get3A_203 = tpu.vector_load %arg11[%get3A_201, %get3A_202] {strides = array<i32>} : memref<256x128xf32, #tpu.memory_space<vmem>>, vector<16xf32>,
      %get3A_204 = arith.index_cast %add3A_185 : i32 to index
      %get3A_205 = arith.constant 96 : index
      %get3A_206 = tpu.vector_load %arg12[%get3A_204, %get3A_205] {strides = array<i32>} : memref<256x128xf32, #tpu.memory_space<vmem>>, vector<16xf32>,
      %mul3A_207 = arith.mulf %get3A_203, %get3A_206 : vector<16xf32>
      %add3A_208 = arith.addf %add3A_200, %mul3A_207 : vector<16xf32>
      %get3A_209 = arith.index_cast %add3A_185 : i32 to index
      %get3A_210 = arith.constant 48 : index
      %get3A_211 = tpu.vector_load %arg11[%get3A_209, %get3A_210] {strides = array<i32>} : memref<256x128xf32, #tpu.memory_space<vmem>>, vector<16xf32>,
      %get3A_212 = arith.index_cast %add3A_185 : i32 to index
      %get3A_213 = arith.constant 112 : index
      %get3A_214 = tpu.vector_load %arg12[%get3A_212, %get3A_213] {strides = array<i32>} : memref<256x128xf32, #tpu.memory_space<vmem>>, vector<16xf32>,
      %mul3A_215 = arith.mulf %get3A_211, %get3A_214 : vector<16xf32>
      %add3A_216 = arith.addf %add3A_208, %mul3A_215 : vector<16xf32>
      %reduce_sum3A_217 = arith.constant true
      %reduce_sum3A_218 = vector.broadcast %reduce_sum3A_217 : i1 to vector<16xi1>
      %reduce_sum3A_219 = tpu.scan <sum>, %add3A_216 masked %reduce_sum3A_218 : vector<16xf32>, vector<16xi1> -> vector<16xf32>
      %reduce_sum3A_220 = vector.extract %reduce_sum3A_219[15] : f32 from vector<16xf32>
      %broadcast_in_dim3A_221 = vector.broadcast %reduce_sum3A_220 : f32 to vector<16xf32>
      %select_n3A_222 = arith.select %eq3A_11, %broadcast_in_dim3A_221, %select_n3A_183 : vector<16xi1>, vector<16xf32>
      %add3A_223 = arith.constant 3 : i32
      %add3A_224 = arith.addi %multiple_of3A, %add3A_223 : i32
      %get3A_225 = arith.index_cast %add3A_224 : i32 to index
      %get3A_226 = arith.constant 0 : index
      %get3A_227 = tpu.vector_load %arg11[%get3A_225, %get3A_226] {strides = array<i32>} : memref<256x128xf32, #tpu.memory_space<vmem>>, vector<16xf32>,
      %get3A_228 = arith.index_cast %add3A_224 : i32 to index
      %get3A_229 = arith.constant 64 : index
      %get3A_230 = tpu.vector_load %arg12[%get3A_228, %get3A_229] {strides = array<i32>} : memref<256x128xf32, #tpu.memory_space<vmem>>, vector<16xf32>,
      %mul3A_231 = arith.mulf %get3A_227, %get3A_230 : vector<16xf32>
      %get3A_232 = arith.index_cast %add3A_224 : i32 to index
      %get3A_233 = arith.constant 16 : index
      %get3A_234 = tpu.vector_load %arg11[%get3A_232, %get3A_233] {strides = array<i32>} : memref<256x128xf32, #tpu.memory_space<vmem>>, vector<16xf32>,
      %get3A_235 = arith.index_cast %add3A_224 : i32 to index
      %get3A_236 = arith.constant 80 : index
      %get3A_237 = tpu.vector_load %arg12[%get3A_235, %get3A_236] {strides = array<i32>} : memref<256x128xf32, #tpu.memory_space<vmem>>, vector<16xf32>,
      %mul3A_238 = arith.mulf %get3A_234, %get3A_237 : vector<16xf32>
      %add3A_239 = arith.addf %mul3A_231, %mul3A_238 : vector<16xf32>
      %get3A_240 = arith.index_cast %add3A_224 : i32 to index
      %get3A_241 = arith.constant 32 : index
      %get3A_242 = tpu.vector_load %arg11[%get3A_240, %get3A_241] {strides = array<i32>} : memref<256x128xf32, #tpu.memory_space<vmem>>, vector<16xf32>,
      %get3A_243 = arith.index_cast %add3A_224 : i32 to index
      %get3A_244 = arith.constant 96 : index
      %get3A_245 = tpu.vector_load %arg12[%get3A_243, %get3A_244] {strides = array<i32>} : memref<256x128xf32, #tpu.memory_space<vmem>>, vector<16xf32>,
      %mul3A_246 = arith.mulf %get3A_242, %get3A_245 : vector<16xf32>
      %add3A_247 = arith.addf %add3A_239, %mul3A_246 : vector<16xf32>
      %get3A_248 = arith.index_cast %add3A_224 : i32 to index
      %get3A_249 = arith.constant 48 : index
      %get3A_250 = tpu.vector_load %arg11[%get3A_248, %get3A_249] {strides = array<i32>} : memref<256x128xf32, #tpu.memory_space<vmem>>, vector<16xf32>,
      %get3A_251 = arith.index_cast %add3A_224 : i32 to index
      %get3A_252 = arith.constant 112 : index
      %get3A_253 = tpu.vector_load %arg12[%get3A_251, %get3A_252] {strides = array<i32>} : memref<256x128xf32, #tpu.memory_space<vmem>>, vector<16xf32>,
      %mul3A_254 = arith.mulf %get3A_250, %get3A_253 : vector<16xf32>
      %add3A_255 = arith.addf %add3A_247, %mul3A_254 : vector<16xf32>
      %reduce_sum3A_256 = arith.constant true
      %reduce_sum3A_257 = vector.broadcast %reduce_sum3A_256 : i1 to vector<16xi1>
      %reduce_sum3A_258 = tpu.scan <sum>, %add3A_255 masked %reduce_sum3A_257 : vector<16xf32>, vector<16xi1> -> vector<16xf32>
      %reduce_sum3A_259 = vector.extract %reduce_sum3A_258[15] : f32 from vector<16xf32>
      %broadcast_in_dim3A_260 = vector.broadcast %reduce_sum3A_259 : f32 to vector<16xf32>
      %select_n3A_261 = arith.select %eq3A_14, %broadcast_in_dim3A_260, %select_n3A_222 : vector<16xi1>, vector<16xf32>
      %add3A_262 = arith.constant 4 : i32
      %add3A_263 = arith.addi %multiple_of3A, %add3A_262 : i32
      %get3A_264 = arith.index_cast %add3A_263 : i32 to index
      %get3A_265 = arith.constant 0 : index
      %get3A_266 = tpu.vector_load %arg11[%get3A_264, %get3A_265] {strides = array<i32>} : memref<256x128xf32, #tpu.memory_space<vmem>>, vector<16xf32>,
      %get3A_267 = arith.index_cast %add3A_263 : i32 to index
      %get3A_268 = arith.constant 64 : index
      %get3A_269 = tpu.vector_load %arg12[%get3A_267, %get3A_268] {strides = array<i32>} : memref<256x128xf32, #tpu.memory_space<vmem>>, vector<16xf32>,
      %mul3A_270 = arith.mulf %get3A_266, %get3A_269 : vector<16xf32>
      %get3A_271 = arith.index_cast %add3A_263 : i32 to index
      %get3A_272 = arith.constant 16 : index
      %get3A_273 = tpu.vector_load %arg11[%get3A_271, %get3A_272] {strides = array<i32>} : memref<256x128xf32, #tpu.memory_space<vmem>>, vector<16xf32>,
      %get3A_274 = arith.index_cast %add3A_263 : i32 to index
      %get3A_275 = arith.constant 80 : index
      %get3A_276 = tpu.vector_load %arg12[%get3A_274, %get3A_275] {strides = array<i32>} : memref<256x128xf32, #tpu.memory_space<vmem>>, vector<16xf32>,
      %mul3A_277 = arith.mulf %get3A_273, %get3A_276 : vector<16xf32>
      %add3A_278 = arith.addf %mul3A_270, %mul3A_277 : vector<16xf32>
      %get3A_279 = arith.index_cast %add3A_263 : i32 to index
      %get3A_280 = arith.constant 32 : index
      %get3A_281 = tpu.vector_load %arg11[%get3A_279, %get3A_280] {strides = array<i32>} : memref<256x128xf32, #tpu.memory_space<vmem>>, vector<16xf32>,
      %get3A_282 = arith.index_cast %add3A_263 : i32 to index
      %get3A_283 = arith.constant 96 : index
      %get3A_284 = tpu.vector_load %arg12[%get3A_282, %get3A_283] {strides = array<i32>} : memref<256x128xf32, #tpu.memory_space<vmem>>, vector<16xf32>,
      %mul3A_285 = arith.mulf %get3A_281, %get3A_284 : vector<16xf32>
      %add3A_286 = arith.addf %add3A_278, %mul3A_285 : vector<16xf32>
      %get3A_287 = arith.index_cast %add3A_263 : i32 to index
      %get3A_288 = arith.constant 48 : index
      %get3A_289 = tpu.vector_load %arg11[%get3A_287, %get3A_288] {strides = array<i32>} : memref<256x128xf32, #tpu.memory_space<vmem>>, vector<16xf32>,
      %get3A_290 = arith.index_cast %add3A_263 : i32 to index
      %get3A_291 = arith.constant 112 : index
      %get3A_292 = tpu.vector_load %arg12[%get3A_290, %get3A_291] {strides = array<i32>} : memref<256x128xf32, #tpu.memory_space<vmem>>, vector<16xf32>,
      %mul3A_293 = arith.mulf %get3A_289, %get3A_292 : vector<16xf32>
      %add3A_294 = arith.addf %add3A_286, %mul3A_293 : vector<16xf32>
      %reduce_sum3A_295 = arith.constant true
      %reduce_sum3A_296 = vector.broadcast %reduce_sum3A_295 : i1 to vector<16xi1>
      %reduce_sum3A_297 = tpu.scan <sum>, %add3A_294 masked %reduce_sum3A_296 : vector<16xf32>, vector<16xi1> -> vector<16xf32>
      %reduce_sum3A_298 = vector.extract %reduce_sum3A_297[15] : f32 from vector<16xf32>
      %broadcast_in_dim3A_299 = vector.broadcast %reduce_sum3A_298 : f32 to vector<16xf32>
      %select_n3A_300 = arith.select %eq3A_17, %broadcast_in_dim3A_299, %select_n3A_261 : vector<16xi1>, vector<16xf32>
      %add3A_301 = arith.constant 5 : i32
      %add3A_302 = arith.addi %multiple_of3A, %add3A_301 : i32
      %get3A_303 = arith.index_cast %add3A_302 : i32 to index
      %get3A_304 = arith.constant 0 : index
      %get3A_305 = tpu.vector_load %arg11[%get3A_303, %get3A_304] {strides = array<i32>} : memref<256x128xf32, #tpu.memory_space<vmem>>, vector<16xf32>,
      %get3A_306 = arith.index_cast %add3A_302 : i32 to index
      %get3A_307 = arith.constant 64 : index
      %get3A_308 = tpu.vector_load %arg12[%get3A_306, %get3A_307] {strides = array<i32>} : memref<256x128xf32, #tpu.memory_space<vmem>>, vector<16xf32>,
      %mul3A_309 = arith.mulf %get3A_305, %get3A_308 : vector<16xf32>
      %get3A_310 = arith.index_cast %add3A_302 : i32 to index
      %get3A_311 = arith.constant 16 : index
      %get3A_312 = tpu.vector_load %arg11[%get3A_310, %get3A_311] {strides = array<i32>} : memref<256x128xf32, #tpu.memory_space<vmem>>, vector<16xf32>,
      %get3A_313 = arith.index_cast %add3A_302 : i32 to index
      %get3A_314 = arith.constant 80 : index
      %get3A_315 = tpu.vector_load %arg12[%get3A_313, %get3A_314] {strides = array<i32>} : memref<256x128xf32, #tpu.memory_space<vmem>>, vector<16xf32>,
      %mul3A_316 = arith.mulf %get3A_312, %get3A_315 : vector<16xf32>
      %add3A_317 = arith.addf %mul3A_309, %mul3A_316 : vector<16xf32>
      %get3A_318 = arith.index_cast %add3A_302 : i32 to index
      %get3A_319 = arith.constant 32 : index
      %get3A_320 = tpu.vector_load %arg11[%get3A_318, %get3A_319] {strides = array<i32>} : memref<256x128xf32, #tpu.memory_space<vmem>>, vector<16xf32>,
      %get3A_321 = arith.index_cast %add3A_302 : i32 to index
      %get3A_322 = arith.constant 96 : index
      %get3A_323 = tpu.vector_load %arg12[%get3A_321, %get3A_322] {strides = array<i32>} : memref<256x128xf32, #tpu.memory_space<vmem>>, vector<16xf32>,
      %mul3A_324 = arith.mulf %get3A_320, %get3A_323 : vector<16xf32>
      %add3A_325 = arith.addf %add3A_317, %mul3A_324 : vector<16xf32>
      %get3A_326 = arith.index_cast %add3A_302 : i32 to index
      %get3A_327 = arith.constant 48 : index
      %get3A_328 = tpu.vector_load %arg11[%get3A_326, %get3A_327] {strides = array<i32>} : memref<256x128xf32, #tpu.memory_space<vmem>>, vector<16xf32>,
      %get3A_329 = arith.index_cast %add3A_302 : i32 to index
      %get3A_330 = arith.constant 112 : index
      %get3A_331 = tpu.vector_load %arg12[%get3A_329, %get3A_330] {strides = array<i32>} : memref<256x128xf32, #tpu.memory_space<vmem>>, vector<16xf32>,
      %mul3A_332 = arith.mulf %get3A_328, %get3A_331 : vector<16xf32>
      %add3A_333 = arith.addf %add3A_325, %mul3A_332 : vector<16xf32>
      %reduce_sum3A_334 = arith.constant true
      %reduce_sum3A_335 = vector.broadcast %reduce_sum3A_334 : i1 to vector<16xi1>
      %reduce_sum3A_336 = tpu.scan <sum>, %add3A_333 masked %reduce_sum3A_335 : vector<16xf32>, vector<16xi1> -> vector<16xf32>
      %reduce_sum3A_337 = vector.extract %reduce_sum3A_336[15] : f32 from vector<16xf32>
      %broadcast_in_dim3A_338 = vector.broadcast %reduce_sum3A_337 : f32 to vector<16xf32>
      %select_n3A_339 = arith.select %eq3A_20, %broadcast_in_dim3A_338, %select_n3A_300 : vector<16xi1>, vector<16xf32>
      %add3A_340 = arith.constant 6 : i32
      %add3A_341 = arith.addi %multiple_of3A, %add3A_340 : i32
      %get3A_342 = arith.index_cast %add3A_341 : i32 to index
      %get3A_343 = arith.constant 0 : index
      %get3A_344 = tpu.vector_load %arg11[%get3A_342, %get3A_343] {strides = array<i32>} : memref<256x128xf32, #tpu.memory_space<vmem>>, vector<16xf32>,
      %get3A_345 = arith.index_cast %add3A_341 : i32 to index
      %get3A_346 = arith.constant 64 : index
      %get3A_347 = tpu.vector_load %arg12[%get3A_345, %get3A_346] {strides = array<i32>} : memref<256x128xf32, #tpu.memory_space<vmem>>, vector<16xf32>,
      %mul3A_348 = arith.mulf %get3A_344, %get3A_347 : vector<16xf32>
      %get3A_349 = arith.index_cast %add3A_341 : i32 to index
      %get3A_350 = arith.constant 16 : index
      %get3A_351 = tpu.vector_load %arg11[%get3A_349, %get3A_350] {strides = array<i32>} : memref<256x128xf32, #tpu.memory_space<vmem>>, vector<16xf32>,
      %get3A_352 = arith.index_cast %add3A_341 : i32 to index
      %get3A_353 = arith.constant 80 : index
      %get3A_354 = tpu.vector_load %arg12[%get3A_352, %get3A_353] {strides = array<i32>} : memref<256x128xf32, #tpu.memory_space<vmem>>, vector<16xf32>,
      %mul3A_355 = arith.mulf %get3A_351, %get3A_354 : vector<16xf32>
      %add3A_356 = arith.addf %mul3A_348, %mul3A_355 : vector<16xf32>
      %get3A_357 = arith.index_cast %add3A_341 : i32 to index
      %get3A_358 = arith.constant 32 : index
      %get3A_359 = tpu.vector_load %arg11[%get3A_357, %get3A_358] {strides = array<i32>} : memref<256x128xf32, #tpu.memory_space<vmem>>, vector<16xf32>,
      %get3A_360 = arith.index_cast %add3A_341 : i32 to index
      %get3A_361 = arith.constant 96 : index
      %get3A_362 = tpu.vector_load %arg12[%get3A_360, %get3A_361] {strides = array<i32>} : memref<256x128xf32, #tpu.memory_space<vmem>>, vector<16xf32>,
      %mul3A_363 = arith.mulf %get3A_359, %get3A_362 : vector<16xf32>
      %add3A_364 = arith.addf %add3A_356, %mul3A_363 : vector<16xf32>
      %get3A_365 = arith.index_cast %add3A_341 : i32 to index
      %get3A_366 = arith.constant 48 : index
      %get3A_367 = tpu.vector_load %arg11[%get3A_365, %get3A_366] {strides = array<i32>} : memref<256x128xf32, #tpu.memory_space<vmem>>, vector<16xf32>,
      %get3A_368 = arith.index_cast %add3A_341 : i32 to index
      %get3A_369 = arith.constant 112 : index
      %get3A_370 = tpu.vector_load %arg12[%get3A_368, %get3A_369] {strides = array<i32>} : memref<256x128xf32, #tpu.memory_space<vmem>>, vector<16xf32>,
      %mul3A_371 = arith.mulf %get3A_367, %get3A_370 : vector<16xf32>
      %add3A_372 = arith.addf %add3A_364, %mul3A_371 : vector<16xf32>
      %reduce_sum3A_373 = arith.constant true
      %reduce_sum3A_374 = vector.broadcast %reduce_sum3A_373 : i1 to vector<16xi1>
      %reduce_sum3A_375 = tpu.scan <sum>, %add3A_372 masked %reduce_sum3A_374 : vector<16xf32>, vector<16xi1> -> vector<16xf32>
      %reduce_sum3A_376 = vector.extract %reduce_sum3A_375[15] : f32 from vector<16xf32>
      %broadcast_in_dim3A_377 = vector.broadcast %reduce_sum3A_376 : f32 to vector<16xf32>
      %select_n3A_378 = arith.select %eq3A_23, %broadcast_in_dim3A_377, %select_n3A_339 : vector<16xi1>, vector<16xf32>
      %add3A_379 = arith.constant 7 : i32
      %add3A_380 = arith.addi %multiple_of3A, %add3A_379 : i32
      %get3A_381 = arith.index_cast %add3A_380 : i32 to index
      %get3A_382 = arith.constant 0 : index
      %get3A_383 = tpu.vector_load %arg11[%get3A_381, %get3A_382] {strides = array<i32>} : memref<256x128xf32, #tpu.memory_space<vmem>>, vector<16xf32>,
      %get3A_384 = arith.index_cast %add3A_380 : i32 to index
      %get3A_385 = arith.constant 64 : index
      %get3A_386 = tpu.vector_load %arg12[%get3A_384, %get3A_385] {strides = array<i32>} : memref<256x128xf32, #tpu.memory_space<vmem>>, vector<16xf32>,
      %mul3A_387 = arith.mulf %get3A_383, %get3A_386 : vector<16xf32>
      %get3A_388 = arith.index_cast %add3A_380 : i32 to index
      %get3A_389 = arith.constant 16 : index
      %get3A_390 = tpu.vector_load %arg11[%get3A_388, %get3A_389] {strides = array<i32>} : memref<256x128xf32, #tpu.memory_space<vmem>>, vector<16xf32>,
      %get3A_391 = arith.index_cast %add3A_380 : i32 to index
      %get3A_392 = arith.constant 80 : index
      %get3A_393 = tpu.vector_load %arg12[%get3A_391, %get3A_392] {strides = array<i32>} : memref<256x128xf32, #tpu.memory_space<vmem>>, vector<16xf32>,
      %mul3A_394 = arith.mulf %get3A_390, %get3A_393 : vector<16xf32>
      %add3A_395 = arith.addf %mul3A_387, %mul3A_394 : vector<16xf32>
      %get3A_396 = arith.index_cast %add3A_380 : i32 to index
      %get3A_397 = arith.constant 32 : index
      %get3A_398 = tpu.vector_load %arg11[%get3A_396, %get3A_397] {strides = array<i32>} : memref<256x128xf32, #tpu.memory_space<vmem>>, vector<16xf32>,
      %get3A_399 = arith.index_cast %add3A_380 : i32 to index
      %get3A_400 = arith.constant 96 : index
      %get3A_401 = tpu.vector_load %arg12[%get3A_399, %get3A_400] {strides = array<i32>} : memref<256x128xf32, #tpu.memory_space<vmem>>, vector<16xf32>,
      %mul3A_402 = arith.mulf %get3A_398, %get3A_401 : vector<16xf32>
      %add3A_403 = arith.addf %add3A_395, %mul3A_402 : vector<16xf32>
      %get3A_404 = arith.index_cast %add3A_380 : i32 to index
      %get3A_405 = arith.constant 48 : index
      %get3A_406 = tpu.vector_load %arg11[%get3A_404, %get3A_405] {strides = array<i32>} : memref<256x128xf32, #tpu.memory_space<vmem>>, vector<16xf32>,
      %get3A_407 = arith.index_cast %add3A_380 : i32 to index
      %get3A_408 = arith.constant 112 : index
      %get3A_409 = tpu.vector_load %arg12[%get3A_407, %get3A_408] {strides = array<i32>} : memref<256x128xf32, #tpu.memory_space<vmem>>, vector<16xf32>,
      %mul3A_410 = arith.mulf %get3A_406, %get3A_409 : vector<16xf32>
      %add3A_411 = arith.addf %add3A_403, %mul3A_410 : vector<16xf32>
      %reduce_sum3A_412 = arith.constant true
      %reduce_sum3A_413 = vector.broadcast %reduce_sum3A_412 : i1 to vector<16xi1>
      %reduce_sum3A_414 = tpu.scan <sum>, %add3A_411 masked %reduce_sum3A_413 : vector<16xf32>, vector<16xi1> -> vector<16xf32>
      %reduce_sum3A_415 = vector.extract %reduce_sum3A_414[15] : f32 from vector<16xf32>
      %broadcast_in_dim3A_416 = vector.broadcast %reduce_sum3A_415 : f32 to vector<16xf32>
      %select_n3A_417 = arith.select %eq3A_26, %broadcast_in_dim3A_416, %select_n3A_378 : vector<16xi1>, vector<16xf32>
      %add3A_418 = arith.constant 8 : i32
      %add3A_419 = arith.addi %multiple_of3A, %add3A_418 : i32
      %get3A_420 = arith.index_cast %add3A_419 : i32 to index
      %get3A_421 = arith.constant 0 : index
      %get3A_422 = tpu.vector_load %arg11[%get3A_420, %get3A_421] {strides = array<i32>} : memref<256x128xf32, #tpu.memory_space<vmem>>, vector<16xf32>,
      %get3A_423 = arith.index_cast %add3A_419 : i32 to index
      %get3A_424 = arith.constant 64 : index
      %get3A_425 = tpu.vector_load %arg12[%get3A_423, %get3A_424] {strides = array<i32>} : memref<256x128xf32, #tpu.memory_space<vmem>>, vector<16xf32>,
      %mul3A_426 = arith.mulf %get3A_422, %get3A_425 : vector<16xf32>
      %get3A_427 = arith.index_cast %add3A_419 : i32 to index
      %get3A_428 = arith.constant 16 : index
      %get3A_429 = tpu.vector_load %arg11[%get3A_427, %get3A_428] {strides = array<i32>} : memref<256x128xf32, #tpu.memory_space<vmem>>, vector<16xf32>,
      %get3A_430 = arith.index_cast %add3A_419 : i32 to index
      %get3A_431 = arith.constant 80 : index
      %get3A_432 = tpu.vector_load %arg12[%get3A_430, %get3A_431] {strides = array<i32>} : memref<256x128xf32, #tpu.memory_space<vmem>>, vector<16xf32>,
      %mul3A_433 = arith.mulf %get3A_429, %get3A_432 : vector<16xf32>
      %add3A_434 = arith.addf %mul3A_426, %mul3A_433 : vector<16xf32>
      %get3A_435 = arith.index_cast %add3A_419 : i32 to index
      %get3A_436 = arith.constant 32 : index
      %get3A_437 = tpu.vector_load %arg11[%get3A_435, %get3A_436] {strides = array<i32>} : memref<256x128xf32, #tpu.memory_space<vmem>>, vector<16xf32>,
      %get3A_438 = arith.index_cast %add3A_419 : i32 to index
      %get3A_439 = arith.constant 96 : index
      %get3A_440 = tpu.vector_load %arg12[%get3A_438, %get3A_439] {strides = array<i32>} : memref<256x128xf32, #tpu.memory_space<vmem>>, vector<16xf32>,
      %mul3A_441 = arith.mulf %get3A_437, %get3A_440 : vector<16xf32>
      %add3A_442 = arith.addf %add3A_434, %mul3A_441 : vector<16xf32>
      %get3A_443 = arith.index_cast %add3A_419 : i32 to index
      %get3A_444 = arith.constant 48 : index
      %get3A_445 = tpu.vector_load %arg11[%get3A_443, %get3A_444] {strides = array<i32>} : memref<256x128xf32, #tpu.memory_space<vmem>>, vector<16xf32>,
      %get3A_446 = arith.index_cast %add3A_419 : i32 to index
      %get3A_447 = arith.constant 112 : index
      %get3A_448 = tpu.vector_load %arg12[%get3A_446, %get3A_447] {strides = array<i32>} : memref<256x128xf32, #tpu.memory_space<vmem>>, vector<16xf32>,
      %mul3A_449 = arith.mulf %get3A_445, %get3A_448 : vector<16xf32>
      %add3A_450 = arith.addf %add3A_442, %mul3A_449 : vector<16xf32>
      %reduce_sum3A_451 = arith.constant true
      %reduce_sum3A_452 = vector.broadcast %reduce_sum3A_451 : i1 to vector<16xi1>
      %reduce_sum3A_453 = tpu.scan <sum>, %add3A_450 masked %reduce_sum3A_452 : vector<16xf32>, vector<16xi1> -> vector<16xf32>
      %reduce_sum3A_454 = vector.extract %reduce_sum3A_453[15] : f32 from vector<16xf32>
      %broadcast_in_dim3A_455 = vector.broadcast %reduce_sum3A_454 : f32 to vector<16xf32>
      %select_n3A_456 = arith.select %eq3A_29, %broadcast_in_dim3A_455, %select_n3A_417 : vector<16xi1>, vector<16xf32>
      %add3A_457 = arith.constant 9 : i32
      %add3A_458 = arith.addi %multiple_of3A, %add3A_457 : i32
      %get3A_459 = arith.index_cast %add3A_458 : i32 to index
      %get3A_460 = arith.constant 0 : index
      %get3A_461 = tpu.vector_load %arg11[%get3A_459, %get3A_460] {strides = array<i32>} : memref<256x128xf32, #tpu.memory_space<vmem>>, vector<16xf32>,
      %get3A_462 = arith.index_cast %add3A_458 : i32 to index
      %get3A_463 = arith.constant 64 : index
      %get3A_464 = tpu.vector_load %arg12[%get3A_462, %get3A_463] {strides = array<i32>} : memref<256x128xf32, #tpu.memory_space<vmem>>, vector<16xf32>,
      %mul3A_465 = arith.mulf %get3A_461, %get3A_464 : vector<16xf32>
      %get3A_466 = arith.index_cast %add3A_458 : i32 to index
      %get3A_467 = arith.constant 16 : index
      %get3A_468 = tpu.vector_load %arg11[%get3A_466, %get3A_467] {strides = array<i32>} : memref<256x128xf32, #tpu.memory_space<vmem>>, vector<16xf32>,
      %get3A_469 = arith.index_cast %add3A_458 : i32 to index
      %get3A_470 = arith.constant 80 : index
      %get3A_471 = tpu.vector_load %arg12[%get3A_469, %get3A_470] {strides = array<i32>} : memref<256x128xf32, #tpu.memory_space<vmem>>, vector<16xf32>,
      %mul3A_472 = arith.mulf %get3A_468, %get3A_471 : vector<16xf32>
      %add3A_473 = arith.addf %mul3A_465, %mul3A_472 : vector<16xf32>
      %get3A_474 = arith.index_cast %add3A_458 : i32 to index
      %get3A_475 = arith.constant 32 : index
      %get3A_476 = tpu.vector_load %arg11[%get3A_474, %get3A_475] {strides = array<i32>} : memref<256x128xf32, #tpu.memory_space<vmem>>, vector<16xf32>,
      %get3A_477 = arith.index_cast %add3A_458 : i32 to index
      %get3A_478 = arith.constant 96 : index
      %get3A_479 = tpu.vector_load %arg12[%get3A_477, %get3A_478] {strides = array<i32>} : memref<256x128xf32, #tpu.memory_space<vmem>>, vector<16xf32>,
      %mul3A_480 = arith.mulf %get3A_476, %get3A_479 : vector<16xf32>
      %add3A_481 = arith.addf %add3A_473, %mul3A_480 : vector<16xf32>
      %get3A_482 = arith.index_cast %add3A_458 : i32 to index
      %get3A_483 = arith.constant 48 : index
      %get3A_484 = tpu.vector_load %arg11[%get3A_482, %get3A_483] {strides = array<i32>} : memref<256x128xf32, #tpu.memory_space<vmem>>, vector<16xf32>,
      %get3A_485 = arith.index_cast %add3A_458 : i32 to index
      %get3A_486 = arith.constant 112 : index
      %get3A_487 = tpu.vector_load %arg12[%get3A_485, %get3A_486] {strides = array<i32>} : memref<256x128xf32, #tpu.memory_space<vmem>>, vector<16xf32>,
      %mul3A_488 = arith.mulf %get3A_484, %get3A_487 : vector<16xf32>
      %add3A_489 = arith.addf %add3A_481, %mul3A_488 : vector<16xf32>
      %reduce_sum3A_490 = arith.constant true
      %reduce_sum3A_491 = vector.broadcast %reduce_sum3A_490 : i1 to vector<16xi1>
      %reduce_sum3A_492 = tpu.scan <sum>, %add3A_489 masked %reduce_sum3A_491 : vector<16xf32>, vector<16xi1> -> vector<16xf32>
      %reduce_sum3A_493 = vector.extract %reduce_sum3A_492[15] : f32 from vector<16xf32>
      %broadcast_in_dim3A_494 = vector.broadcast %reduce_sum3A_493 : f32 to vector<16xf32>
      %select_n3A_495 = arith.select %eq3A_32, %broadcast_in_dim3A_494, %select_n3A_456 : vector<16xi1>, vector<16xf32>
      %add3A_496 = arith.constant 10 : i32
      %add3A_497 = arith.addi %multiple_of3A, %add3A_496 : i32
      %get3A_498 = arith.index_cast %add3A_497 : i32 to index
      %get3A_499 = arith.constant 0 : index
      %get3A_500 = tpu.vector_load %arg11[%get3A_498, %get3A_499] {strides = array<i32>} : memref<256x128xf32, #tpu.memory_space<vmem>>, vector<16xf32>,
      %get3A_501 = arith.index_cast %add3A_497 : i32 to index
      %get3A_502 = arith.constant 64 : index
      %get3A_503 = tpu.vector_load %arg12[%get3A_501, %get3A_502] {strides = array<i32>} : memref<256x128xf32, #tpu.memory_space<vmem>>, vector<16xf32>,
      %mul3A_504 = arith.mulf %get3A_500, %get3A_503 : vector<16xf32>
      %get3A_505 = arith.index_cast %add3A_497 : i32 to index
      %get3A_506 = arith.constant 16 : index
      %get3A_507 = tpu.vector_load %arg11[%get3A_505, %get3A_506] {strides = array<i32>} : memref<256x128xf32, #tpu.memory_space<vmem>>, vector<16xf32>,
      %get3A_508 = arith.index_cast %add3A_497 : i32 to index
      %get3A_509 = arith.constant 80 : index
      %get3A_510 = tpu.vector_load %arg12[%get3A_508, %get3A_509] {strides = array<i32>} : memref<256x128xf32, #tpu.memory_space<vmem>>, vector<16xf32>,
      %mul3A_511 = arith.mulf %get3A_507, %get3A_510 : vector<16xf32>
      %add3A_512 = arith.addf %mul3A_504, %mul3A_511 : vector<16xf32>
      %get3A_513 = arith.index_cast %add3A_497 : i32 to index
      %get3A_514 = arith.constant 32 : index
      %get3A_515 = tpu.vector_load %arg11[%get3A_513, %get3A_514] {strides = array<i32>} : memref<256x128xf32, #tpu.memory_space<vmem>>, vector<16xf32>,
      %get3A_516 = arith.index_cast %add3A_497 : i32 to index
      %get3A_517 = arith.constant 96 : index
      %get3A_518 = tpu.vector_load %arg12[%get3A_516, %get3A_517] {strides = array<i32>} : memref<256x128xf32, #tpu.memory_space<vmem>>, vector<16xf32>,
      %mul3A_519 = arith.mulf %get3A_515, %get3A_518 : vector<16xf32>
      %add3A_520 = arith.addf %add3A_512, %mul3A_519 : vector<16xf32>
      %get3A_521 = arith.index_cast %add3A_497 : i32 to index
      %get3A_522 = arith.constant 48 : index
      %get3A_523 = tpu.vector_load %arg11[%get3A_521, %get3A_522] {strides = array<i32>} : memref<256x128xf32, #tpu.memory_space<vmem>>, vector<16xf32>,
      %get3A_524 = arith.index_cast %add3A_497 : i32 to index
      %get3A_525 = arith.constant 112 : index
      %get3A_526 = tpu.vector_load %arg12[%get3A_524, %get3A_525] {strides = array<i32>} : memref<256x128xf32, #tpu.memory_space<vmem>>, vector<16xf32>,
      %mul3A_527 = arith.mulf %get3A_523, %get3A_526 : vector<16xf32>
      %add3A_528 = arith.addf %add3A_520, %mul3A_527 : vector<16xf32>
      %reduce_sum3A_529 = arith.constant true
      %reduce_sum3A_530 = vector.broadcast %reduce_sum3A_529 : i1 to vector<16xi1>
      %reduce_sum3A_531 = tpu.scan <sum>, %add3A_528 masked %reduce_sum3A_530 : vector<16xf32>, vector<16xi1> -> vector<16xf32>
      %reduce_sum3A_532 = vector.extract %reduce_sum3A_531[15] : f32 from vector<16xf32>
      %broadcast_in_dim3A_533 = vector.broadcast %reduce_sum3A_532 : f32 to vector<16xf32>
      %select_n3A_534 = arith.select %eq3A_35, %broadcast_in_dim3A_533, %select_n3A_495 : vector<16xi1>, vector<16xf32>
      %add3A_535 = arith.constant 11 : i32
      %add3A_536 = arith.addi %multiple_of3A, %add3A_535 : i32
      %get3A_537 = arith.index_cast %add3A_536 : i32 to index
      %get3A_538 = arith.constant 0 : index
      %get3A_539 = tpu.vector_load %arg11[%get3A_537, %get3A_538] {strides = array<i32>} : memref<256x128xf32, #tpu.memory_space<vmem>>, vector<16xf32>,
      %get3A_540 = arith.index_cast %add3A_536 : i32 to index
      %get3A_541 = arith.constant 64 : index
      %get3A_542 = tpu.vector_load %arg12[%get3A_540, %get3A_541] {strides = array<i32>} : memref<256x128xf32, #tpu.memory_space<vmem>>, vector<16xf32>,
      %mul3A_543 = arith.mulf %get3A_539, %get3A_542 : vector<16xf32>
      %get3A_544 = arith.index_cast %add3A_536 : i32 to index
      %get3A_545 = arith.constant 16 : index
      %get3A_546 = tpu.vector_load %arg11[%get3A_544, %get3A_545] {strides = array<i32>} : memref<256x128xf32, #tpu.memory_space<vmem>>, vector<16xf32>,
      %get3A_547 = arith.index_cast %add3A_536 : i32 to index
      %get3A_548 = arith.constant 80 : index
      %get3A_549 = tpu.vector_load %arg12[%get3A_547, %get3A_548] {strides = array<i32>} : memref<256x128xf32, #tpu.memory_space<vmem>>, vector<16xf32>,
      %mul3A_550 = arith.mulf %get3A_546, %get3A_549 : vector<16xf32>
      %add3A_551 = arith.addf %mul3A_543, %mul3A_550 : vector<16xf32>
      %get3A_552 = arith.index_cast %add3A_536 : i32 to index
      %get3A_553 = arith.constant 32 : index
      %get3A_554 = tpu.vector_load %arg11[%get3A_552, %get3A_553] {strides = array<i32>} : memref<256x128xf32, #tpu.memory_space<vmem>>, vector<16xf32>,
      %get3A_555 = arith.index_cast %add3A_536 : i32 to index
      %get3A_556 = arith.constant 96 : index
      %get3A_557 = tpu.vector_load %arg12[%get3A_555, %get3A_556] {strides = array<i32>} : memref<256x128xf32, #tpu.memory_space<vmem>>, vector<16xf32>,
      %mul3A_558 = arith.mulf %get3A_554, %get3A_557 : vector<16xf32>
      %add3A_559 = arith.addf %add3A_551, %mul3A_558 : vector<16xf32>
      %get3A_560 = arith.index_cast %add3A_536 : i32 to index
      %get3A_561 = arith.constant 48 : index
      %get3A_562 = tpu.vector_load %arg11[%get3A_560, %get3A_561] {strides = array<i32>} : memref<256x128xf32, #tpu.memory_space<vmem>>, vector<16xf32>,
      %get3A_563 = arith.index_cast %add3A_536 : i32 to index
      %get3A_564 = arith.constant 112 : index
      %get3A_565 = tpu.vector_load %arg12[%get3A_563, %get3A_564] {strides = array<i32>} : memref<256x128xf32, #tpu.memory_space<vmem>>, vector<16xf32>,
      %mul3A_566 = arith.mulf %get3A_562, %get3A_565 : vector<16xf32>
      %add3A_567 = arith.addf %add3A_559, %mul3A_566 : vector<16xf32>
      %reduce_sum3A_568 = arith.constant true
      %reduce_sum3A_569 = vector.broadcast %reduce_sum3A_568 : i1 to vector<16xi1>
      %reduce_sum3A_570 = tpu.scan <sum>, %add3A_567 masked %reduce_sum3A_569 : vector<16xf32>, vector<16xi1> -> vector<16xf32>
      %reduce_sum3A_571 = vector.extract %reduce_sum3A_570[15] : f32 from vector<16xf32>
      %broadcast_in_dim3A_572 = vector.broadcast %reduce_sum3A_571 : f32 to vector<16xf32>
      %select_n3A_573 = arith.select %eq3A_38, %broadcast_in_dim3A_572, %select_n3A_534 : vector<16xi1>, vector<16xf32>
      %add3A_574 = arith.constant 12 : i32
      %add3A_575 = arith.addi %multiple_of3A, %add3A_574 : i32
      %get3A_576 = arith.index_cast %add3A_575 : i32 to index
      %get3A_577 = arith.constant 0 : index
      %get3A_578 = tpu.vector_load %arg11[%get3A_576, %get3A_577] {strides = array<i32>} : memref<256x128xf32, #tpu.memory_space<vmem>>, vector<16xf32>,
      %get3A_579 = arith.index_cast %add3A_575 : i32 to index
      %get3A_580 = arith.constant 64 : index
      %get3A_581 = tpu.vector_load %arg12[%get3A_579, %get3A_580] {strides = array<i32>} : memref<256x128xf32, #tpu.memory_space<vmem>>, vector<16xf32>,
      %mul3A_582 = arith.mulf %get3A_578, %get3A_581 : vector<16xf32>
      %get3A_583 = arith.index_cast %add3A_575 : i32 to index
      %get3A_584 = arith.constant 16 : index
      %get3A_585 = tpu.vector_load %arg11[%get3A_583, %get3A_584] {strides = array<i32>} : memref<256x128xf32, #tpu.memory_space<vmem>>, vector<16xf32>,
      %get3A_586 = arith.index_cast %add3A_575 : i32 to index
      %get3A_587 = arith.constant 80 : index
      %get3A_588 = tpu.vector_load %arg12[%get3A_586, %get3A_587] {strides = array<i32>} : memref<256x128xf32, #tpu.memory_space<vmem>>, vector<16xf32>,
      %mul3A_589 = arith.mulf %get3A_585, %get3A_588 : vector<16xf32>
      %add3A_590 = arith.addf %mul3A_582, %mul3A_589 : vector<16xf32>
      %get3A_591 = arith.index_cast %add3A_575 : i32 to index
      %get3A_592 = arith.constant 32 : index
      %get3A_593 = tpu.vector_load %arg11[%get3A_591, %get3A_592] {strides = array<i32>} : memref<256x128xf32, #tpu.memory_space<vmem>>, vector<16xf32>,
      %get3A_594 = arith.index_cast %add3A_575 : i32 to index
      %get3A_595 = arith.constant 96 : index
      %get3A_596 = tpu.vector_load %arg12[%get3A_594, %get3A_595] {strides = array<i32>} : memref<256x128xf32, #tpu.memory_space<vmem>>, vector<16xf32>,
      %mul3A_597 = arith.mulf %get3A_593, %get3A_596 : vector<16xf32>
      %add3A_598 = arith.addf %add3A_590, %mul3A_597 : vector<16xf32>
      %get3A_599 = arith.index_cast %add3A_575 : i32 to index
      %get3A_600 = arith.constant 48 : index
      %get3A_601 = tpu.vector_load %arg11[%get3A_599, %get3A_600] {strides = array<i32>} : memref<256x128xf32, #tpu.memory_space<vmem>>, vector<16xf32>,
      %get3A_602 = arith.index_cast %add3A_575 : i32 to index
      %get3A_603 = arith.constant 112 : index
      %get3A_604 = tpu.vector_load %arg12[%get3A_602, %get3A_603] {strides = array<i32>} : memref<256x128xf32, #tpu.memory_space<vmem>>, vector<16xf32>,
      %mul3A_605 = arith.mulf %get3A_601, %get3A_604 : vector<16xf32>
      %add3A_606 = arith.addf %add3A_598, %mul3A_605 : vector<16xf32>
      %reduce_sum3A_607 = arith.constant true
      %reduce_sum3A_608 = vector.broadcast %reduce_sum3A_607 : i1 to vector<16xi1>
      %reduce_sum3A_609 = tpu.scan <sum>, %add3A_606 masked %reduce_sum3A_608 : vector<16xf32>, vector<16xi1> -> vector<16xf32>
      %reduce_sum3A_610 = vector.extract %reduce_sum3A_609[15] : f32 from vector<16xf32>
      %broadcast_in_dim3A_611 = vector.broadcast %reduce_sum3A_610 : f32 to vector<16xf32>
      %select_n3A_612 = arith.select %eq3A_41, %broadcast_in_dim3A_611, %select_n3A_573 : vector<16xi1>, vector<16xf32>
      %add3A_613 = arith.constant 13 : i32
      %add3A_614 = arith.addi %multiple_of3A, %add3A_613 : i32
      %get3A_615 = arith.index_cast %add3A_614 : i32 to index
      %get3A_616 = arith.constant 0 : index
      %get3A_617 = tpu.vector_load %arg11[%get3A_615, %get3A_616] {strides = array<i32>} : memref<256x128xf32, #tpu.memory_space<vmem>>, vector<16xf32>,
      %get3A_618 = arith.index_cast %add3A_614 : i32 to index
      %get3A_619 = arith.constant 64 : index
      %get3A_620 = tpu.vector_load %arg12[%get3A_618, %get3A_619] {strides = array<i32>} : memref<256x128xf32, #tpu.memory_space<vmem>>, vector<16xf32>,
      %mul3A_621 = arith.mulf %get3A_617, %get3A_620 : vector<16xf32>
      %get3A_622 = arith.index_cast %add3A_614 : i32 to index
      %get3A_623 = arith.constant 16 : index
      %get3A_624 = tpu.vector_load %arg11[%get3A_622, %get3A_623] {strides = array<i32>} : memref<256x128xf32, #tpu.memory_space<vmem>>, vector<16xf32>,
      %get3A_625 = arith.index_cast %add3A_614 : i32 to index
      %get3A_626 = arith.constant 80 : index
      %get3A_627 = tpu.vector_load %arg12[%get3A_625, %get3A_626] {strides = array<i32>} : memref<256x128xf32, #tpu.memory_space<vmem>>, vector<16xf32>,
      %mul3A_628 = arith.mulf %get3A_624, %get3A_627 : vector<16xf32>
      %add3A_629 = arith.addf %mul3A_621, %mul3A_628 : vector<16xf32>
      %get3A_630 = arith.index_cast %add3A_614 : i32 to index
      %get3A_631 = arith.constant 32 : index
      %get3A_632 = tpu.vector_load %arg11[%get3A_630, %get3A_631] {strides = array<i32>} : memref<256x128xf32, #tpu.memory_space<vmem>>, vector<16xf32>,
      %get3A_633 = arith.index_cast %add3A_614 : i32 to index
      %get3A_634 = arith.constant 96 : index
      %get3A_635 = tpu.vector_load %arg12[%get3A_633, %get3A_634] {strides = array<i32>} : memref<256x128xf32, #tpu.memory_space<vmem>>, vector<16xf32>,
      %mul3A_636 = arith.mulf %get3A_632, %get3A_635 : vector<16xf32>
      %add3A_637 = arith.addf %add3A_629, %mul3A_636 : vector<16xf32>
      %get3A_638 = arith.index_cast %add3A_614 : i32 to index
      %get3A_639 = arith.constant 48 : index
      %get3A_640 = tpu.vector_load %arg11[%get3A_638, %get3A_639] {strides = array<i32>} : memref<256x128xf32, #tpu.memory_space<vmem>>, vector<16xf32>,
      %get3A_641 = arith.index_cast %add3A_614 : i32 to index
      %get3A_642 = arith.constant 112 : index
      %get3A_643 = tpu.vector_load %arg12[%get3A_641, %get3A_642] {strides = array<i32>} : memref<256x128xf32, #tpu.memory_space<vmem>>, vector<16xf32>,
      %mul3A_644 = arith.mulf %get3A_640, %get3A_643 : vector<16xf32>
      %add3A_645 = arith.addf %add3A_637, %mul3A_644 : vector<16xf32>
      %reduce_sum3A_646 = arith.constant true
      %reduce_sum3A_647 = vector.broadcast %reduce_sum3A_646 : i1 to vector<16xi1>
      %reduce_sum3A_648 = tpu.scan <sum>, %add3A_645 masked %reduce_sum3A_647 : vector<16xf32>, vector<16xi1> -> vector<16xf32>
      %reduce_sum3A_649 = vector.extract %reduce_sum3A_648[15] : f32 from vector<16xf32>
      %broadcast_in_dim3A_650 = vector.broadcast %reduce_sum3A_649 : f32 to vector<16xf32>
      %select_n3A_651 = arith.select %eq3A_44, %broadcast_in_dim3A_650, %select_n3A_612 : vector<16xi1>, vector<16xf32>
      %add3A_652 = arith.constant 14 : i32
      %add3A_653 = arith.addi %multiple_of3A, %add3A_652 : i32
      %get3A_654 = arith.index_cast %add3A_653 : i32 to index
      %get3A_655 = arith.constant 0 : index
      %get3A_656 = tpu.vector_load %arg11[%get3A_654, %get3A_655] {strides = array<i32>} : memref<256x128xf32, #tpu.memory_space<vmem>>, vector<16xf32>,
      %get3A_657 = arith.index_cast %add3A_653 : i32 to index
      %get3A_658 = arith.constant 64 : index
      %get3A_659 = tpu.vector_load %arg12[%get3A_657, %get3A_658] {strides = array<i32>} : memref<256x128xf32, #tpu.memory_space<vmem>>, vector<16xf32>,
      %mul3A_660 = arith.mulf %get3A_656, %get3A_659 : vector<16xf32>
      %get3A_661 = arith.index_cast %add3A_653 : i32 to index
      %get3A_662 = arith.constant 16 : index
      %get3A_663 = tpu.vector_load %arg11[%get3A_661, %get3A_662] {strides = array<i32>} : memref<256x128xf32, #tpu.memory_space<vmem>>, vector<16xf32>,
      %get3A_664 = arith.index_cast %add3A_653 : i32 to index
      %get3A_665 = arith.constant 80 : index
      %get3A_666 = tpu.vector_load %arg12[%get3A_664, %get3A_665] {strides = array<i32>} : memref<256x128xf32, #tpu.memory_space<vmem>>, vector<16xf32>,
      %mul3A_667 = arith.mulf %get3A_663, %get3A_666 : vector<16xf32>
      %add3A_668 = arith.addf %mul3A_660, %mul3A_667 : vector<16xf32>
      %get3A_669 = arith.index_cast %add3A_653 : i32 to index
      %get3A_670 = arith.constant 32 : index
      %get3A_671 = tpu.vector_load %arg11[%get3A_669, %get3A_670] {strides = array<i32>} : memref<256x128xf32, #tpu.memory_space<vmem>>, vector<16xf32>,
      %get3A_672 = arith.index_cast %add3A_653 : i32 to index
      %get3A_673 = arith.constant 96 : index
      %get3A_674 = tpu.vector_load %arg12[%get3A_672, %get3A_673] {strides = array<i32>} : memref<256x128xf32, #tpu.memory_space<vmem>>, vector<16xf32>,
      %mul3A_675 = arith.mulf %get3A_671, %get3A_674 : vector<16xf32>
      %add3A_676 = arith.addf %add3A_668, %mul3A_675 : vector<16xf32>
      %get3A_677 = arith.index_cast %add3A_653 : i32 to index
      %get3A_678 = arith.constant 48 : index
      %get3A_679 = tpu.vector_load %arg11[%get3A_677, %get3A_678] {strides = array<i32>} : memref<256x128xf32, #tpu.memory_space<vmem>>, vector<16xf32>,
      %get3A_680 = arith.index_cast %add3A_653 : i32 to index
      %get3A_681 = arith.constant 112 : index
      %get3A_682 = tpu.vector_load %arg12[%get3A_680, %get3A_681] {strides = array<i32>} : memref<256x128xf32, #tpu.memory_space<vmem>>, vector<16xf32>,
      %mul3A_683 = arith.mulf %get3A_679, %get3A_682 : vector<16xf32>
      %add3A_684 = arith.addf %add3A_676, %mul3A_683 : vector<16xf32>
      %reduce_sum3A_685 = arith.constant true
      %reduce_sum3A_686 = vector.broadcast %reduce_sum3A_685 : i1 to vector<16xi1>
      %reduce_sum3A_687 = tpu.scan <sum>, %add3A_684 masked %reduce_sum3A_686 : vector<16xf32>, vector<16xi1> -> vector<16xf32>
      %reduce_sum3A_688 = vector.extract %reduce_sum3A_687[15] : f32 from vector<16xf32>
      %broadcast_in_dim3A_689 = vector.broadcast %reduce_sum3A_688 : f32 to vector<16xf32>
      %select_n3A_690 = arith.select %eq3A_47, %broadcast_in_dim3A_689, %select_n3A_651 : vector<16xi1>, vector<16xf32>
      %add3A_691 = arith.constant 15 : i32
      %add3A_692 = arith.addi %multiple_of3A, %add3A_691 : i32
      %get3A_693 = arith.index_cast %add3A_692 : i32 to index
      %get3A_694 = arith.constant 0 : index
      %get3A_695 = tpu.vector_load %arg11[%get3A_693, %get3A_694] {strides = array<i32>} : memref<256x128xf32, #tpu.memory_space<vmem>>, vector<16xf32>,
      %get3A_696 = arith.index_cast %add3A_692 : i32 to index
      %get3A_697 = arith.constant 64 : index
      %get3A_698 = tpu.vector_load %arg12[%get3A_696, %get3A_697] {strides = array<i32>} : memref<256x128xf32, #tpu.memory_space<vmem>>, vector<16xf32>,
      %mul3A_699 = arith.mulf %get3A_695, %get3A_698 : vector<16xf32>
      %get3A_700 = arith.index_cast %add3A_692 : i32 to index
      %get3A_701 = arith.constant 16 : index
      %get3A_702 = tpu.vector_load %arg11[%get3A_700, %get3A_701] {strides = array<i32>} : memref<256x128xf32, #tpu.memory_space<vmem>>, vector<16xf32>,
      %get3A_703 = arith.index_cast %add3A_692 : i32 to index
      %get3A_704 = arith.constant 80 : index
      %get3A_705 = tpu.vector_load %arg12[%get3A_703, %get3A_704] {strides = array<i32>} : memref<256x128xf32, #tpu.memory_space<vmem>>, vector<16xf32>,
      %mul3A_706 = arith.mulf %get3A_702, %get3A_705 : vector<16xf32>
      %add3A_707 = arith.addf %mul3A_699, %mul3A_706 : vector<16xf32>
      %get3A_708 = arith.index_cast %add3A_692 : i32 to index
      %get3A_709 = arith.constant 32 : index
      %get3A_710 = tpu.vector_load %arg11[%get3A_708, %get3A_709] {strides = array<i32>} : memref<256x128xf32, #tpu.memory_space<vmem>>, vector<16xf32>,
      %get3A_711 = arith.index_cast %add3A_692 : i32 to index
      %get3A_712 = arith.constant 96 : index
      %get3A_713 = tpu.vector_load %arg12[%get3A_711, %get3A_712] {strides = array<i32>} : memref<256x128xf32, #tpu.memory_space<vmem>>, vector<16xf32>,
      %mul3A_714 = arith.mulf %get3A_710, %get3A_713 : vector<16xf32>
      %add3A_715 = arith.addf %add3A_707, %mul3A_714 : vector<16xf32>
      %get3A_716 = arith.index_cast %add3A_692 : i32 to index
      %get3A_717 = arith.constant 48 : index
      %get3A_718 = tpu.vector_load %arg11[%get3A_716, %get3A_717] {strides = array<i32>} : memref<256x128xf32, #tpu.memory_space<vmem>>, vector<16xf32>,
      %get3A_719 = arith.index_cast %add3A_692 : i32 to index
      %get3A_720 = arith.constant 112 : index
      %get3A_721 = tpu.vector_load %arg12[%get3A_719, %get3A_720] {strides = array<i32>} : memref<256x128xf32, #tpu.memory_space<vmem>>, vector<16xf32>,
      %mul3A_722 = arith.mulf %get3A_718, %get3A_721 : vector<16xf32>
      %add3A_723 = arith.addf %add3A_715, %mul3A_722 : vector<16xf32>
      %reduce_sum3A_724 = arith.constant true
      %reduce_sum3A_725 = vector.broadcast %reduce_sum3A_724 : i1 to vector<16xi1>
      %reduce_sum3A_726 = tpu.scan <sum>, %add3A_723 masked %reduce_sum3A_725 : vector<16xf32>, vector<16xi1> -> vector<16xf32>
      %reduce_sum3A_727 = vector.extract %reduce_sum3A_726[15] : f32 from vector<16xf32>
      %broadcast_in_dim3A_728 = vector.broadcast %reduce_sum3A_727 : f32 to vector<16xf32>
      %select_n3A_729 = arith.select %eq3A_50, %broadcast_in_dim3A_728, %select_n3A_690 : vector<16xi1>, vector<16xf32>
      %get3A_730 = arith.index_cast %multiple_of3A : i32 to index
      %get3A_731 = tpu.vector_load %arg13[%get3A_730] {strides = array<i32>} : memref<256xf32, #tpu.memory_space<vmem>>, vector<16xf32>,
      %add3A_732 = arith.addf %get3A_3, %get3A_731 : vector<16xf32>
      %get3A_733 = arith.index_cast %multiple_of3A : i32 to index
      %get3A_734 = tpu.vector_load %arg14[%get3A_733] {strides = array<i32>} : memref<256xf32, #tpu.memory_space<vmem>>, vector<16xf32>,
      %add3A_735 = arith.addf %add3A_732, %get3A_734 : vector<16xf32>
      %add3A_736 = arith.addf %add3A_735, %select_n3A_729 : vector<16xf32>
      %swap3A = arith.index_cast %multiple_of3A : i32 to index
      %swap3A_737 = tpu.vector_load %arg16[%swap3A] {strides = array<i32>} : memref<256xf32, #tpu.memory_space<vmem>>, vector<16xf32>,
      tpu.vector_store %arg16[%swap3A], %add3A_736 {strides = array<i32>} : memref<256xf32, #tpu.memory_space<vmem>>, vector<16xf32>,
    }
    %scan3A_75 = arith.constant 16 : i32
    "tpu.region"() ({
      %run_scoped3A = tpu.sem_alloc : memref<!tpu.dma_semaphore, #tpu.memory_space<semaphore_mem>>
      %dma_start3A_104 = tpu.memref_slice %arg8[%add3A_52] : memref<16384xf32, #tpu.memory_space<hbm>> -> memref<256xf32, #tpu.memory_space<hbm>>
      %dma_start3A_105 = tpu.memref_slice %arg8[%add3A_52] : memref<16384xf32, #tpu.memory_space<hbm>> -> memref<256xf32, #tpu.memory_space<hbm>>
      tpu.enqueue_dma source(%arg16 : memref<256xf32, #tpu.memory_space<vmem>>) target(%dma_start3A_105 : memref<256xf32, #tpu.memory_space<hbm>>) target_semaphore(%run_scoped3A : memref<!tpu.dma_semaphore, #tpu.memory_space<semaphore_mem>>)
      %dma_wait3A_106 = tpu.memref_slice %arg8[%add3A_52] : memref<16384xf32, #tpu.memory_space<hbm>> -> memref<256xf32, #tpu.memory_space<hbm>>
      %dma_wait3A_107 = tpu.memref_slice %arg8[%add3A_52] : memref<16384xf32, #tpu.memory_space<hbm>> -> memref<256xf32, #tpu.memory_space<hbm>>
      tpu.wait_dma2 semaphore(%run_scoped3A : memref<!tpu.dma_semaphore, #tpu.memory_space<semaphore_mem>>) src(%arg16 : memref<256xf32, #tpu.memory_space<vmem>>) dst(%dma_wait3A_107 : memref<256xf32, #tpu.memory_space<hbm>>)
      tpu.yield
    }) : () -> ()
    %add3A_76 = arith.constant 256 : i32
    %add3A_77 = arith.addi %mul3A_2, %add3A_76 : i32
    "tpu.region"() ({
      %run_scoped3A = tpu.sem_alloc : memref<!tpu.dma_semaphore, #tpu.memory_space<semaphore_mem>>
      %dma_start3A_104 = tpu.memref_slice %arg2[%add3A_77] : memref<16384xi32, #tpu.memory_space<hbm>> -> memref<256xi32, #tpu.memory_space<hbm>>
      %dma_start3A_105 = tpu.memref_slice %arg2[%add3A_77] : memref<16384xi32, #tpu.memory_space<hbm>> -> memref<256xi32, #tpu.memory_space<hbm>>
      tpu.enqueue_dma source(%dma_start3A_105 : memref<256xi32, #tpu.memory_space<hbm>>) target(%arg9 : memref<256xi32, #tpu.memory_space<vmem>>) target_semaphore(%run_scoped3A : memref<!tpu.dma_semaphore, #tpu.memory_space<semaphore_mem>>)
      %dma_wait3A_106 = tpu.memref_slice %arg2[%add3A_77] : memref<16384xi32, #tpu.memory_space<hbm>> -> memref<256xi32, #tpu.memory_space<hbm>>
      %dma_wait3A_107 = tpu.memref_slice %arg2[%add3A_77] : memref<16384xi32, #tpu.memory_space<hbm>> -> memref<256xi32, #tpu.memory_space<hbm>>
      tpu.wait_dma2 semaphore(%run_scoped3A : memref<!tpu.dma_semaphore, #tpu.memory_space<semaphore_mem>>) src(%dma_wait3A_107 : memref<256xi32, #tpu.memory_space<hbm>>) dst(%arg9 : memref<256xi32, #tpu.memory_space<vmem>>)
      tpu.yield
    }) : () -> ()
    "tpu.region"() ({
      %run_scoped3A = tpu.sem_alloc : memref<!tpu.dma_semaphore, #tpu.memory_space<semaphore_mem>>
      %dma_start3A_104 = tpu.memref_slice %arg3[%add3A_77] : memref<16384xi32, #tpu.memory_space<hbm>> -> memref<256xi32, #tpu.memory_space<hbm>>
      %dma_start3A_105 = tpu.memref_slice %arg3[%add3A_77] : memref<16384xi32, #tpu.memory_space<hbm>> -> memref<256xi32, #tpu.memory_space<hbm>>
      tpu.enqueue_dma source(%dma_start3A_105 : memref<256xi32, #tpu.memory_space<hbm>>) target(%arg10 : memref<256xi32, #tpu.memory_space<vmem>>) target_semaphore(%run_scoped3A : memref<!tpu.dma_semaphore, #tpu.memory_space<semaphore_mem>>)
      %dma_wait3A_106 = tpu.memref_slice %arg3[%add3A_77] : memref<16384xi32, #tpu.memory_space<hbm>> -> memref<256xi32, #tpu.memory_space<hbm>>
      %dma_wait3A_107 = tpu.memref_slice %arg3[%add3A_77] : memref<16384xi32, #tpu.memory_space<hbm>> -> memref<256xi32, #tpu.memory_space<hbm>>
      tpu.wait_dma2 semaphore(%run_scoped3A : memref<!tpu.dma_semaphore, #tpu.memory_space<semaphore_mem>>) src(%dma_wait3A_107 : memref<256xi32, #tpu.memory_space<hbm>>) dst(%arg10 : memref<256xi32, #tpu.memory_space<vmem>>)
      tpu.yield
    }) : () -> ()
    %dma_start3A_78 = arith.constant 0 : i32
    %dma_start3A_79 = tpu.memref_slice %arg5[%dma_start3A_78] : memref<1000000xf32, #tpu.memory_space<hbm>> -> memref<1000000xf32, #tpu.memory_space<hbm>>
    tpu.enqueue_indirect_dma source(%dma_start3A_79 : memref<1000000xf32, #tpu.memory_space<hbm>>) target(%arg13 : memref<256xf32, #tpu.memory_space<vmem>>) offsets(%arg9 : memref<256xi32, #tpu.memory_space<vmem>>) semaphore(%arg17 : memref<!tpu.dma_semaphore, #tpu.memory_space<semaphore_mem>>)
    %dma_start3A_80 = arith.constant 0 : i32
    %dma_start3A_81 = tpu.memref_slice %arg6[%dma_start3A_80] : memref<1000000xf32, #tpu.memory_space<hbm>> -> memref<1000000xf32, #tpu.memory_space<hbm>>
    tpu.enqueue_indirect_dma source(%dma_start3A_81 : memref<1000000xf32, #tpu.memory_space<hbm>>) target(%arg14 : memref<256xf32, #tpu.memory_space<vmem>>) offsets(%arg10 : memref<256xi32, #tpu.memory_space<vmem>>) semaphore(%arg17 : memref<!tpu.dma_semaphore, #tpu.memory_space<semaphore_mem>>)
    %dma_start3A_82 = arith.constant 0 : i32
    %dma_start3A_83 = arith.constant 0 : i32
    %dma_start3A_84 = tpu.memref_slice %arg7[%dma_start3A_82, %dma_start3A_83] : memref<1000000x128xf32, #tpu.memory_space<hbm>> -> memref<1000000x128xf32, #tpu.memory_space<hbm>>
    tpu.enqueue_indirect_dma source(%dma_start3A_84 : memref<1000000x128xf32, #tpu.memory_space<hbm>>) target(%arg11 : memref<256x128xf32, #tpu.memory_space<vmem>>) offsets(%arg9 : memref<256xi32, #tpu.memory_space<vmem>>) semaphore(%arg17 : memref<!tpu.dma_semaphore, #tpu.memory_space<semaphore_mem>>)
    %dma_start3A_85 = arith.constant 0 : i32
    %dma_start3A_86 = arith.constant 0 : i32
    %dma_start3A_87 = tpu.memref_slice %arg7[%dma_start3A_85, %dma_start3A_86] : memref<1000000x128xf32, #tpu.memory_space<hbm>> -> memref<1000000x128xf32, #tpu.memory_space<hbm>>
    tpu.enqueue_indirect_dma source(%dma_start3A_87 : memref<1000000x128xf32, #tpu.memory_space<hbm>>) target(%arg12 : memref<256x128xf32, #tpu.memory_space<vmem>>) offsets(%arg10 : memref<256xi32, #tpu.memory_space<vmem>>) semaphore(%arg17 : memref<!tpu.dma_semaphore, #tpu.memory_space<semaphore_mem>>)
    %dma_wait3A_88 = arith.constant 0 : i32
    %dma_wait3A_89 = tpu.memref_slice %arg5[%dma_wait3A_88] : memref<1000000xf32, #tpu.memory_space<hbm>> -> memref<1000000xf32, #tpu.memory_space<hbm>>
    tpu.wait_indirect_dma semaphore(%arg17 : memref<!tpu.dma_semaphore, #tpu.memory_space<semaphore_mem>>) src(%dma_wait3A_89 : memref<1000000xf32, #tpu.memory_space<hbm>>) dst(%arg13 : memref<256xf32, #tpu.memory_space<vmem>>)
    %dma_wait3A_90 = arith.constant 0 : i32
    %dma_wait3A_91 = tpu.memref_slice %arg6[%dma_wait3A_90] : memref<1000000xf32, #tpu.memory_space<hbm>> -> memref<1000000xf32, #tpu.memory_space<hbm>>
    tpu.wait_indirect_dma semaphore(%arg17 : memref<!tpu.dma_semaphore, #tpu.memory_space<semaphore_mem>>) src(%dma_wait3A_91 : memref<1000000xf32, #tpu.memory_space<hbm>>) dst(%arg14 : memref<256xf32, #tpu.memory_space<vmem>>)
    %dma_wait3A_92 = arith.constant 0 : i32
    %dma_wait3A_93 = arith.constant 0 : i32
    %dma_wait3A_94 = tpu.memref_slice %arg7[%dma_wait3A_92, %dma_wait3A_93] : memref<1000000x128xf32, #tpu.memory_space<hbm>> -> memref<1000000x128xf32, #tpu.memory_space<hbm>>
    tpu.wait_indirect_dma semaphore(%arg17 : memref<!tpu.dma_semaphore, #tpu.memory_space<semaphore_mem>>) src(%dma_wait3A_94 : memref<1000000x128xf32, #tpu.memory_space<hbm>>) dst(%arg11 : memref<256x128xf32, #tpu.memory_space<vmem>>)
    %dma_wait3A_95 = arith.constant 0 : i32
    %dma_wait3A_96 = arith.constant 0 : i32
    %dma_wait3A_97 = tpu.memref_slice %arg7[%dma_wait3A_95, %dma_wait3A_96] : memref<1000000x128xf32, #tpu.memory_space<hbm>> -> memref<1000000x128xf32, #tpu.memory_space<hbm>>
    tpu.wait_indirect_dma semaphore(%arg17 : memref<!tpu.dma_semaphore, #tpu.memory_space<semaphore_mem>>) src(%dma_wait3A_97 : memref<1000000x128xf32, #tpu.memory_space<hbm>>) dst(%arg12 : memref<256x128xf32, #tpu.memory_space<vmem>>)
    %scan3A_98 = arith.constant 0 : i32
    %scan3A_99 = arith.constant 0 : i32
    %scan3A_100 = arith.constant 16 : i32
    %scan3A_101 = arith.addi %scan3A_99, %scan3A_100 : i32
    %scan3A_102 = arith.constant 1 : i32
    scf.for %scan3A_104 = %scan3A_99 to %scan3A_101 step %scan3A_102  : i32 {
      %mul3A_105 = arith.constant 16 : i32
      %mul3A_106 = arith.muli %scan3A_104, %mul3A_105 : i32
      %multiple_of3A = tpu.assume_multiple %mul3A_106, 16 : i32
      %broadcast_in_dim3A = arith.constant 0.000000e+00 : f32
      %broadcast_in_dim3A_107 = vector.broadcast %broadcast_in_dim3A : f32 to vector<16xf32>
      %add3A_108 = arith.constant 0 : i32
      %add3A_109 = arith.addi %multiple_of3A, %add3A_108 : i32
      %get3A_110 = arith.index_cast %add3A_109 : i32 to index
      %get3A_111 = arith.constant 0 : index
      %get3A_112 = tpu.vector_load %arg11[%get3A_110, %get3A_111] {strides = array<i32>} : memref<256x128xf32, #tpu.memory_space<vmem>>, vector<16xf32>,
      %get3A_113 = arith.index_cast %add3A_109 : i32 to index
      %get3A_114 = arith.constant 64 : index
      %get3A_115 = tpu.vector_load %arg12[%get3A_113, %get3A_114] {strides = array<i32>} : memref<256x128xf32, #tpu.memory_space<vmem>>, vector<16xf32>,
      %mul3A_116 = arith.mulf %get3A_112, %get3A_115 : vector<16xf32>
      %get3A_117 = arith.index_cast %add3A_109 : i32 to index
      %get3A_118 = arith.constant 16 : index
      %get3A_119 = tpu.vector_load %arg11[%get3A_117, %get3A_118] {strides = array<i32>} : memref<256x128xf32, #tpu.memory_space<vmem>>, vector<16xf32>,
      %get3A_120 = arith.index_cast %add3A_109 : i32 to index
      %get3A_121 = arith.constant 80 : index
      %get3A_122 = tpu.vector_load %arg12[%get3A_120, %get3A_121] {strides = array<i32>} : memref<256x128xf32, #tpu.memory_space<vmem>>, vector<16xf32>,
      %mul3A_123 = arith.mulf %get3A_119, %get3A_122 : vector<16xf32>
      %add3A_124 = arith.addf %mul3A_116, %mul3A_123 : vector<16xf32>
      %get3A_125 = arith.index_cast %add3A_109 : i32 to index
      %get3A_126 = arith.constant 32 : index
      %get3A_127 = tpu.vector_load %arg11[%get3A_125, %get3A_126] {strides = array<i32>} : memref<256x128xf32, #tpu.memory_space<vmem>>, vector<16xf32>,
      %get3A_128 = arith.index_cast %add3A_109 : i32 to index
      %get3A_129 = arith.constant 96 : index
      %get3A_130 = tpu.vector_load %arg12[%get3A_128, %get3A_129] {strides = array<i32>} : memref<256x128xf32, #tpu.memory_space<vmem>>, vector<16xf32>,
      %mul3A_131 = arith.mulf %get3A_127, %get3A_130 : vector<16xf32>
      %add3A_132 = arith.addf %add3A_124, %mul3A_131 : vector<16xf32>
      %get3A_133 = arith.index_cast %add3A_109 : i32 to index
      %get3A_134 = arith.constant 48 : index
      %get3A_135 = tpu.vector_load %arg11[%get3A_133, %get3A_134] {strides = array<i32>} : memref<256x128xf32, #tpu.memory_space<vmem>>, vector<16xf32>,
      %get3A_136 = arith.index_cast %add3A_109 : i32 to index
      %get3A_137 = arith.constant 112 : index
      %get3A_138 = tpu.vector_load %arg12[%get3A_136, %get3A_137] {strides = array<i32>} : memref<256x128xf32, #tpu.memory_space<vmem>>, vector<16xf32>,
      %mul3A_139 = arith.mulf %get3A_135, %get3A_138 : vector<16xf32>
      %add3A_140 = arith.addf %add3A_132, %mul3A_139 : vector<16xf32>
      %reduce_sum3A = arith.constant true
      %reduce_sum3A_141 = vector.broadcast %reduce_sum3A : i1 to vector<16xi1>
      %reduce_sum3A_142 = tpu.scan <sum>, %add3A_140 masked %reduce_sum3A_141 : vector<16xf32>, vector<16xi1> -> vector<16xf32>
      %reduce_sum3A_143 = vector.extract %reduce_sum3A_142[15] : f32 from vector<16xf32>
      %broadcast_in_dim3A_144 = vector.broadcast %reduce_sum3A_143 : f32 to vector<16xf32>
      %select_n3A = arith.select %eq3A_5, %broadcast_in_dim3A_144, %broadcast_in_dim3A_107 : vector<16xi1>, vector<16xf32>
      %add3A_145 = arith.constant 1 : i32
      %add3A_146 = arith.addi %multiple_of3A, %add3A_145 : i32
      %get3A_147 = arith.index_cast %add3A_146 : i32 to index
      %get3A_148 = arith.constant 0 : index
      %get3A_149 = tpu.vector_load %arg11[%get3A_147, %get3A_148] {strides = array<i32>} : memref<256x128xf32, #tpu.memory_space<vmem>>, vector<16xf32>,
      %get3A_150 = arith.index_cast %add3A_146 : i32 to index
      %get3A_151 = arith.constant 64 : index
      %get3A_152 = tpu.vector_load %arg12[%get3A_150, %get3A_151] {strides = array<i32>} : memref<256x128xf32, #tpu.memory_space<vmem>>, vector<16xf32>,
      %mul3A_153 = arith.mulf %get3A_149, %get3A_152 : vector<16xf32>
      %get3A_154 = arith.index_cast %add3A_146 : i32 to index
      %get3A_155 = arith.constant 16 : index
      %get3A_156 = tpu.vector_load %arg11[%get3A_154, %get3A_155] {strides = array<i32>} : memref<256x128xf32, #tpu.memory_space<vmem>>, vector<16xf32>,
      %get3A_157 = arith.index_cast %add3A_146 : i32 to index
      %get3A_158 = arith.constant 80 : index
      %get3A_159 = tpu.vector_load %arg12[%get3A_157, %get3A_158] {strides = array<i32>} : memref<256x128xf32, #tpu.memory_space<vmem>>, vector<16xf32>,
      %mul3A_160 = arith.mulf %get3A_156, %get3A_159 : vector<16xf32>
      %add3A_161 = arith.addf %mul3A_153, %mul3A_160 : vector<16xf32>
      %get3A_162 = arith.index_cast %add3A_146 : i32 to index
      %get3A_163 = arith.constant 32 : index
      %get3A_164 = tpu.vector_load %arg11[%get3A_162, %get3A_163] {strides = array<i32>} : memref<256x128xf32, #tpu.memory_space<vmem>>, vector<16xf32>,
      %get3A_165 = arith.index_cast %add3A_146 : i32 to index
      %get3A_166 = arith.constant 96 : index
      %get3A_167 = tpu.vector_load %arg12[%get3A_165, %get3A_166] {strides = array<i32>} : memref<256x128xf32, #tpu.memory_space<vmem>>, vector<16xf32>,
      %mul3A_168 = arith.mulf %get3A_164, %get3A_167 : vector<16xf32>
      %add3A_169 = arith.addf %add3A_161, %mul3A_168 : vector<16xf32>
      %get3A_170 = arith.index_cast %add3A_146 : i32 to index
      %get3A_171 = arith.constant 48 : index
      %get3A_172 = tpu.vector_load %arg11[%get3A_170, %get3A_171] {strides = array<i32>} : memref<256x128xf32, #tpu.memory_space<vmem>>, vector<16xf32>,
      %get3A_173 = arith.index_cast %add3A_146 : i32 to index
      %get3A_174 = arith.constant 112 : index
      %get3A_175 = tpu.vector_load %arg12[%get3A_173, %get3A_174] {strides = array<i32>} : memref<256x128xf32, #tpu.memory_space<vmem>>, vector<16xf32>,
      %mul3A_176 = arith.mulf %get3A_172, %get3A_175 : vector<16xf32>
      %add3A_177 = arith.addf %add3A_169, %mul3A_176 : vector<16xf32>
      %reduce_sum3A_178 = arith.constant true
      %reduce_sum3A_179 = vector.broadcast %reduce_sum3A_178 : i1 to vector<16xi1>
      %reduce_sum3A_180 = tpu.scan <sum>, %add3A_177 masked %reduce_sum3A_179 : vector<16xf32>, vector<16xi1> -> vector<16xf32>
      %reduce_sum3A_181 = vector.extract %reduce_sum3A_180[15] : f32 from vector<16xf32>
      %broadcast_in_dim3A_182 = vector.broadcast %reduce_sum3A_181 : f32 to vector<16xf32>
      %select_n3A_183 = arith.select %eq3A_8, %broadcast_in_dim3A_182, %select_n3A : vector<16xi1>, vector<16xf32>
      %add3A_184 = arith.constant 2 : i32
      %add3A_185 = arith.addi %multiple_of3A, %add3A_184 : i32
      %get3A_186 = arith.index_cast %add3A_185 : i32 to index
      %get3A_187 = arith.constant 0 : index
      %get3A_188 = tpu.vector_load %arg11[%get3A_186, %get3A_187] {strides = array<i32>} : memref<256x128xf32, #tpu.memory_space<vmem>>, vector<16xf32>,
      %get3A_189 = arith.index_cast %add3A_185 : i32 to index
      %get3A_190 = arith.constant 64 : index
      %get3A_191 = tpu.vector_load %arg12[%get3A_189, %get3A_190] {strides = array<i32>} : memref<256x128xf32, #tpu.memory_space<vmem>>, vector<16xf32>,
      %mul3A_192 = arith.mulf %get3A_188, %get3A_191 : vector<16xf32>
      %get3A_193 = arith.index_cast %add3A_185 : i32 to index
      %get3A_194 = arith.constant 16 : index
      %get3A_195 = tpu.vector_load %arg11[%get3A_193, %get3A_194] {strides = array<i32>} : memref<256x128xf32, #tpu.memory_space<vmem>>, vector<16xf32>,
      %get3A_196 = arith.index_cast %add3A_185 : i32 to index
      %get3A_197 = arith.constant 80 : index
      %get3A_198 = tpu.vector_load %arg12[%get3A_196, %get3A_197] {strides = array<i32>} : memref<256x128xf32, #tpu.memory_space<vmem>>, vector<16xf32>,
      %mul3A_199 = arith.mulf %get3A_195, %get3A_198 : vector<16xf32>
      %add3A_200 = arith.addf %mul3A_192, %mul3A_199 : vector<16xf32>
      %get3A_201 = arith.index_cast %add3A_185 : i32 to index
      %get3A_202 = arith.constant 32 : index
      %get3A_203 = tpu.vector_load %arg11[%get3A_201, %get3A_202] {strides = array<i32>} : memref<256x128xf32, #tpu.memory_space<vmem>>, vector<16xf32>,
      %get3A_204 = arith.index_cast %add3A_185 : i32 to index
      %get3A_205 = arith.constant 96 : index
      %get3A_206 = tpu.vector_load %arg12[%get3A_204, %get3A_205] {strides = array<i32>} : memref<256x128xf32, #tpu.memory_space<vmem>>, vector<16xf32>,
      %mul3A_207 = arith.mulf %get3A_203, %get3A_206 : vector<16xf32>
      %add3A_208 = arith.addf %add3A_200, %mul3A_207 : vector<16xf32>
      %get3A_209 = arith.index_cast %add3A_185 : i32 to index
      %get3A_210 = arith.constant 48 : index
      %get3A_211 = tpu.vector_load %arg11[%get3A_209, %get3A_210] {strides = array<i32>} : memref<256x128xf32, #tpu.memory_space<vmem>>, vector<16xf32>,
      %get3A_212 = arith.index_cast %add3A_185 : i32 to index
      %get3A_213 = arith.constant 112 : index
      %get3A_214 = tpu.vector_load %arg12[%get3A_212, %get3A_213] {strides = array<i32>} : memref<256x128xf32, #tpu.memory_space<vmem>>, vector<16xf32>,
      %mul3A_215 = arith.mulf %get3A_211, %get3A_214 : vector<16xf32>
      %add3A_216 = arith.addf %add3A_208, %mul3A_215 : vector<16xf32>
      %reduce_sum3A_217 = arith.constant true
      %reduce_sum3A_218 = vector.broadcast %reduce_sum3A_217 : i1 to vector<16xi1>
      %reduce_sum3A_219 = tpu.scan <sum>, %add3A_216 masked %reduce_sum3A_218 : vector<16xf32>, vector<16xi1> -> vector<16xf32>
      %reduce_sum3A_220 = vector.extract %reduce_sum3A_219[15] : f32 from vector<16xf32>
      %broadcast_in_dim3A_221 = vector.broadcast %reduce_sum3A_220 : f32 to vector<16xf32>
      %select_n3A_222 = arith.select %eq3A_11, %broadcast_in_dim3A_221, %select_n3A_183 : vector<16xi1>, vector<16xf32>
      %add3A_223 = arith.constant 3 : i32
      %add3A_224 = arith.addi %multiple_of3A, %add3A_223 : i32
      %get3A_225 = arith.index_cast %add3A_224 : i32 to index
      %get3A_226 = arith.constant 0 : index
      %get3A_227 = tpu.vector_load %arg11[%get3A_225, %get3A_226] {strides = array<i32>} : memref<256x128xf32, #tpu.memory_space<vmem>>, vector<16xf32>,
      %get3A_228 = arith.index_cast %add3A_224 : i32 to index
      %get3A_229 = arith.constant 64 : index
      %get3A_230 = tpu.vector_load %arg12[%get3A_228, %get3A_229] {strides = array<i32>} : memref<256x128xf32, #tpu.memory_space<vmem>>, vector<16xf32>,
      %mul3A_231 = arith.mulf %get3A_227, %get3A_230 : vector<16xf32>
      %get3A_232 = arith.index_cast %add3A_224 : i32 to index
      %get3A_233 = arith.constant 16 : index
      %get3A_234 = tpu.vector_load %arg11[%get3A_232, %get3A_233] {strides = array<i32>} : memref<256x128xf32, #tpu.memory_space<vmem>>, vector<16xf32>,
      %get3A_235 = arith.index_cast %add3A_224 : i32 to index
      %get3A_236 = arith.constant 80 : index
      %get3A_237 = tpu.vector_load %arg12[%get3A_235, %get3A_236] {strides = array<i32>} : memref<256x128xf32, #tpu.memory_space<vmem>>, vector<16xf32>,
      %mul3A_238 = arith.mulf %get3A_234, %get3A_237 : vector<16xf32>
      %add3A_239 = arith.addf %mul3A_231, %mul3A_238 : vector<16xf32>
      %get3A_240 = arith.index_cast %add3A_224 : i32 to index
      %get3A_241 = arith.constant 32 : index
      %get3A_242 = tpu.vector_load %arg11[%get3A_240, %get3A_241] {strides = array<i32>} : memref<256x128xf32, #tpu.memory_space<vmem>>, vector<16xf32>,
      %get3A_243 = arith.index_cast %add3A_224 : i32 to index
      %get3A_244 = arith.constant 96 : index
      %get3A_245 = tpu.vector_load %arg12[%get3A_243, %get3A_244] {strides = array<i32>} : memref<256x128xf32, #tpu.memory_space<vmem>>, vector<16xf32>,
      %mul3A_246 = arith.mulf %get3A_242, %get3A_245 : vector<16xf32>
      %add3A_247 = arith.addf %add3A_239, %mul3A_246 : vector<16xf32>
      %get3A_248 = arith.index_cast %add3A_224 : i32 to index
      %get3A_249 = arith.constant 48 : index
      %get3A_250 = tpu.vector_load %arg11[%get3A_248, %get3A_249] {strides = array<i32>} : memref<256x128xf32, #tpu.memory_space<vmem>>, vector<16xf32>,
      %get3A_251 = arith.index_cast %add3A_224 : i32 to index
      %get3A_252 = arith.constant 112 : index
      %get3A_253 = tpu.vector_load %arg12[%get3A_251, %get3A_252] {strides = array<i32>} : memref<256x128xf32, #tpu.memory_space<vmem>>, vector<16xf32>,
      %mul3A_254 = arith.mulf %get3A_250, %get3A_253 : vector<16xf32>
      %add3A_255 = arith.addf %add3A_247, %mul3A_254 : vector<16xf32>
      %reduce_sum3A_256 = arith.constant true
      %reduce_sum3A_257 = vector.broadcast %reduce_sum3A_256 : i1 to vector<16xi1>
      %reduce_sum3A_258 = tpu.scan <sum>, %add3A_255 masked %reduce_sum3A_257 : vector<16xf32>, vector<16xi1> -> vector<16xf32>
      %reduce_sum3A_259 = vector.extract %reduce_sum3A_258[15] : f32 from vector<16xf32>
      %broadcast_in_dim3A_260 = vector.broadcast %reduce_sum3A_259 : f32 to vector<16xf32>
      %select_n3A_261 = arith.select %eq3A_14, %broadcast_in_dim3A_260, %select_n3A_222 : vector<16xi1>, vector<16xf32>
      %add3A_262 = arith.constant 4 : i32
      %add3A_263 = arith.addi %multiple_of3A, %add3A_262 : i32
      %get3A_264 = arith.index_cast %add3A_263 : i32 to index
      %get3A_265 = arith.constant 0 : index
      %get3A_266 = tpu.vector_load %arg11[%get3A_264, %get3A_265] {strides = array<i32>} : memref<256x128xf32, #tpu.memory_space<vmem>>, vector<16xf32>,
      %get3A_267 = arith.index_cast %add3A_263 : i32 to index
      %get3A_268 = arith.constant 64 : index
      %get3A_269 = tpu.vector_load %arg12[%get3A_267, %get3A_268] {strides = array<i32>} : memref<256x128xf32, #tpu.memory_space<vmem>>, vector<16xf32>,
      %mul3A_270 = arith.mulf %get3A_266, %get3A_269 : vector<16xf32>
      %get3A_271 = arith.index_cast %add3A_263 : i32 to index
      %get3A_272 = arith.constant 16 : index
      %get3A_273 = tpu.vector_load %arg11[%get3A_271, %get3A_272] {strides = array<i32>} : memref<256x128xf32, #tpu.memory_space<vmem>>, vector<16xf32>,
      %get3A_274 = arith.index_cast %add3A_263 : i32 to index
      %get3A_275 = arith.constant 80 : index
      %get3A_276 = tpu.vector_load %arg12[%get3A_274, %get3A_275] {strides = array<i32>} : memref<256x128xf32, #tpu.memory_space<vmem>>, vector<16xf32>,
      %mul3A_277 = arith.mulf %get3A_273, %get3A_276 : vector<16xf32>
      %add3A_278 = arith.addf %mul3A_270, %mul3A_277 : vector<16xf32>
      %get3A_279 = arith.index_cast %add3A_263 : i32 to index
      %get3A_280 = arith.constant 32 : index
      %get3A_281 = tpu.vector_load %arg11[%get3A_279, %get3A_280] {strides = array<i32>} : memref<256x128xf32, #tpu.memory_space<vmem>>, vector<16xf32>,
      %get3A_282 = arith.index_cast %add3A_263 : i32 to index
      %get3A_283 = arith.constant 96 : index
      %get3A_284 = tpu.vector_load %arg12[%get3A_282, %get3A_283] {strides = array<i32>} : memref<256x128xf32, #tpu.memory_space<vmem>>, vector<16xf32>,
      %mul3A_285 = arith.mulf %get3A_281, %get3A_284 : vector<16xf32>
      %add3A_286 = arith.addf %add3A_278, %mul3A_285 : vector<16xf32>
      %get3A_287 = arith.index_cast %add3A_263 : i32 to index
      %get3A_288 = arith.constant 48 : index
      %get3A_289 = tpu.vector_load %arg11[%get3A_287, %get3A_288] {strides = array<i32>} : memref<256x128xf32, #tpu.memory_space<vmem>>, vector<16xf32>,
      %get3A_290 = arith.index_cast %add3A_263 : i32 to index
      %get3A_291 = arith.constant 112 : index
      %get3A_292 = tpu.vector_load %arg12[%get3A_290, %get3A_291] {strides = array<i32>} : memref<256x128xf32, #tpu.memory_space<vmem>>, vector<16xf32>,
      %mul3A_293 = arith.mulf %get3A_289, %get3A_292 : vector<16xf32>
      %add3A_294 = arith.addf %add3A_286, %mul3A_293 : vector<16xf32>
      %reduce_sum3A_295 = arith.constant true
      %reduce_sum3A_296 = vector.broadcast %reduce_sum3A_295 : i1 to vector<16xi1>
      %reduce_sum3A_297 = tpu.scan <sum>, %add3A_294 masked %reduce_sum3A_296 : vector<16xf32>, vector<16xi1> -> vector<16xf32>
      %reduce_sum3A_298 = vector.extract %reduce_sum3A_297[15] : f32 from vector<16xf32>
      %broadcast_in_dim3A_299 = vector.broadcast %reduce_sum3A_298 : f32 to vector<16xf32>
      %select_n3A_300 = arith.select %eq3A_17, %broadcast_in_dim3A_299, %select_n3A_261 : vector<16xi1>, vector<16xf32>
      %add3A_301 = arith.constant 5 : i32
      %add3A_302 = arith.addi %multiple_of3A, %add3A_301 : i32
      %get3A_303 = arith.index_cast %add3A_302 : i32 to index
      %get3A_304 = arith.constant 0 : index
      %get3A_305 = tpu.vector_load %arg11[%get3A_303, %get3A_304] {strides = array<i32>} : memref<256x128xf32, #tpu.memory_space<vmem>>, vector<16xf32>,
      %get3A_306 = arith.index_cast %add3A_302 : i32 to index
      %get3A_307 = arith.constant 64 : index
      %get3A_308 = tpu.vector_load %arg12[%get3A_306, %get3A_307] {strides = array<i32>} : memref<256x128xf32, #tpu.memory_space<vmem>>, vector<16xf32>,
      %mul3A_309 = arith.mulf %get3A_305, %get3A_308 : vector<16xf32>
      %get3A_310 = arith.index_cast %add3A_302 : i32 to index
      %get3A_311 = arith.constant 16 : index
      %get3A_312 = tpu.vector_load %arg11[%get3A_310, %get3A_311] {strides = array<i32>} : memref<256x128xf32, #tpu.memory_space<vmem>>, vector<16xf32>,
      %get3A_313 = arith.index_cast %add3A_302 : i32 to index
      %get3A_314 = arith.constant 80 : index
      %get3A_315 = tpu.vector_load %arg12[%get3A_313, %get3A_314] {strides = array<i32>} : memref<256x128xf32, #tpu.memory_space<vmem>>, vector<16xf32>,
      %mul3A_316 = arith.mulf %get3A_312, %get3A_315 : vector<16xf32>
      %add3A_317 = arith.addf %mul3A_309, %mul3A_316 : vector<16xf32>
      %get3A_318 = arith.index_cast %add3A_302 : i32 to index
      %get3A_319 = arith.constant 32 : index
      %get3A_320 = tpu.vector_load %arg11[%get3A_318, %get3A_319] {strides = array<i32>} : memref<256x128xf32, #tpu.memory_space<vmem>>, vector<16xf32>,
      %get3A_321 = arith.index_cast %add3A_302 : i32 to index
      %get3A_322 = arith.constant 96 : index
      %get3A_323 = tpu.vector_load %arg12[%get3A_321, %get3A_322] {strides = array<i32>} : memref<256x128xf32, #tpu.memory_space<vmem>>, vector<16xf32>,
      %mul3A_324 = arith.mulf %get3A_320, %get3A_323 : vector<16xf32>
      %add3A_325 = arith.addf %add3A_317, %mul3A_324 : vector<16xf32>
      %get3A_326 = arith.index_cast %add3A_302 : i32 to index
      %get3A_327 = arith.constant 48 : index
      %get3A_328 = tpu.vector_load %arg11[%get3A_326, %get3A_327] {strides = array<i32>} : memref<256x128xf32, #tpu.memory_space<vmem>>, vector<16xf32>,
      %get3A_329 = arith.index_cast %add3A_302 : i32 to index
      %get3A_330 = arith.constant 112 : index
      %get3A_331 = tpu.vector_load %arg12[%get3A_329, %get3A_330] {strides = array<i32>} : memref<256x128xf32, #tpu.memory_space<vmem>>, vector<16xf32>,
      %mul3A_332 = arith.mulf %get3A_328, %get3A_331 : vector<16xf32>
      %add3A_333 = arith.addf %add3A_325, %mul3A_332 : vector<16xf32>
      %reduce_sum3A_334 = arith.constant true
      %reduce_sum3A_335 = vector.broadcast %reduce_sum3A_334 : i1 to vector<16xi1>
      %reduce_sum3A_336 = tpu.scan <sum>, %add3A_333 masked %reduce_sum3A_335 : vector<16xf32>, vector<16xi1> -> vector<16xf32>
      %reduce_sum3A_337 = vector.extract %reduce_sum3A_336[15] : f32 from vector<16xf32>
      %broadcast_in_dim3A_338 = vector.broadcast %reduce_sum3A_337 : f32 to vector<16xf32>
      %select_n3A_339 = arith.select %eq3A_20, %broadcast_in_dim3A_338, %select_n3A_300 : vector<16xi1>, vector<16xf32>
      %add3A_340 = arith.constant 6 : i32
      %add3A_341 = arith.addi %multiple_of3A, %add3A_340 : i32
      %get3A_342 = arith.index_cast %add3A_341 : i32 to index
      %get3A_343 = arith.constant 0 : index
      %get3A_344 = tpu.vector_load %arg11[%get3A_342, %get3A_343] {strides = array<i32>} : memref<256x128xf32, #tpu.memory_space<vmem>>, vector<16xf32>,
      %get3A_345 = arith.index_cast %add3A_341 : i32 to index
      %get3A_346 = arith.constant 64 : index
      %get3A_347 = tpu.vector_load %arg12[%get3A_345, %get3A_346] {strides = array<i32>} : memref<256x128xf32, #tpu.memory_space<vmem>>, vector<16xf32>,
      %mul3A_348 = arith.mulf %get3A_344, %get3A_347 : vector<16xf32>
      %get3A_349 = arith.index_cast %add3A_341 : i32 to index
      %get3A_350 = arith.constant 16 : index
      %get3A_351 = tpu.vector_load %arg11[%get3A_349, %get3A_350] {strides = array<i32>} : memref<256x128xf32, #tpu.memory_space<vmem>>, vector<16xf32>,
      %get3A_352 = arith.index_cast %add3A_341 : i32 to index
      %get3A_353 = arith.constant 80 : index
      %get3A_354 = tpu.vector_load %arg12[%get3A_352, %get3A_353] {strides = array<i32>} : memref<256x128xf32, #tpu.memory_space<vmem>>, vector<16xf32>,
      %mul3A_355 = arith.mulf %get3A_351, %get3A_354 : vector<16xf32>
      %add3A_356 = arith.addf %mul3A_348, %mul3A_355 : vector<16xf32>
      %get3A_357 = arith.index_cast %add3A_341 : i32 to index
      %get3A_358 = arith.constant 32 : index
      %get3A_359 = tpu.vector_load %arg11[%get3A_357, %get3A_358] {strides = array<i32>} : memref<256x128xf32, #tpu.memory_space<vmem>>, vector<16xf32>,
      %get3A_360 = arith.index_cast %add3A_341 : i32 to index
      %get3A_361 = arith.constant 96 : index
      %get3A_362 = tpu.vector_load %arg12[%get3A_360, %get3A_361] {strides = array<i32>} : memref<256x128xf32, #tpu.memory_space<vmem>>, vector<16xf32>,
      %mul3A_363 = arith.mulf %get3A_359, %get3A_362 : vector<16xf32>
      %add3A_364 = arith.addf %add3A_356, %mul3A_363 : vector<16xf32>
      %get3A_365 = arith.index_cast %add3A_341 : i32 to index
      %get3A_366 = arith.constant 48 : index
      %get3A_367 = tpu.vector_load %arg11[%get3A_365, %get3A_366] {strides = array<i32>} : memref<256x128xf32, #tpu.memory_space<vmem>>, vector<16xf32>,
      %get3A_368 = arith.index_cast %add3A_341 : i32 to index
      %get3A_369 = arith.constant 112 : index
      %get3A_370 = tpu.vector_load %arg12[%get3A_368, %get3A_369] {strides = array<i32>} : memref<256x128xf32, #tpu.memory_space<vmem>>, vector<16xf32>,
      %mul3A_371 = arith.mulf %get3A_367, %get3A_370 : vector<16xf32>
      %add3A_372 = arith.addf %add3A_364, %mul3A_371 : vector<16xf32>
      %reduce_sum3A_373 = arith.constant true
      %reduce_sum3A_374 = vector.broadcast %reduce_sum3A_373 : i1 to vector<16xi1>
      %reduce_sum3A_375 = tpu.scan <sum>, %add3A_372 masked %reduce_sum3A_374 : vector<16xf32>, vector<16xi1> -> vector<16xf32>
      %reduce_sum3A_376 = vector.extract %reduce_sum3A_375[15] : f32 from vector<16xf32>
      %broadcast_in_dim3A_377 = vector.broadcast %reduce_sum3A_376 : f32 to vector<16xf32>
      %select_n3A_378 = arith.select %eq3A_23, %broadcast_in_dim3A_377, %select_n3A_339 : vector<16xi1>, vector<16xf32>
      %add3A_379 = arith.constant 7 : i32
      %add3A_380 = arith.addi %multiple_of3A, %add3A_379 : i32
      %get3A_381 = arith.index_cast %add3A_380 : i32 to index
      %get3A_382 = arith.constant 0 : index
      %get3A_383 = tpu.vector_load %arg11[%get3A_381, %get3A_382] {strides = array<i32>} : memref<256x128xf32, #tpu.memory_space<vmem>>, vector<16xf32>,
      %get3A_384 = arith.index_cast %add3A_380 : i32 to index
      %get3A_385 = arith.constant 64 : index
      %get3A_386 = tpu.vector_load %arg12[%get3A_384, %get3A_385] {strides = array<i32>} : memref<256x128xf32, #tpu.memory_space<vmem>>, vector<16xf32>,
      %mul3A_387 = arith.mulf %get3A_383, %get3A_386 : vector<16xf32>
      %get3A_388 = arith.index_cast %add3A_380 : i32 to index
      %get3A_389 = arith.constant 16 : index
      %get3A_390 = tpu.vector_load %arg11[%get3A_388, %get3A_389] {strides = array<i32>} : memref<256x128xf32, #tpu.memory_space<vmem>>, vector<16xf32>,
      %get3A_391 = arith.index_cast %add3A_380 : i32 to index
      %get3A_392 = arith.constant 80 : index
      %get3A_393 = tpu.vector_load %arg12[%get3A_391, %get3A_392] {strides = array<i32>} : memref<256x128xf32, #tpu.memory_space<vmem>>, vector<16xf32>,
      %mul3A_394 = arith.mulf %get3A_390, %get3A_393 : vector<16xf32>
      %add3A_395 = arith.addf %mul3A_387, %mul3A_394 : vector<16xf32>
      %get3A_396 = arith.index_cast %add3A_380 : i32 to index
      %get3A_397 = arith.constant 32 : index
      %get3A_398 = tpu.vector_load %arg11[%get3A_396, %get3A_397] {strides = array<i32>} : memref<256x128xf32, #tpu.memory_space<vmem>>, vector<16xf32>,
      %get3A_399 = arith.index_cast %add3A_380 : i32 to index
      %get3A_400 = arith.constant 96 : index
      %get3A_401 = tpu.vector_load %arg12[%get3A_399, %get3A_400] {strides = array<i32>} : memref<256x128xf32, #tpu.memory_space<vmem>>, vector<16xf32>,
      %mul3A_402 = arith.mulf %get3A_398, %get3A_401 : vector<16xf32>
      %add3A_403 = arith.addf %add3A_395, %mul3A_402 : vector<16xf32>
      %get3A_404 = arith.index_cast %add3A_380 : i32 to index
      %get3A_405 = arith.constant 48 : index
      %get3A_406 = tpu.vector_load %arg11[%get3A_404, %get3A_405] {strides = array<i32>} : memref<256x128xf32, #tpu.memory_space<vmem>>, vector<16xf32>,
      %get3A_407 = arith.index_cast %add3A_380 : i32 to index
      %get3A_408 = arith.constant 112 : index
      %get3A_409 = tpu.vector_load %arg12[%get3A_407, %get3A_408] {strides = array<i32>} : memref<256x128xf32, #tpu.memory_space<vmem>>, vector<16xf32>,
      %mul3A_410 = arith.mulf %get3A_406, %get3A_409 : vector<16xf32>
      %add3A_411 = arith.addf %add3A_403, %mul3A_410 : vector<16xf32>
      %reduce_sum3A_412 = arith.constant true
      %reduce_sum3A_413 = vector.broadcast %reduce_sum3A_412 : i1 to vector<16xi1>
      %reduce_sum3A_414 = tpu.scan <sum>, %add3A_411 masked %reduce_sum3A_413 : vector<16xf32>, vector<16xi1> -> vector<16xf32>
      %reduce_sum3A_415 = vector.extract %reduce_sum3A_414[15] : f32 from vector<16xf32>
      %broadcast_in_dim3A_416 = vector.broadcast %reduce_sum3A_415 : f32 to vector<16xf32>
      %select_n3A_417 = arith.select %eq3A_26, %broadcast_in_dim3A_416, %select_n3A_378 : vector<16xi1>, vector<16xf32>
      %add3A_418 = arith.constant 8 : i32
      %add3A_419 = arith.addi %multiple_of3A, %add3A_418 : i32
      %get3A_420 = arith.index_cast %add3A_419 : i32 to index
      %get3A_421 = arith.constant 0 : index
      %get3A_422 = tpu.vector_load %arg11[%get3A_420, %get3A_421] {strides = array<i32>} : memref<256x128xf32, #tpu.memory_space<vmem>>, vector<16xf32>,
      %get3A_423 = arith.index_cast %add3A_419 : i32 to index
      %get3A_424 = arith.constant 64 : index
      %get3A_425 = tpu.vector_load %arg12[%get3A_423, %get3A_424] {strides = array<i32>} : memref<256x128xf32, #tpu.memory_space<vmem>>, vector<16xf32>,
      %mul3A_426 = arith.mulf %get3A_422, %get3A_425 : vector<16xf32>
      %get3A_427 = arith.index_cast %add3A_419 : i32 to index
      %get3A_428 = arith.constant 16 : index
      %get3A_429 = tpu.vector_load %arg11[%get3A_427, %get3A_428] {strides = array<i32>} : memref<256x128xf32, #tpu.memory_space<vmem>>, vector<16xf32>,
      %get3A_430 = arith.index_cast %add3A_419 : i32 to index
      %get3A_431 = arith.constant 80 : index
      %get3A_432 = tpu.vector_load %arg12[%get3A_430, %get3A_431] {strides = array<i32>} : memref<256x128xf32, #tpu.memory_space<vmem>>, vector<16xf32>,
      %mul3A_433 = arith.mulf %get3A_429, %get3A_432 : vector<16xf32>
      %add3A_434 = arith.addf %mul3A_426, %mul3A_433 : vector<16xf32>
      %get3A_435 = arith.index_cast %add3A_419 : i32 to index
      %get3A_436 = arith.constant 32 : index
      %get3A_437 = tpu.vector_load %arg11[%get3A_435, %get3A_436] {strides = array<i32>} : memref<256x128xf32, #tpu.memory_space<vmem>>, vector<16xf32>,
      %get3A_438 = arith.index_cast %add3A_419 : i32 to index
      %get3A_439 = arith.constant 96 : index
      %get3A_440 = tpu.vector_load %arg12[%get3A_438, %get3A_439] {strides = array<i32>} : memref<256x128xf32, #tpu.memory_space<vmem>>, vector<16xf32>,
      %mul3A_441 = arith.mulf %get3A_437, %get3A_440 : vector<16xf32>
      %add3A_442 = arith.addf %add3A_434, %mul3A_441 : vector<16xf32>
      %get3A_443 = arith.index_cast %add3A_419 : i32 to index
      %get3A_444 = arith.constant 48 : index
      %get3A_445 = tpu.vector_load %arg11[%get3A_443, %get3A_444] {strides = array<i32>} : memref<256x128xf32, #tpu.memory_space<vmem>>, vector<16xf32>,
      %get3A_446 = arith.index_cast %add3A_419 : i32 to index
      %get3A_447 = arith.constant 112 : index
      %get3A_448 = tpu.vector_load %arg12[%get3A_446, %get3A_447] {strides = array<i32>} : memref<256x128xf32, #tpu.memory_space<vmem>>, vector<16xf32>,
      %mul3A_449 = arith.mulf %get3A_445, %get3A_448 : vector<16xf32>
      %add3A_450 = arith.addf %add3A_442, %mul3A_449 : vector<16xf32>
      %reduce_sum3A_451 = arith.constant true
      %reduce_sum3A_452 = vector.broadcast %reduce_sum3A_451 : i1 to vector<16xi1>
      %reduce_sum3A_453 = tpu.scan <sum>, %add3A_450 masked %reduce_sum3A_452 : vector<16xf32>, vector<16xi1> -> vector<16xf32>
      %reduce_sum3A_454 = vector.extract %reduce_sum3A_453[15] : f32 from vector<16xf32>
      %broadcast_in_dim3A_455 = vector.broadcast %reduce_sum3A_454 : f32 to vector<16xf32>
      %select_n3A_456 = arith.select %eq3A_29, %broadcast_in_dim3A_455, %select_n3A_417 : vector<16xi1>, vector<16xf32>
      %add3A_457 = arith.constant 9 : i32
      %add3A_458 = arith.addi %multiple_of3A, %add3A_457 : i32
      %get3A_459 = arith.index_cast %add3A_458 : i32 to index
      %get3A_460 = arith.constant 0 : index
      %get3A_461 = tpu.vector_load %arg11[%get3A_459, %get3A_460] {strides = array<i32>} : memref<256x128xf32, #tpu.memory_space<vmem>>, vector<16xf32>,
      %get3A_462 = arith.index_cast %add3A_458 : i32 to index
      %get3A_463 = arith.constant 64 : index
      %get3A_464 = tpu.vector_load %arg12[%get3A_462, %get3A_463] {strides = array<i32>} : memref<256x128xf32, #tpu.memory_space<vmem>>, vector<16xf32>,
      %mul3A_465 = arith.mulf %get3A_461, %get3A_464 : vector<16xf32>
      %get3A_466 = arith.index_cast %add3A_458 : i32 to index
      %get3A_467 = arith.constant 16 : index
      %get3A_468 = tpu.vector_load %arg11[%get3A_466, %get3A_467] {strides = array<i32>} : memref<256x128xf32, #tpu.memory_space<vmem>>, vector<16xf32>,
      %get3A_469 = arith.index_cast %add3A_458 : i32 to index
      %get3A_470 = arith.constant 80 : index
      %get3A_471 = tpu.vector_load %arg12[%get3A_469, %get3A_470] {strides = array<i32>} : memref<256x128xf32, #tpu.memory_space<vmem>>, vector<16xf32>,
      %mul3A_472 = arith.mulf %get3A_468, %get3A_471 : vector<16xf32>
      %add3A_473 = arith.addf %mul3A_465, %mul3A_472 : vector<16xf32>
      %get3A_474 = arith.index_cast %add3A_458 : i32 to index
      %get3A_475 = arith.constant 32 : index
      %get3A_476 = tpu.vector_load %arg11[%get3A_474, %get3A_475] {strides = array<i32>} : memref<256x128xf32, #tpu.memory_space<vmem>>, vector<16xf32>,
      %get3A_477 = arith.index_cast %add3A_458 : i32 to index
      %get3A_478 = arith.constant 96 : index
      %get3A_479 = tpu.vector_load %arg12[%get3A_477, %get3A_478] {strides = array<i32>} : memref<256x128xf32, #tpu.memory_space<vmem>>, vector<16xf32>,
      %mul3A_480 = arith.mulf %get3A_476, %get3A_479 : vector<16xf32>
      %add3A_481 = arith.addf %add3A_473, %mul3A_480 : vector<16xf32>
      %get3A_482 = arith.index_cast %add3A_458 : i32 to index
      %get3A_483 = arith.constant 48 : index
      %get3A_484 = tpu.vector_load %arg11[%get3A_482, %get3A_483] {strides = array<i32>} : memref<256x128xf32, #tpu.memory_space<vmem>>, vector<16xf32>,
      %get3A_485 = arith.index_cast %add3A_458 : i32 to index
      %get3A_486 = arith.constant 112 : index
      %get3A_487 = tpu.vector_load %arg12[%get3A_485, %get3A_486] {strides = array<i32>} : memref<256x128xf32, #tpu.memory_space<vmem>>, vector<16xf32>,
      %mul3A_488 = arith.mulf %get3A_484, %get3A_487 : vector<16xf32>
      %add3A_489 = arith.addf %add3A_481, %mul3A_488 : vector<16xf32>
      %reduce_sum3A_490 = arith.constant true
      %reduce_sum3A_491 = vector.broadcast %reduce_sum3A_490 : i1 to vector<16xi1>
      %reduce_sum3A_492 = tpu.scan <sum>, %add3A_489 masked %reduce_sum3A_491 : vector<16xf32>, vector<16xi1> -> vector<16xf32>
      %reduce_sum3A_493 = vector.extract %reduce_sum3A_492[15] : f32 from vector<16xf32>
      %broadcast_in_dim3A_494 = vector.broadcast %reduce_sum3A_493 : f32 to vector<16xf32>
      %select_n3A_495 = arith.select %eq3A_32, %broadcast_in_dim3A_494, %select_n3A_456 : vector<16xi1>, vector<16xf32>
      %add3A_496 = arith.constant 10 : i32
      %add3A_497 = arith.addi %multiple_of3A, %add3A_496 : i32
      %get3A_498 = arith.index_cast %add3A_497 : i32 to index
      %get3A_499 = arith.constant 0 : index
      %get3A_500 = tpu.vector_load %arg11[%get3A_498, %get3A_499] {strides = array<i32>} : memref<256x128xf32, #tpu.memory_space<vmem>>, vector<16xf32>,
      %get3A_501 = arith.index_cast %add3A_497 : i32 to index
      %get3A_502 = arith.constant 64 : index
      %get3A_503 = tpu.vector_load %arg12[%get3A_501, %get3A_502] {strides = array<i32>} : memref<256x128xf32, #tpu.memory_space<vmem>>, vector<16xf32>,
      %mul3A_504 = arith.mulf %get3A_500, %get3A_503 : vector<16xf32>
      %get3A_505 = arith.index_cast %add3A_497 : i32 to index
      %get3A_506 = arith.constant 16 : index
      %get3A_507 = tpu.vector_load %arg11[%get3A_505, %get3A_506] {strides = array<i32>} : memref<256x128xf32, #tpu.memory_space<vmem>>, vector<16xf32>,
      %get3A_508 = arith.index_cast %add3A_497 : i32 to index
      %get3A_509 = arith.constant 80 : index
      %get3A_510 = tpu.vector_load %arg12[%get3A_508, %get3A_509] {strides = array<i32>} : memref<256x128xf32, #tpu.memory_space<vmem>>, vector<16xf32>,
      %mul3A_511 = arith.mulf %get3A_507, %get3A_510 : vector<16xf32>
      %add3A_512 = arith.addf %mul3A_504, %mul3A_511 : vector<16xf32>
      %get3A_513 = arith.index_cast %add3A_497 : i32 to index
      %get3A_514 = arith.constant 32 : index
      %get3A_515 = tpu.vector_load %arg11[%get3A_513, %get3A_514] {strides = array<i32>} : memref<256x128xf32, #tpu.memory_space<vmem>>, vector<16xf32>,
      %get3A_516 = arith.index_cast %add3A_497 : i32 to index
      %get3A_517 = arith.constant 96 : index
      %get3A_518 = tpu.vector_load %arg12[%get3A_516, %get3A_517] {strides = array<i32>} : memref<256x128xf32, #tpu.memory_space<vmem>>, vector<16xf32>,
      %mul3A_519 = arith.mulf %get3A_515, %get3A_518 : vector<16xf32>
      %add3A_520 = arith.addf %add3A_512, %mul3A_519 : vector<16xf32>
      %get3A_521 = arith.index_cast %add3A_497 : i32 to index
      %get3A_522 = arith.constant 48 : index
      %get3A_523 = tpu.vector_load %arg11[%get3A_521, %get3A_522] {strides = array<i32>} : memref<256x128xf32, #tpu.memory_space<vmem>>, vector<16xf32>,
      %get3A_524 = arith.index_cast %add3A_497 : i32 to index
      %get3A_525 = arith.constant 112 : index
      %get3A_526 = tpu.vector_load %arg12[%get3A_524, %get3A_525] {strides = array<i32>} : memref<256x128xf32, #tpu.memory_space<vmem>>, vector<16xf32>,
      %mul3A_527 = arith.mulf %get3A_523, %get3A_526 : vector<16xf32>
      %add3A_528 = arith.addf %add3A_520, %mul3A_527 : vector<16xf32>
      %reduce_sum3A_529 = arith.constant true
      %reduce_sum3A_530 = vector.broadcast %reduce_sum3A_529 : i1 to vector<16xi1>
      %reduce_sum3A_531 = tpu.scan <sum>, %add3A_528 masked %reduce_sum3A_530 : vector<16xf32>, vector<16xi1> -> vector<16xf32>
      %reduce_sum3A_532 = vector.extract %reduce_sum3A_531[15] : f32 from vector<16xf32>
      %broadcast_in_dim3A_533 = vector.broadcast %reduce_sum3A_532 : f32 to vector<16xf32>
      %select_n3A_534 = arith.select %eq3A_35, %broadcast_in_dim3A_533, %select_n3A_495 : vector<16xi1>, vector<16xf32>
      %add3A_535 = arith.constant 11 : i32
      %add3A_536 = arith.addi %multiple_of3A, %add3A_535 : i32
      %get3A_537 = arith.index_cast %add3A_536 : i32 to index
      %get3A_538 = arith.constant 0 : index
      %get3A_539 = tpu.vector_load %arg11[%get3A_537, %get3A_538] {strides = array<i32>} : memref<256x128xf32, #tpu.memory_space<vmem>>, vector<16xf32>,
      %get3A_540 = arith.index_cast %add3A_536 : i32 to index
      %get3A_541 = arith.constant 64 : index
      %get3A_542 = tpu.vector_load %arg12[%get3A_540, %get3A_541] {strides = array<i32>} : memref<256x128xf32, #tpu.memory_space<vmem>>, vector<16xf32>,
      %mul3A_543 = arith.mulf %get3A_539, %get3A_542 : vector<16xf32>
      %get3A_544 = arith.index_cast %add3A_536 : i32 to index
      %get3A_545 = arith.constant 16 : index
      %get3A_546 = tpu.vector_load %arg11[%get3A_544, %get3A_545] {strides = array<i32>} : memref<256x128xf32, #tpu.memory_space<vmem>>, vector<16xf32>,
      %get3A_547 = arith.index_cast %add3A_536 : i32 to index
      %get3A_548 = arith.constant 80 : index
      %get3A_549 = tpu.vector_load %arg12[%get3A_547, %get3A_548] {strides = array<i32>} : memref<256x128xf32, #tpu.memory_space<vmem>>, vector<16xf32>,
      %mul3A_550 = arith.mulf %get3A_546, %get3A_549 : vector<16xf32>
      %add3A_551 = arith.addf %mul3A_543, %mul3A_550 : vector<16xf32>
      %get3A_552 = arith.index_cast %add3A_536 : i32 to index
      %get3A_553 = arith.constant 32 : index
      %get3A_554 = tpu.vector_load %arg11[%get3A_552, %get3A_553] {strides = array<i32>} : memref<256x128xf32, #tpu.memory_space<vmem>>, vector<16xf32>,
      %get3A_555 = arith.index_cast %add3A_536 : i32 to index
      %get3A_556 = arith.constant 96 : index
      %get3A_557 = tpu.vector_load %arg12[%get3A_555, %get3A_556] {strides = array<i32>} : memref<256x128xf32, #tpu.memory_space<vmem>>, vector<16xf32>,
      %mul3A_558 = arith.mulf %get3A_554, %get3A_557 : vector<16xf32>
      %add3A_559 = arith.addf %add3A_551, %mul3A_558 : vector<16xf32>
      %get3A_560 = arith.index_cast %add3A_536 : i32 to index
      %get3A_561 = arith.constant 48 : index
      %get3A_562 = tpu.vector_load %arg11[%get3A_560, %get3A_561] {strides = array<i32>} : memref<256x128xf32, #tpu.memory_space<vmem>>, vector<16xf32>,
      %get3A_563 = arith.index_cast %add3A_536 : i32 to index
      %get3A_564 = arith.constant 112 : index
      %get3A_565 = tpu.vector_load %arg12[%get3A_563, %get3A_564] {strides = array<i32>} : memref<256x128xf32, #tpu.memory_space<vmem>>, vector<16xf32>,
      %mul3A_566 = arith.mulf %get3A_562, %get3A_565 : vector<16xf32>
      %add3A_567 = arith.addf %add3A_559, %mul3A_566 : vector<16xf32>
      %reduce_sum3A_568 = arith.constant true
      %reduce_sum3A_569 = vector.broadcast %reduce_sum3A_568 : i1 to vector<16xi1>
      %reduce_sum3A_570 = tpu.scan <sum>, %add3A_567 masked %reduce_sum3A_569 : vector<16xf32>, vector<16xi1> -> vector<16xf32>
      %reduce_sum3A_571 = vector.extract %reduce_sum3A_570[15] : f32 from vector<16xf32>
      %broadcast_in_dim3A_572 = vector.broadcast %reduce_sum3A_571 : f32 to vector<16xf32>
      %select_n3A_573 = arith.select %eq3A_38, %broadcast_in_dim3A_572, %select_n3A_534 : vector<16xi1>, vector<16xf32>
      %add3A_574 = arith.constant 12 : i32
      %add3A_575 = arith.addi %multiple_of3A, %add3A_574 : i32
      %get3A_576 = arith.index_cast %add3A_575 : i32 to index
      %get3A_577 = arith.constant 0 : index
      %get3A_578 = tpu.vector_load %arg11[%get3A_576, %get3A_577] {strides = array<i32>} : memref<256x128xf32, #tpu.memory_space<vmem>>, vector<16xf32>,
      %get3A_579 = arith.index_cast %add3A_575 : i32 to index
      %get3A_580 = arith.constant 64 : index
      %get3A_581 = tpu.vector_load %arg12[%get3A_579, %get3A_580] {strides = array<i32>} : memref<256x128xf32, #tpu.memory_space<vmem>>, vector<16xf32>,
      %mul3A_582 = arith.mulf %get3A_578, %get3A_581 : vector<16xf32>
      %get3A_583 = arith.index_cast %add3A_575 : i32 to index
      %get3A_584 = arith.constant 16 : index
      %get3A_585 = tpu.vector_load %arg11[%get3A_583, %get3A_584] {strides = array<i32>} : memref<256x128xf32, #tpu.memory_space<vmem>>, vector<16xf32>,
      %get3A_586 = arith.index_cast %add3A_575 : i32 to index
      %get3A_587 = arith.constant 80 : index
      %get3A_588 = tpu.vector_load %arg12[%get3A_586, %get3A_587] {strides = array<i32>} : memref<256x128xf32, #tpu.memory_space<vmem>>, vector<16xf32>,
      %mul3A_589 = arith.mulf %get3A_585, %get3A_588 : vector<16xf32>
      %add3A_590 = arith.addf %mul3A_582, %mul3A_589 : vector<16xf32>
      %get3A_591 = arith.index_cast %add3A_575 : i32 to index
      %get3A_592 = arith.constant 32 : index
      %get3A_593 = tpu.vector_load %arg11[%get3A_591, %get3A_592] {strides = array<i32>} : memref<256x128xf32, #tpu.memory_space<vmem>>, vector<16xf32>,
      %get3A_594 = arith.index_cast %add3A_575 : i32 to index
      %get3A_595 = arith.constant 96 : index
      %get3A_596 = tpu.vector_load %arg12[%get3A_594, %get3A_595] {strides = array<i32>} : memref<256x128xf32, #tpu.memory_space<vmem>>, vector<16xf32>,
      %mul3A_597 = arith.mulf %get3A_593, %get3A_596 : vector<16xf32>
      %add3A_598 = arith.addf %add3A_590, %mul3A_597 : vector<16xf32>
      %get3A_599 = arith.index_cast %add3A_575 : i32 to index
      %get3A_600 = arith.constant 48 : index
      %get3A_601 = tpu.vector_load %arg11[%get3A_599, %get3A_600] {strides = array<i32>} : memref<256x128xf32, #tpu.memory_space<vmem>>, vector<16xf32>,
      %get3A_602 = arith.index_cast %add3A_575 : i32 to index
      %get3A_603 = arith.constant 112 : index
      %get3A_604 = tpu.vector_load %arg12[%get3A_602, %get3A_603] {strides = array<i32>} : memref<256x128xf32, #tpu.memory_space<vmem>>, vector<16xf32>,
      %mul3A_605 = arith.mulf %get3A_601, %get3A_604 : vector<16xf32>
      %add3A_606 = arith.addf %add3A_598, %mul3A_605 : vector<16xf32>
      %reduce_sum3A_607 = arith.constant true
      %reduce_sum3A_608 = vector.broadcast %reduce_sum3A_607 : i1 to vector<16xi1>
      %reduce_sum3A_609 = tpu.scan <sum>, %add3A_606 masked %reduce_sum3A_608 : vector<16xf32>, vector<16xi1> -> vector<16xf32>
      %reduce_sum3A_610 = vector.extract %reduce_sum3A_609[15] : f32 from vector<16xf32>
      %broadcast_in_dim3A_611 = vector.broadcast %reduce_sum3A_610 : f32 to vector<16xf32>
      %select_n3A_612 = arith.select %eq3A_41, %broadcast_in_dim3A_611, %select_n3A_573 : vector<16xi1>, vector<16xf32>
      %add3A_613 = arith.constant 13 : i32
      %add3A_614 = arith.addi %multiple_of3A, %add3A_613 : i32
      %get3A_615 = arith.index_cast %add3A_614 : i32 to index
      %get3A_616 = arith.constant 0 : index
      %get3A_617 = tpu.vector_load %arg11[%get3A_615, %get3A_616] {strides = array<i32>} : memref<256x128xf32, #tpu.memory_space<vmem>>, vector<16xf32>,
      %get3A_618 = arith.index_cast %add3A_614 : i32 to index
      %get3A_619 = arith.constant 64 : index
      %get3A_620 = tpu.vector_load %arg12[%get3A_618, %get3A_619] {strides = array<i32>} : memref<256x128xf32, #tpu.memory_space<vmem>>, vector<16xf32>,
      %mul3A_621 = arith.mulf %get3A_617, %get3A_620 : vector<16xf32>
      %get3A_622 = arith.index_cast %add3A_614 : i32 to index
      %get3A_623 = arith.constant 16 : index
      %get3A_624 = tpu.vector_load %arg11[%get3A_622, %get3A_623] {strides = array<i32>} : memref<256x128xf32, #tpu.memory_space<vmem>>, vector<16xf32>,
      %get3A_625 = arith.index_cast %add3A_614 : i32 to index
      %get3A_626 = arith.constant 80 : index
      %get3A_627 = tpu.vector_load %arg12[%get3A_625, %get3A_626] {strides = array<i32>} : memref<256x128xf32, #tpu.memory_space<vmem>>, vector<16xf32>,
      %mul3A_628 = arith.mulf %get3A_624, %get3A_627 : vector<16xf32>
      %add3A_629 = arith.addf %mul3A_621, %mul3A_628 : vector<16xf32>
      %get3A_630 = arith.index_cast %add3A_614 : i32 to index
      %get3A_631 = arith.constant 32 : index
      %get3A_632 = tpu.vector_load %arg11[%get3A_630, %get3A_631] {strides = array<i32>} : memref<256x128xf32, #tpu.memory_space<vmem>>, vector<16xf32>,
      %get3A_633 = arith.index_cast %add3A_614 : i32 to index
      %get3A_634 = arith.constant 96 : index
      %get3A_635 = tpu.vector_load %arg12[%get3A_633, %get3A_634] {strides = array<i32>} : memref<256x128xf32, #tpu.memory_space<vmem>>, vector<16xf32>,
      %mul3A_636 = arith.mulf %get3A_632, %get3A_635 : vector<16xf32>
      %add3A_637 = arith.addf %add3A_629, %mul3A_636 : vector<16xf32>
      %get3A_638 = arith.index_cast %add3A_614 : i32 to index
      %get3A_639 = arith.constant 48 : index
      %get3A_640 = tpu.vector_load %arg11[%get3A_638, %get3A_639] {strides = array<i32>} : memref<256x128xf32, #tpu.memory_space<vmem>>, vector<16xf32>,
      %get3A_641 = arith.index_cast %add3A_614 : i32 to index
      %get3A_642 = arith.constant 112 : index
      %get3A_643 = tpu.vector_load %arg12[%get3A_641, %get3A_642] {strides = array<i32>} : memref<256x128xf32, #tpu.memory_space<vmem>>, vector<16xf32>,
      %mul3A_644 = arith.mulf %get3A_640, %get3A_643 : vector<16xf32>
      %add3A_645 = arith.addf %add3A_637, %mul3A_644 : vector<16xf32>
      %reduce_sum3A_646 = arith.constant true
      %reduce_sum3A_647 = vector.broadcast %reduce_sum3A_646 : i1 to vector<16xi1>
      %reduce_sum3A_648 = tpu.scan <sum>, %add3A_645 masked %reduce_sum3A_647 : vector<16xf32>, vector<16xi1> -> vector<16xf32>
      %reduce_sum3A_649 = vector.extract %reduce_sum3A_648[15] : f32 from vector<16xf32>
      %broadcast_in_dim3A_650 = vector.broadcast %reduce_sum3A_649 : f32 to vector<16xf32>
      %select_n3A_651 = arith.select %eq3A_44, %broadcast_in_dim3A_650, %select_n3A_612 : vector<16xi1>, vector<16xf32>
      %add3A_652 = arith.constant 14 : i32
      %add3A_653 = arith.addi %multiple_of3A, %add3A_652 : i32
      %get3A_654 = arith.index_cast %add3A_653 : i32 to index
      %get3A_655 = arith.constant 0 : index
      %get3A_656 = tpu.vector_load %arg11[%get3A_654, %get3A_655] {strides = array<i32>} : memref<256x128xf32, #tpu.memory_space<vmem>>, vector<16xf32>,
      %get3A_657 = arith.index_cast %add3A_653 : i32 to index
      %get3A_658 = arith.constant 64 : index
      %get3A_659 = tpu.vector_load %arg12[%get3A_657, %get3A_658] {strides = array<i32>} : memref<256x128xf32, #tpu.memory_space<vmem>>, vector<16xf32>,
      %mul3A_660 = arith.mulf %get3A_656, %get3A_659 : vector<16xf32>
      %get3A_661 = arith.index_cast %add3A_653 : i32 to index
      %get3A_662 = arith.constant 16 : index
      %get3A_663 = tpu.vector_load %arg11[%get3A_661, %get3A_662] {strides = array<i32>} : memref<256x128xf32, #tpu.memory_space<vmem>>, vector<16xf32>,
      %get3A_664 = arith.index_cast %add3A_653 : i32 to index
      %get3A_665 = arith.constant 80 : index
      %get3A_666 = tpu.vector_load %arg12[%get3A_664, %get3A_665] {strides = array<i32>} : memref<256x128xf32, #tpu.memory_space<vmem>>, vector<16xf32>,
      %mul3A_667 = arith.mulf %get3A_663, %get3A_666 : vector<16xf32>
      %add3A_668 = arith.addf %mul3A_660, %mul3A_667 : vector<16xf32>
      %get3A_669 = arith.index_cast %add3A_653 : i32 to index
      %get3A_670 = arith.constant 32 : index
      %get3A_671 = tpu.vector_load %arg11[%get3A_669, %get3A_670] {strides = array<i32>} : memref<256x128xf32, #tpu.memory_space<vmem>>, vector<16xf32>,
      %get3A_672 = arith.index_cast %add3A_653 : i32 to index
      %get3A_673 = arith.constant 96 : index
      %get3A_674 = tpu.vector_load %arg12[%get3A_672, %get3A_673] {strides = array<i32>} : memref<256x128xf32, #tpu.memory_space<vmem>>, vector<16xf32>,
      %mul3A_675 = arith.mulf %get3A_671, %get3A_674 : vector<16xf32>
      %add3A_676 = arith.addf %add3A_668, %mul3A_675 : vector<16xf32>
      %get3A_677 = arith.index_cast %add3A_653 : i32 to index
      %get3A_678 = arith.constant 48 : index
      %get3A_679 = tpu.vector_load %arg11[%get3A_677, %get3A_678] {strides = array<i32>} : memref<256x128xf32, #tpu.memory_space<vmem>>, vector<16xf32>,
      %get3A_680 = arith.index_cast %add3A_653 : i32 to index
      %get3A_681 = arith.constant 112 : index
      %get3A_682 = tpu.vector_load %arg12[%get3A_680, %get3A_681] {strides = array<i32>} : memref<256x128xf32, #tpu.memory_space<vmem>>, vector<16xf32>,
      %mul3A_683 = arith.mulf %get3A_679, %get3A_682 : vector<16xf32>
      %add3A_684 = arith.addf %add3A_676, %mul3A_683 : vector<16xf32>
      %reduce_sum3A_685 = arith.constant true
      %reduce_sum3A_686 = vector.broadcast %reduce_sum3A_685 : i1 to vector<16xi1>
      %reduce_sum3A_687 = tpu.scan <sum>, %add3A_684 masked %reduce_sum3A_686 : vector<16xf32>, vector<16xi1> -> vector<16xf32>
      %reduce_sum3A_688 = vector.extract %reduce_sum3A_687[15] : f32 from vector<16xf32>
      %broadcast_in_dim3A_689 = vector.broadcast %reduce_sum3A_688 : f32 to vector<16xf32>
      %select_n3A_690 = arith.select %eq3A_47, %broadcast_in_dim3A_689, %select_n3A_651 : vector<16xi1>, vector<16xf32>
      %add3A_691 = arith.constant 15 : i32
      %add3A_692 = arith.addi %multiple_of3A, %add3A_691 : i32
      %get3A_693 = arith.index_cast %add3A_692 : i32 to index
      %get3A_694 = arith.constant 0 : index
      %get3A_695 = tpu.vector_load %arg11[%get3A_693, %get3A_694] {strides = array<i32>} : memref<256x128xf32, #tpu.memory_space<vmem>>, vector<16xf32>,
      %get3A_696 = arith.index_cast %add3A_692 : i32 to index
      %get3A_697 = arith.constant 64 : index
      %get3A_698 = tpu.vector_load %arg12[%get3A_696, %get3A_697] {strides = array<i32>} : memref<256x128xf32, #tpu.memory_space<vmem>>, vector<16xf32>,
      %mul3A_699 = arith.mulf %get3A_695, %get3A_698 : vector<16xf32>
      %get3A_700 = arith.index_cast %add3A_692 : i32 to index
      %get3A_701 = arith.constant 16 : index
      %get3A_702 = tpu.vector_load %arg11[%get3A_700, %get3A_701] {strides = array<i32>} : memref<256x128xf32, #tpu.memory_space<vmem>>, vector<16xf32>,
      %get3A_703 = arith.index_cast %add3A_692 : i32 to index
      %get3A_704 = arith.constant 80 : index
      %get3A_705 = tpu.vector_load %arg12[%get3A_703, %get3A_704] {strides = array<i32>} : memref<256x128xf32, #tpu.memory_space<vmem>>, vector<16xf32>,
      %mul3A_706 = arith.mulf %get3A_702, %get3A_705 : vector<16xf32>
      %add3A_707 = arith.addf %mul3A_699, %mul3A_706 : vector<16xf32>
      %get3A_708 = arith.index_cast %add3A_692 : i32 to index
      %get3A_709 = arith.constant 32 : index
      %get3A_710 = tpu.vector_load %arg11[%get3A_708, %get3A_709] {strides = array<i32>} : memref<256x128xf32, #tpu.memory_space<vmem>>, vector<16xf32>,
      %get3A_711 = arith.index_cast %add3A_692 : i32 to index
      %get3A_712 = arith.constant 96 : index
      %get3A_713 = tpu.vector_load %arg12[%get3A_711, %get3A_712] {strides = array<i32>} : memref<256x128xf32, #tpu.memory_space<vmem>>, vector<16xf32>,
      %mul3A_714 = arith.mulf %get3A_710, %get3A_713 : vector<16xf32>
      %add3A_715 = arith.addf %add3A_707, %mul3A_714 : vector<16xf32>
      %get3A_716 = arith.index_cast %add3A_692 : i32 to index
      %get3A_717 = arith.constant 48 : index
      %get3A_718 = tpu.vector_load %arg11[%get3A_716, %get3A_717] {strides = array<i32>} : memref<256x128xf32, #tpu.memory_space<vmem>>, vector<16xf32>,
      %get3A_719 = arith.index_cast %add3A_692 : i32 to index
      %get3A_720 = arith.constant 112 : index
      %get3A_721 = tpu.vector_load %arg12[%get3A_719, %get3A_720] {strides = array<i32>} : memref<256x128xf32, #tpu.memory_space<vmem>>, vector<16xf32>,
      %mul3A_722 = arith.mulf %get3A_718, %get3A_721 : vector<16xf32>
      %add3A_723 = arith.addf %add3A_715, %mul3A_722 : vector<16xf32>
      %reduce_sum3A_724 = arith.constant true
      %reduce_sum3A_725 = vector.broadcast %reduce_sum3A_724 : i1 to vector<16xi1>
      %reduce_sum3A_726 = tpu.scan <sum>, %add3A_723 masked %reduce_sum3A_725 : vector<16xf32>, vector<16xi1> -> vector<16xf32>
      %reduce_sum3A_727 = vector.extract %reduce_sum3A_726[15] : f32 from vector<16xf32>
      %broadcast_in_dim3A_728 = vector.broadcast %reduce_sum3A_727 : f32 to vector<16xf32>
      %select_n3A_729 = arith.select %eq3A_50, %broadcast_in_dim3A_728, %select_n3A_690 : vector<16xi1>, vector<16xf32>
      %get3A_730 = arith.index_cast %multiple_of3A : i32 to index
      %get3A_731 = tpu.vector_load %arg13[%get3A_730] {strides = array<i32>} : memref<256xf32, #tpu.memory_space<vmem>>, vector<16xf32>,
      %add3A_732 = arith.addf %get3A_3, %get3A_731 : vector<16xf32>
      %get3A_733 = arith.index_cast %multiple_of3A : i32 to index
      %get3A_734 = tpu.vector_load %arg14[%get3A_733] {strides = array<i32>} : memref<256xf32, #tpu.memory_space<vmem>>, vector<16xf32>,
      %add3A_735 = arith.addf %add3A_732, %get3A_734 : vector<16xf32>
      %add3A_736 = arith.addf %add3A_735, %select_n3A_729 : vector<16xf32>
      %swap3A = arith.index_cast %multiple_of3A : i32 to index
      %swap3A_737 = tpu.vector_load %arg16[%swap3A] {strides = array<i32>} : memref<256xf32, #tpu.memory_space<vmem>>, vector<16xf32>,
      tpu.vector_store %arg16[%swap3A], %add3A_736 {strides = array<i32>} : memref<256xf32, #tpu.memory_space<vmem>>, vector<16xf32>,
    }
    %scan3A_103 = arith.constant 16 : i32
    "tpu.region"() ({
      %run_scoped3A = tpu.sem_alloc : memref<!tpu.dma_semaphore, #tpu.memory_space<semaphore_mem>>
      %dma_start3A_104 = tpu.memref_slice %arg8[%add3A_77] : memref<16384xf32, #tpu.memory_space<hbm>> -> memref<256xf32, #tpu.memory_space<hbm>>
      %dma_start3A_105 = tpu.memref_slice %arg8[%add3A_77] : memref<16384xf32, #tpu.memory_space<hbm>> -> memref<256xf32, #tpu.memory_space<hbm>>
      tpu.enqueue_dma source(%arg16 : memref<256xf32, #tpu.memory_space<vmem>>) target(%dma_start3A_105 : memref<256xf32, #tpu.memory_space<hbm>>) target_semaphore(%run_scoped3A : memref<!tpu.dma_semaphore, #tpu.memory_space<semaphore_mem>>)
      %dma_wait3A_106 = tpu.memref_slice %arg8[%add3A_77] : memref<16384xf32, #tpu.memory_space<hbm>> -> memref<256xf32, #tpu.memory_space<hbm>>
      %dma_wait3A_107 = tpu.memref_slice %arg8[%add3A_77] : memref<16384xf32, #tpu.memory_space<hbm>> -> memref<256xf32, #tpu.memory_space<hbm>>
      tpu.wait_dma2 semaphore(%run_scoped3A : memref<!tpu.dma_semaphore, #tpu.memory_space<semaphore_mem>>) src(%arg16 : memref<256xf32, #tpu.memory_space<vmem>>) dst(%dma_wait3A_107 : memref<256xf32, #tpu.memory_space<hbm>>)
      tpu.yield
    }) : () -> ()
    return
  }
}

</mosaic_0001>

<sc_bundles>
// kernel: kernel.3.cloned.1.call-start
scs
__scs_entry_jumppad:
0x0: {  	(pc) =	sbr.rel $0x88, $3  }
0x1: {  	(tag) =	ssettag $0x0;
	lr =	simm.s32 $0x1  }
0x2: {  	[smem:$0x3F9A] =	sst lr;
	_ =	strace $0xD0000000  }
0x3: {  	_ = 	snop  }
0x4: {  	_ = 	snop  }
0x5: {  	_ = 	snop  }
0x6: {  	_ = 	snop  }
0x7: {  	_ = 	snop  }
__scs_overlays_trampoline_lowered:
0x8: {  	[smem:$0x3FA9] =	sst s0  }
0x9: {  	[smem:$0x3FAA] =	sst s1  }
0xa: {  	[smem:$0x3FAB] =	sst s2  }
0xb: {  	[smem:$0x3FAC] =	sst s3  }
0xc: {  	[smem:$0x3FAD] =	sst s4  }
0xd: {  	[smem:$0x3FAE] =	sst s5  }
0xe: {  	[smem:$0x3FAF] =	sst s6  }
0xf: {  	[smem:$0x3FB0] =	sst s7  }
0x10: {  	[smem:$0x3FB1] =	sst s8  }
0x11: {  	[smem:$0x3FB2] =	sst s9;
	s0 =	simm.s32 @!p0 $0x0  }
0x12: {  	s1 =	sld [smem:$0x3F98];
	s0 =	simm.s32 @p0 $0x1  }
0x13: {  	[smem:$0x3FB3] =	sst s0;
	s0 =	simm.s32 @!p1 $0x0  }
0x14: {  	s2 =	sld [smem:$0x3F97];
	s0 =	simm.s32 @p1 $0x1  }
0x15: {  	[smem:$0x3FB4] =	sst s0;
	s0 =	simm.s32 @!p2 $0x0  }
0x16: {  	s3 =	sld [smem:$0x3FDB];
	s0 =	simm.s32 @p2 $0x1  }
0x17: {  	s4 =	simm.s32 $0x1BF5;
	[smem:$0x3FB6] =	sst s0  }
0x18: {  	s0 =	sld [smem:$0x3F99];
	_ =	swait.ge [sflag:s4], $0x0  }
0x19: {  	s7 =	sld [smem:$0x3F9A]  }
0x1a: {  	s8 =	sadd.s32 $0xFFFFE003, lr  }
0x1b: {  	s9 =	sadd.s32 $0xFFFFFEF7, lr;
	s5 =	simm.s32 $0xFFFFFFFF;
	p2 =	slt.u32 s8, $0xFFFFF086  }
0x1c: {  	p1 =	slt.u32 s9, $0xF7A;
	s5 =	simm.s32 @!p2 $0x0  }
0x1d: {  	s5 =	simm.s32 @p1 $0x1;
	p0 =	seq.s32 s7, s2  }
0x1e: {  	s7 =	smul.u32 @!p0 $0xF7A, s2;
	p2 =	seq.s32 @!p0 s5, $0x0  }
0x1f: {  	s9 =	smul.u32 $0xF7A, s1;
	s8 =	simm.s32 @!p0 $0x1BF5;
	p2 =	por !p2, p0  }
0x20: {  	[sflag:s8] =	ssyncset.s32 @!p0 $0xFFFFF086;
	s6 =	sadd.s32 @!p0 s3, s7;
	s7 =	simm.s32 @!p0 $0x108  }
0x21: {  	s3 =	sadd.s32 s3, s9;
	s6 =	sadd.s32 @!p0 $0x88, s6;
	s7 =	simm.s32 @p2 $0x1082  }
0x22: {  	[simem:s7], [sflag:s8] =	dma.local @!p0 [hbm:s6], $0xF7A  }
0x23: {  	s9 =	sor.u32 $0xD0000000, s2;
	s6 =	simm.s32 $0x108;
	_ =	swait.ge @!p0 [sflag:s8], $0x0  }
0x24: {  	s3 =	sadd.s32 $0x88, s3;
	s6 =	simm.s32 @!p1 $0x1082;
	[sflag:s4] =	ssyncset.s32 $0xFFFFF086  }
0x25: {  	[simem:s6], [sflag:s4] =	dma.local [hbm:s3], $0xF7A  }
0x26: {  	[smem:$0x3F9A] =	sst s1;
	(tag) =	ssettag s2;
	_ =	strace s9  }
0x27: {  	s1 =	sld [smem:$0x3FAA]  }
0x28: {  	s2 =	sld [smem:$0x3FAB]  }
0x29: {  	s4 =	sld [smem:$0x3FAD]  }
0x2a: {  	p0 =	seq.s32 s5, $0x0;
	s5 =	sld [smem:$0x3FAE]  }
0x2b: {  	s6 =	sld [smem:$0x3FAF]  }
0x2c: {  	s7 =	sld [smem:$0x3FB0]  }
0x2d: {  	s3 =	simm.s32 $0x108;
	s8 =	sld [smem:$0x3FB1]  }
0x2e: {  	s3 =	simm.s32 @!p0 $0x1082;
	s9 =	sld [smem:$0x3FB2]  }
0x2f: {  	lr =	sadd.s32 s0, s3;
	s0 =	sld [smem:$0x3FA9]  }
0x30: {  	s3 =	sld [smem:$0x3FAC]  }
0x31: {  	[smem:$0x3FB5] =	sst s10  }
0x32: {  	s10 =	sld [smem:$0x3FB3];
	_ =	sdelay $0x3  }
0x33: {  	p0 =	seq.s32 s10, $0x1;
	s10 =	sld [smem:$0x3FB5];
	_ =	sdelay $0x3  }
0x34: {  	[smem:$0x3FB5] =	sst s10  }
0x35: {  	s10 =	sld [smem:$0x3FB4];
	_ =	sdelay $0x3  }
0x36: {  	p1 =	seq.s32 s10, $0x1;
	s10 =	sld [smem:$0x3FB5];
	_ =	sdelay $0x3  }
0x37: {  	[smem:$0x3FB5] =	sst s10  }
0x38: {  	s10 =	sld [smem:$0x3FB6]  }
0x39: {  	_ = 	snop;
	(pc) =	sbr.ind lr, $3  }
0x3a: {  	_ = 	snop  }
0x3b: {  	_ = 	snop  }
0x3c: {  	p2 =	seq.s32 s10, $0x1;
	s10 =	sld [smem:$0x3FB5]  }
0x3d: {  	_ =	shalt  }
0x3e: {  	_ =	shalt  }
0x3f: {  	_ =	shalt  }
0x40: {  	_ =	shalt  }
0x41: {  	_ =	shalt  }
0x42: {  	_ =	shalt  }
0x43: {  	_ =	shalt  }
0x44: {  	_ =	shalt  }
0x45: {  	_ =	shalt  }
0x46: {  	_ =	shalt  }
0x47: {  	_ =	shalt  }
0x48: {  	_ =	shalt  }
0x49: {  	_ =	shalt  }
0x4a: {  	_ =	shalt  }
0x4b: {  	_ =	shalt  }
0x4c: {  	_ =	shalt  }
0x4d: {  	_ =	shalt  }
0x4e: {  	_ =	shalt  }
0x4f: {  	_ =	shalt  }
0x50: {  	_ =	shalt  }
0x51: {  	_ =	shalt  }
0x52: {  	_ =	shalt  }
0x53: {  	_ =	shalt  }
0x54: {  	_ =	shalt  }
0x55: {  	_ =	shalt  }
0x56: {  	_ =	shalt  }
0x57: {  	_ =	shalt  }
0x58: {  	_ =	shalt  }
0x59: {  	_ =	shalt  }
0x5a: {  	_ =	shalt  }
0x5b: {  	_ =	shalt  }
0x5c: {  	_ =	shalt  }
0x5d: {  	_ =	shalt  }
0x5e: {  	_ =	shalt  }
0x5f: {  	_ =	shalt  }
0x60: {  	_ =	shalt  }
0x61: {  	_ =	shalt  }
0x62: {  	_ =	shalt  }
0x63: {  	_ =	shalt  }
0x64: {  	_ =	shalt  }
0x65: {  	_ =	shalt  }
0x66: {  	_ =	shalt  }
0x67: {  	_ =	shalt  }
0x68: {  	_ =	shalt  }
0x69: {  	_ =	shalt  }
0x6a: {  	_ =	shalt  }
0x6b: {  	_ =	shalt  }
0x6c: {  	_ =	shalt  }
0x6d: {  	_ =	shalt  }
0x6e: {  	_ =	shalt  }
0x6f: {  	_ =	shalt  }
0x70: {  	_ =	shalt  }
0x71: {  	_ =	shalt  }
0x72: {  	_ =	shalt  }
0x73: {  	_ =	shalt  }
0x74: {  	_ =	shalt  }
0x75: {  	_ =	shalt  }
0x76: {  	_ =	shalt  }
0x77: {  	_ =	shalt  }
0x78: {  	_ =	shalt  }
0x79: {  	_ =	shalt  }
0x7a: {  	_ =	shalt  }
0x7b: {  	_ =	shalt  }
0x7c: {  	_ =	shalt  }
0x7d: {  	_ =	shalt  }
0x7e: {  	_ =	shalt  }
0x7f: {  	_ =	shalt  }
0x80: {  	_ =	shalt  }
0x81: {  	_ =	shalt  }
0x82: {  	_ =	shalt  }
0x83: {  	_ =	shalt  }
0x84: {  	_ =	shalt  }
0x85: {  	_ =	shalt  }
0x86: {  	_ =	shalt  }
0x87: {  	_ =	shalt  }
.Lfunc_end0:
.L_simem_size_0:
called_computation_lowered:
.L_overlay_start_0:
0x88: {  	s2 =	sld [smem:$0x3FD9]  }
0x89: {  	s3 =	sld [smem:$0x3FFE];
	_ =	sdelay $0x1  }
0x8a: {  	s1 =	srdreg.scid  }
0x8b: {  	s0 =	sand.u32 $0x1, s1  }
0x8c: {  	s17 =	sshll.u32 s0, $0xA;
	s2 =	sadd.s32 s3, s2  }
0x8d: {  	s2 =	sadd.s32 s2, s17  }
0x8e: {  	[smem:$0x3FC1] =	sst s2  }
0x8f: {  	_ = 	snop  }
0x90: {  	s2 =	sld [smem:$0x3FC9]  }
0x91: {  	s18 =	sld [smem:$0x3FC8]  }
0x92: {  	s4 =	sld [smem:$0x3FC6]  }
0x93: {  	s5 =	sld [smem:$0x3FC5]  }
0x94: {  	s6 =	sld [smem:$0x3FD0];
	(tm) =	ssettm $0x1  }
0x95: {  	s7 =	sld [smem:$0x3FFB];
	_ =	sdelay $0x3  }
0x96: {  	_ =	strace s7  }
0x97: {  	s7 =	sld [smem:$0x3FFC];
	_ =	sdelay $0x3  }
0x98: {  	_ =	strace s7  }
0x99: {  	s7 =	sld [smem:$0x3FFD];
	_ =	sdelay $0x3  }
0x9a: {  	_ =	strace s7  }
0x9b: {  	_ =	strace $0x8FFFFFFF  }
0x9c: {  	s19 =	sld [smem:$0x3FDB];
	_ =	sdelay $0x1  }
0x9d: {  	s8 =	simm.s32 $_scs_section_size  }
0x9e: {  	s9 =	simm.s32 $_size__tile_overlayer_lowered;
	s10 =	simm.s32 $_tile_overlayer_lowered  }
0x9f: {  	s22 =	simm.s32 $0x1BFF;
	s21 =	sshll.u32 s10, $0x1;
	s7 =	sadd.s32 s8, s19  }
0xa0: {  	s11 =	simm.s32 $0x0;
	s20 =	sshll.u32 s9, $0x1;
	s9 =	sadd.s32 s21, s7  }
0xa1: {  	[timem:s11], [sflag:s22] =	dma.local [hbm:s9], s20  }
0xa2: {  	_ =	swait.ge [sflag:s22], s20  }
0xa3: {  	s8 =	ssub.s32 $0x0, s20;
	[sflag:s22] =	ssyncset.done $0x0  }
0xa4: {  	[sflag:s22] =	ssyncadd.s32 s8;
	_ =	sdelay $0x1  }
0xa5: {  	s23 =	simm.s32 $0x1B8B  }
0xa6: {  	_ =	swait.ge [sflag:s23], $0x1  }
0xa7: {  	[sflag:s23] =	ssyncset.done $0x0  }
0xa8: {  	s25 =	simm.s32 $0x1B8E;
	s24 =	sld [smem:$0x3FFE];
	[sflag:s23] =	ssyncadd.s32 $0xFFFFFFFF  }
0xa9: {  	s26 =	simm.s32 $execute0_lowered;
	[smem:$0x3FD2] =	sst s25  }
0xaa: {  	s9 =	sshll.u32 s26, $0x1;
	_ =	strace $0x80000046;
	[dreg:$0x1] =	wrdreg $0xFFFFFFFF  }
0xab: {  	s28 =	simm.s32 $_size_execute0_lowered;
	s7 =	sadd.s32 s7, s9;
	[dreg:$0x0] =	wrdreg $0x0  }
0xac: {  	s9 =	sshll.u32 s28, $0x1;
	[dreg:$0x2] =	wrdreg s7  }
0xad: {  	[dreg:$0x3] =	wrdreg s9  }
0xae: {  	[dreg:$0x4] =	wrdreg $0xC0  }
0xaf: {  	_ =	task [dreg:s11], $0x5FFFF  }
0xb0: {  	[dreg:$0x1] =	wrdreg $0xFFFFFFFF  }
0xb1: {  	[dreg:$0x0] =	wrdreg $0x60  }
0xb2: {  	[dreg:$0x2] =	wrdreg s2  }
0xb3: {  	[dreg:$0x3] =	wrdreg s18  }
0xb4: {  	[dreg:$0x4] =	wrdreg s24  }
0xb5: {  	[dreg:$0x5] =	wrdreg s4  }
0xb6: {  	[dreg:$0x6] =	wrdreg s5  }
0xb7: {  	[dreg:$0x7] =	wrdreg s6  }
0xb8: {  	[dreg:$0x8] =	wrdreg $0x9  }
0xb9: {  	_ =	task.clear_ibuf [dreg:s11], $0x9FFFF;
	_ =	strace $0x90000046  }
0xba: {  	s29 =	simm.s32 $0x9;
	_ =	strace $0x80000048  }
0xbb: {  	_ =	swait.ge [sflag:s29], $0x1  }
0xbc: {  	[sflag:s29] =	ssyncadd.s32 $0xFFFFFFFF  }
0xbd: {  	_ =	strace $0x90000048  }
0xbe: {  	_ =	sfence  }
0xbf: {  	s30 =	sld [smem:$0x0];
	_ =	sdelay $0x2  }
0xc0: {  	s31 =	sshll.u32 s1, $0xD;
	s1 =	sshrl.u32 s1, $0x2  }
0xc1: {  	s3 =	sand.u32 $0x4000, s31;
	s1 =	sadd.s32 s1, s30  }
0xc2: {  	s0 =	sor.u32 s3, s0;
	s1 =	sshll.u32 s1, $0x11  }
0xc3: {  	s0 =	sor.u32 s1, s0  }
0xc4: {  	s0 =	sadd.s32 $0x8F2B, s0  }
0xc5: {  	[sflag:s0] =	ssyncadd.remote.s32 $0x1  }
0xc6: {  	_ =	sfence.sel $0xFFFF  }
0xc7: {  	[dreg:$0x0] =	wrdreg $0xFFFFFFFF;
	(pc) =	sbr.abs _section_cstart, $3  }
0xc8: {  	[dreg:$0x1] =	wrdreg $0xFFFFFFFF  }
0xc9: {  	_ =	task.clear_ibuf [dreg:s11], $0x2FFFF;
	_ =	strace $0x9FFFFFFF  }
0xca: {  	(tm) =	ssettm $0x7FFFFFFF  }
0xcb: {  	_ =	shalt  }
tec
execute0_lowered:
.L_overlay_start_1:
0x0: {  	(tag) =	ssettag $0x1  }
0x1: {  	s10 =	rddreg [dreg:$0x0]  }
0x2: {  	s11 =	rddreg [dreg:$0x1]  }
0x3: {  	s6 =	rddreg [dreg:$0x2]  }
0x4: {  	s1 =	rddreg [dreg:$0x3]  }
0x5: {  	s2 =	rddreg [dreg:$0x4]  }
0x6: {  	s12 =	rddreg [dreg:$0x5]  }
0x7: {  	s0 =	rddreg [dreg:$0x6];
	s3 =	simm.s32 $0x0;
	s4 =	srdreg.scid  }
0x8: {  	s15 =	simm.s32 $0x2;
	s16 =	simm.s32 $0x100;
	s17 =	simm.s32 $0x10200  }
0x9: {  	s18 =	simm.s32 $0x10300;
	s19 =	simm.s32 $0x200;
	s20 =	simm.s32 $0x8200  }
0xa: {  	s21 =	simm.s32 $0x1;
	s22 =	simm.s32 $0x10480;
	s23 =	simm.s32 $0x0  }
0xb: {  	[smem:$0x7FF] =	sst s3;
	s7 =	sand.u32 $0x1, s4;
	s5 =	sadd.s32 $0x400, s6  }
0xc: {  	s4 =	stileid.u32;
	s6 =	sadd.s32 $0x1E84C00, s6;
	s8 =	ssub.s32 $0x2, s7  }
0xd: {  	vm0 =	vmmov $0x1;
	vm1 =	vmmov $0x3;
	vm2 =	vmmov $0x7;
	s13 =	sshll.u32 s4, $0x7;
	s7 =	sshll.u32 s7, $0x6;
	s9 =	sshrl.u32 s8, $0x1  }
0xe: {  	vm3 =	vmmov $0xf;
	vm4 =	vmmov $0x1f;
	vm5 =	vmmov $0x3f;
	_ =	strace $0x80000047;
	s31 =	sor.u32 s7, s13;
	s14 =	ssub.s32 s8, s9  }
0xf: {  	vm6 =	vmmov $0x7f;
	vm7 =	vmmov $0xff;
	vm8 =	vmmov $0x1ff;
	s7 =	sadd.s32 s10, s31;
	s8 =	sadd.s32 s11, s31;
	s13 =	sor.u32 $0x20, s31  }
0x10: {  	vm9 =	vmmov $0x3ff;
	vm10 =	vmmov $0x7ff;
	vm11 =	vmmov $0xfff;
	s9 =	sadd.s32 s12, s31;
	s10 =	sadd.s32 s10, s13;
	s11 =	sadd.s32 s11, s13  }
0x11: {  	vm12 =	vmmov $0x1fff;
	vm13 =	vmmov $0x3fff;
	vm14 =	vmmov $0x7fff;
	s12 =	sadd.s32 s12, s13;
	s13 =	smax.u32 s14, $0x1;
	s14 =	simm.s32 $0x10400  }
.LBB2_1:
0x12: {  	[tilespmem:s14], [sflag:$0x2] =	stream.linear.gather [hbm4b:s5+s3], $0x80, $0x38;
	[tilespmem:$0x10580] =	vst v63  }
0x13: {  	_ =	swait.ge [sflag:s15], $0x80  }
0x14: {  	[sflag:s15] =	ssyncset.done $0x0  }
0x15: {  	[sflag:s15] =	ssyncadd.s32 $0xFFFFFF80  }
0x16: {  	v0 =	vld [tilespmem:$0x10400];
	_ =	sdelay $0x3  }
0x17: {  	[tilespmem:s3], [sflag:$0x2] =	stream.linear.gather [hbm4b:s7+s3], $0x100, $0x38;
	[tilespmem:$0x10580] =	vst v63  }
0x18: {  	[tilespmem:$0x1FE80] =	vst v0  }
0x19: {  	_ =	swait.ge [sflag:s15], $0x100  }
0x1a: {  	[sflag:s15] =	ssyncset.done $0x0  }
0x1b: {  	[sflag:s15] =	ssyncadd.s32 $0xFFFFFF00  }
0x1c: {  	[tilespmem:s16], [sflag:$0x2] =	stream.linear.gather [hbm4b:s8+s3], $0x100, $0x38;
	[tilespmem:$0x10580] =	vst v63  }
0x1d: {  	_ =	swait.ge [sflag:s15], $0x100  }
0x1e: {  	[sflag:s15] =	ssyncset.done $0x0  }
0x1f: {  	[sflag:s15] =	ssyncadd.s32 $0xFFFFFF00  }
0x20: {  	[tilespmem:s17], [sflag:$0x1] =	stream.indirect.gather [hbm4b:s1+s16], $0x1, s3, s16, $0xb8;
	[tilespmem:$0x10580] =	vst v63  }
0x21: {  	_ = 	snop  }
0x22: {  	[tilespmem:s18], [sflag:$0x1] =	stream.indirect.gather [hbm4b:s2+s16], $0x1, s16, s16, $0xb8;
	[tilespmem:$0x10580] =	vst v63  }
0x23: {  	_ = 	snop  }
0x24: {  	[tilespmem:s19], [sflag:$0x1] =	stream.indirect.gather [hbm4b:s6+s16], $0x80, s3, s16, $0xb8;
	[tilespmem:$0x10580] =	vst v63  }
0x25: {  	_ = 	snop  }
0x26: {  	[tilespmem:s20], [sflag:$0x1] =	stream.indirect.gather [hbm4b:s6+s16], $0x80, s16, s16, $0xb8;
	[tilespmem:$0x10580] =	vst v63  }
0x27: {  	_ =	swait.ge [sflag:s21], $0x100  }
0x28: {  	[sflag:s21] =	ssyncset.done $0x0  }
0x29: {  	[sflag:s21] =	ssyncadd.s32 $0xFFFFFF00  }
0x2a: {  	_ =	swait.ge [sflag:s21], $0x100  }
0x2b: {  	[sflag:s21] =	ssyncset.done $0x0  }
0x2c: {  	[sflag:s21] =	ssyncadd.s32 $0xFFFFFF00  }
0x2d: {  	_ =	swait.ge [sflag:s21], $0x8000  }
0x2e: {  	[sflag:s21] =	ssyncset.done $0x0  }
0x2f: {  	[sflag:s21] =	ssyncadd.s32 $0xFFFF8000  }
0x30: {  	_ =	swait.ge [sflag:s21], $0x8000  }
0x31: {  	[sflag:s21] =	ssyncset.done $0x0  }
0x32: {  	s25 =	simm.s32 $0x600;
	[sflag:s21] =	ssyncadd.s32 $0xFFFF8000  }
0x33: {  	v0 =	vld [tilespmem:s25+$0x380];
	_ =	sdelay $0x3  }
0x34: {  	s24 =	simm.s32 $0x8640  }
0x35: {  	[tilespmem:$0x1FE90] =	vst v0;
	v0 =	vld [tilespmem:s24+$0x380];
	_ =	sdelay $0x4  }
0x36: {  	[tilespmem:$0x1FEA0] =	vst v0;
	v0 =	vld [tilespmem:s25+$0x390];
	_ =	sdelay $0x4  }
0x37: {  	[tilespmem:$0x1FEB0] =	vst v0;
	v0 =	vld [tilespmem:s24+$0x390];
	_ =	sdelay $0x4  }
0x38: {  	[tilespmem:$0x1FEC0] =	vst v0;
	v0 =	vld [tilespmem:s24+$0x320];
	_ =	sdelay $0x4  }
0x39: {  	[tilespmem:$0x1FF80] =	vst v0;
	v0 =	vld [tilespmem:s25+$0x2A0];
	_ =	sdelay $0x4  }
0x3a: {  	[tilespmem:$0x1FED0] =	vst v0;
	v0 =	vld [tilespmem:s25+$0x220];
	_ =	sdelay $0x3  }
0x3b: {  	v5 =	vld [tilespmem:s25+$0x330]  }
0x3c: {  	[tilespmem:$0x1FF90] =	vst v0;
	v0 =	vld [tilespmem:s24+$0x220]  }
0x3d: {  	v7 =	vld [tilespmem:s24+$0x330]  }
0x3e: {  	v22 =	vld [tilespmem:s25+$0x320]  }
0x3f: {  	v13 =	vld [tilespmem:s25+$0x230]  }
0x40: {  	v14 =	vld [tilespmem:s24+$0x230]  }
0x41: {  	[tilespmem:$0x1FFA0] =	vst v0;
	v0 =	vld [tilespmem:s25+$0x280]  }
0x42: {  	v31 =	vld [tilespmem:s25+$0x300]  }
0x43: {  	v32 =	vld [tilespmem:s24+$0x300]  }
0x44: {  	v33 =	vld [tilespmem:s25+$0x310]  }
0x45: {  	v30 =	vld [tilespmem:s24+$0x310]  }
0x46: {  	[tilespmem:$0x1FEE0] =	vst v0;
	v0 =	vld [tilespmem:s24+$0x280]  }
0x47: {  	v15 =	vld [tilespmem:s25+$0x1B0]  }
0x48: {  	v24 =	vld [tilespmem:s24+$0x1B0]  }
0x49: {  	v63 =	vld [tilespmem:s25+$0x1A0]  }
0x4a: {  	v34 =	vld [tilespmem:s24+$0x1A0]  }
0x4b: {  	[tilespmem:$0x1FEF0] =	vst v0;
	v0 =	vld [tilespmem:s25+$0x290]  }
0x4c: {  	v43 =	vld [tilespmem:s25+$0x200]  }
0x4d: {  	v44 =	vld [tilespmem:s24+$0x200]  }
0x4e: {  	v45 =	vld [tilespmem:s25+$0x210]  }
0x4f: {  	v46 =	vld [tilespmem:s24+$0x210]  }
0x50: {  	[tilespmem:$0x1FF00] =	vst v0;
	v0 =	vld [tilespmem:s24+$0x290]  }
0x51: {  	v6 =	vld [tilespmem:s25+$0xB0]  }
0x52: {  	v8 =	vld [tilespmem:s24+$0xB0]  }
0x53: {  	v49 =	vld [tilespmem:s25+$0x180]  }
0x54: {  	v1 =	vld [tilespmem:s24+$0x180]  }
0x55: {  	[tilespmem:$0x1FF10] =	vst v0;
	v0 =	vld [tilespmem:s25+$0x120]  }
0x56: {  	v2 =	vld [tilespmem:s25+$0x190]  }
0x57: {  	v52 =	vld [tilespmem:s24+$0x190]  }
0x58: {  	v3 =	vld [tilespmem:s25+$0x30]  }
0x59: {  	v4 =	vld [tilespmem:s24+$0x30]  }
0x5a: {  	[tilespmem:$0x1FF20] =	vst v0;
	v0 =	vld [tilespmem:s25+$0x100]  }
0x5b: {  	v58 =	vld [tilespmem:s25+$0xA0]  }
0x5c: {  	v35 =	vld [tilespmem:s24+$0xA0]  }
0x5d: {  	v59 =	vld [tilespmem:s25+$0x80]  }
0x5e: {  	v60 =	vld [tilespmem:s24+$0x80]  }
0x5f: {  	[tilespmem:$0x1FF30] =	vst v0;
	v0 =	vld [tilespmem:s24+$0x100]  }
0x60: {  	v61 =	vld [tilespmem:s25+$0x90]  }
0x61: {  	v62 =	vld [tilespmem:s24+$0x90]  }
0x62: {  	v21 =	vld [tilespmem:s25+$0xFFFFFF30]  }
0x63: {  	v50 =	vld [tilespmem:s24+$0xFFFFFF30]  }
0x64: {  	[tilespmem:$0x1FF40] =	vst v0;
	v0 =	vld [tilespmem:s25+$0x110]  }
0x65: {  	v54 =	vld [tilespmem:s25+$0x0]  }
0x66: {  	v53 =	vld [tilespmem:s24+$0x0]  }
0x67: {  	v48 =	vld [tilespmem:s25+$0x10]  }
0x68: {  	v47 =	vld [tilespmem:s24+$0x10]  }
0x69: {  	[tilespmem:$0x1FF50] =	vst v0;
	v0 =	vld [tilespmem:s24+$0x110]  }
0x6a: {  	v9 =	vld [tilespmem:s25+$0xFFFFFEB0]  }
0x6b: {  	v11 =	vld [tilespmem:s24+$0xFFFFFEB0]  }
0x6c: {  	v56 =	vld [tilespmem:s25+$0xFFFFFF20]  }
0x6d: {  	v55 =	vld [tilespmem:s24+$0xFFFFFF20]  }
0x6e: {  	[tilespmem:$0x1FF60] =	vst v0;
	v0 =	vld [tilespmem:s25+$0x20]  }
0x6f: {  	v16 =	vld [tilespmem:s25+$0xFFFFFF80]  }
0x70: {  	v17 =	vld [tilespmem:s24+$0xFFFFFF80]  }
0x71: {  	v18 =	vld [tilespmem:s25+$0xFFFFFF90]  }
0x72: {  	v19 =	vld [tilespmem:s24+$0xFFFFFF90]  }
0x73: {  	[tilespmem:$0x1FFB0] =	vst v0;
	v0 =	vld [tilespmem:s24+$0x20]  }
0x74: {  	v38 =	vld [tilespmem:s25+$0xFFFFFF00]  }
0x75: {  	v37 =	vld [tilespmem:s24+$0xFFFFFF00]  }
0x76: {  	v36 =	vld [tilespmem:s25+$0xFFFFFF10]  }
0x77: {  	v23 =	vld [tilespmem:s24+$0xFFFFFF10]  }
0x78: {  	[tilespmem:$0x1FFC0] =	vst v0;
	v0 =	vld [tilespmem:s25+$0xFFFFFFA0]  }
0x79: {  	v10 =	vld [tilespmem:s25+$0xFFFFFDB0]  }
0x7a: {  	v12 =	vld [tilespmem:s24+$0xFFFFFDB0]  }
0x7b: {  	v20 =	vld [tilespmem:s25+$0xFFFFFE20]  }
0x7c: {  	v42 =	vld [tilespmem:s25+$0xFFFFFE80]  }
0x7d: {  	[tilespmem:$0x1FF70] =	vst v0;
	v0 =	vld [tilespmem:s25+$0xFFFFFEA0]  }
0x7e: {  	v41 =	vld [tilespmem:s24+$0xFFFFFE80]  }
0x7f: {  	v40 =	vld [tilespmem:s25+$0xFFFFFE90]  }
0x80: {  	v39 =	vld [tilespmem:s24+$0xFFFFFE90]  }
0x81: {  	v28 =	vld [tilespmem:s25+$0xFFFFFD30]  }
0x82: {  	[tilespmem:$0x1FFD0] =	vst v0;
	v0 =	vld [tilespmem:s24+$0xFFFFFEA0]  }
0x83: {  	v29 =	vld [tilespmem:s24+$0xFFFFFD30]  }
0x84: {  	v57 =	vld [tilespmem:s24+$0xFFFFFDA0]  }
0x85: {  	v51 =	vld [tilespmem:s25+$0xFFFFFE00]  }
0x86: {  	v25 =	vld [tilespmem:s24+$0xFFFFFE00]  }
0x87: {  	[tilespmem:$0x1FFE0] =	vst v0;
	v0 =	vld [tilespmem:s25+$0xFFFFFDA0]  }
0x88: {  	v26 =	vld [tilespmem:s25+$0xFFFFFE10]  }
0x89: {  	v27 =	vld [tilespmem:s24+$0xFFFFFE10]  }
0x8a: {  	v33 =	vmul.f32 v30, v33;
	v30 =	vld [tilespmem:s25+$0xFFFFFC30]  }
0x8b: {  	v32 =	vmul.f32 v32, v31;
	v31 =	vld [tilespmem:s24+$0xFFFFFC30]  }
0x8c: {  	v43 =	vmul.f32 v44, v43;
	[tilespmem:$0x1FFF0] =	vst v0;
	v0 =	vld [tilespmem:$0x1FF80]  }
0x8d: {  	v44 =	vmul.f32 v46, v45;
	v45 =	vmul.f32 v1, v49;
	v1 =	vld [tilespmem:$0x1FF90]  }
0x8e: {  	v46 =	vmul.f32 v52, v2;
	v2 =	vld [tilespmem:$0x1FFA0]  }
0x8f: {  	v47 =	vmul.f32 v47, v48;
	v48 =	vld [tilespmem:s25+$0xFFFFFD00]  }
0x90: {  	v55 =	vmul.f32 v55, v56;
	v56 =	vld [tilespmem:s24+$0xFFFFFD10]  }
0x91: {  	v23 =	vmul.f32 v23, v36;
	v36 =	vld [tilespmem:s24+$0xFFFFFC00];
	v22 =	vmul.f32 v0, v22;
	v0 =	vadd.f32 v33, v32  }
0x92: {  	v37 =	vmul.f32 v37, v38;
	v39 =	vmul.f32 v39, v40;
	v38 =	vld [tilespmem:s25+$0xFFFFFC10]  }
0x93: {  	v40 =	vld [tilespmem:s24+$0xFFFFFC10];
	v52 =	vmul.f32 v2, v1;
	v0 =	vadd.f32 v22, v0;
	v22 =	vadd.f32 v44, v43  }
0x94: {  	v7 =	vmul.f32 v7, v5;
	v41 =	vmul.f32 v41, v42;
	v42 =	vld [tilespmem:s25+$0xFFFFFC90]  }
0x95: {  	v13 =	vmul.f32 v14, v13;
	v45 =	vadd.f32 v46, v45;
	v46 =	vld [tilespmem:s24+$0xFFFFFD80];
	v22 =	vadd.f32 v52, v22  }
0x96: {  	v23 =	vadd.f32 v23, v37;
	v37 =	vld [tilespmem:s25+$0xFFFFFC00];
	v0 =	vadd.f32 v7, v0  }
0x97: {  	v34 =	vmul.f32 v34, v63;
	v1 =	vld [tilespmem:s25+$0xFFFFFD90];
	v22 =	vadd.f32 v13, v22  }
0x98: {  	v52 =	vld [tilespmem:$0x1FFB0];
	(xrf2) =	vadd.scan.msk.f32 $0xffff, v0  }
0x99: {  	v14 =	vmul.f32 v24, v15;
	v45 =	vadd.f32 v34, v45;
	(xrf2) =	vadd.scan.msk.f32 $0xffff, v22;
	v22 =	vmul.f32 v53, v54;
	v53 =	vld [tilespmem:$0x1FFC0]  }
0x9a: {  	v60 =	vmul.f32 v60, v59;
	v2 =	vld [tilespmem:s24+$0xFFFFFD90]  }
0x9b: {  	v63 =	vmul.f32 v62, v61;
	v39 =	vadd.f32 v39, v41;
	v41 =	vld [tilespmem:s24+$0xFFFFFC80];
	v5 =	vadd.f32 v14, v45  }
0x9c: {  	v44 =	vld [tilespmem:s25+$0xFFFFFD80]  }
0x9d: {  	v7 =	vadd.f32 v63, v60;
	v60 =	vld [tilespmem:$0x1FFE0];
	v0 =	vmul.f32 v35, v58;
	(xrf2) =	vadd.scan.msk.f32 $0xffff, v5  }
0x9e: {  	v58 =	vmul.f32 v4, v3;
	v3 =	vld [tilespmem:$0x1FFD0];
	v22 =	vadd.f32 v47, v22;
	v54 =	vmul.f32 v53, v52  }
0x9f: {  	v62 =	vmul.f32 v2, v1;
	v2 =	vld [tilespmem:$0x1FFF0];
	v13 =	vmul.f32 v8, v6;
	v0 =	vadd.f32 v0, v7  }
0xa0: {  	v34 =	vld [tilespmem:s25+$0xFFFFFC20];
	v22 =	vadd.f32 v54, v22  }
0xa1: {  	v59 =	vmul.f32 v50, v21;
	v23 =	vadd.f32 v55, v23;
	v43 =	vld [tilespmem:s24+$0xFFFFFD00];
	v0 =	vadd.f32 v13, v0  }
0xa2: {  	v14 =	vld [tilespmem:s25+$0xFFFFFD10];
	v44 =	vmul.f32 v46, v44;
	v22 =	vadd.f32 v58, v22  }
0xa3: {  	v23 =	vadd.f32 v59, v23;
	v32 =	vld [tilespmem:s25+$0xFFFFFD20];
	v61 =	vmul.f32 v60, v3  }
0xa4: {  	v33 =	vld [tilespmem:s24+$0xFFFFFD20];
	v2 =	vmul.f32 v57, v2;
	v44 =	vadd.f32 v62, v44  }
0xa5: {  	v1 =	vmul.f32 v11, v9;
	v35 =	vld [tilespmem:s24+$0xFFFFFC20];
	(xrf2) =	vadd.scan.msk.f32 $0xffff, v0;
	v63 =	vadd.f32 v61, v39;
	v0, _, _ =	vpop (xrf2)  }
0xa6: {  	v45 =	vmul.f32 v43, v48;
	v46 =	vadd.f32 v2, v44;
	v44 =	vld [tilespmem:s24+$0xFFFFFC90];
	(xrf2) =	vadd.scan.msk.f32 $0xffff, v22;
	v22, _, _ =	vpop (xrf2)  }
0xa7: {  	s28 =	simm.s32 $0x40;
	s26 =	simm.s32 $0x0;
	v48 =	vmul.f32 v56, v14;
	v47 =	vmul.f32 v12, v10;
	v39 =	vld [tilespmem:s25+$0xFFFFFC80];
	v43 =	vadd.f32 v1, v63;
	(xrf2) =	vadd.scan.msk.f32 $0xffff, v23;
	v23, _, _ =	vpop (xrf2)  }
.LBB2_2:
0xa8: {  	v1 =	vld [tilespmem:$0x1FF70]  }
0xa9: {  	v24 =	vmul.f32 v25, v51;
	v25 =	vmul.f32 v27, v26;
	v26 =	vld [tilespmem:s24+$0xFFFFFFA0];
	_ =	sdelay $0x3  }
0xaa: {  	v2 =	vld [tilespmem:$0x1FF40]  }
0xab: {  	v15 =	vmul.f32 v26, v1;
	v1 =	vld [tilespmem:$0x1FF30];
	_ =	sdelay $0x4  }
0xac: {  	v11 =	vmul.f32 v2, v1;
	v1 =	vld [tilespmem:$0x1FF50]  }
0xad: {  	v2 =	vld [tilespmem:$0x1FF60];
	_ =	sdelay $0x3  }
0xae: {  	v16 =	vmul.f32 v17, v16;
	v17 =	vmul.f32 v19, v18;
	v18 =	vld [tilespmem:s24+$0x120]  }
0xaf: {  	v12 =	vmul.f32 v2, v1;
	v1 =	vld [tilespmem:$0x1FF20];
	_ =	sdelay $0x3  }
0xb0: {  	v2 =	vld [tilespmem:$0x1FEF0]  }
0xb1: {  	v10 =	vmul.f32 v18, v1;
	v1 =	vld [tilespmem:$0x1FEE0];
	_ =	sdelay $0x1  }
0xb2: {  	v49 =	vld [tilespmem:s25+$0xFFFFFCA0]  }
0xb3: {  	v14 =	vld [tilespmem:s24+$0xFFFFFCA0]  }
0xb4: {  	v52 =	vld [tilespmem:s25+$0xFFFFFCB0]  }
0xb5: {  	v6 =	vmul.f32 v2, v1;
	v1 =	vld [tilespmem:$0x1FF00]  }
0xb6: {  	v2 =	vld [tilespmem:$0x1FF10]  }
0xb7: {  	v53 =	vld [tilespmem:s24+$0xFFFFFCB0]  }
0xb8: {  	v56 =	vld [tilespmem:s24+$0xFFFFFE20];
	v45 =	vadd.f32 v48, v45;
	v36 =	vmul.f32 v36, v37;
	v13 =	vmul.f32 v40, v38  }
0xb9: {  	v60 =	vld [tilespmem:s24+$0xFFFFFE30];
	(xrf2) =	vadd.scan.msk.f32 $0xffff, v43;
	v48 =	vadd.f32 v47, v46;
	v33 =	vmul.f32 v33, v32;
	v28 =	vmul.f32 v29, v28  }
0xba: {  	v54 =	vmul.f32 v41, v39;
	v55 =	vmul.f32 v44, v42;
	v29 =	vadd.f32 v13, v36;
	v13 =	vld [tilespmem:s24+$0x2A0]  }
0xbb: {  	v34 =	vmul.f32 v35, v34;
	v33 =	vadd.f32 v33, v45;
	v7 =	vmul.f32 v2, v1;
	v1 =	vld [tilespmem:$0x1FED0]  }
0xbc: {  	v50, _, _ =	vpop (xrf2);
	v61 =	vld [tilespmem:s25+$0xFFFFFFB0];
	(xrf2) =	vadd.scan.msk.f32 $0xffff, v48;
	v30 =	vmul.f32 v31, v30;
	v58 =	vadd.f32 v55, v54  }
0xbd: {  	v31 =	vld [tilespmem:s25+$0xFFFFFE30];
	v59 =	vmul.f32 v14, v49;
	v28 =	vadd.f32 v28, v33;
	v29 =	vadd.f32 v34, v29  }
0xbe: {  	v24 =	vadd.f32 v25, v24;
	v25 =	vld [tilespmem:s24+$0xFFFFFFB0]  }
0xbf: {  	v57, _, _ =	vpop (xrf2);
	(xrf2) =	vadd.scan.msk.f32 $0xffff, v28;
	v28 =	vadd.f32 v30, v29;
	v29 =	vadd.f32 v59, v58;
	v30 =	vmul.f32 v53, v52;
	v2 =	vld [tilespmem:$0x1FEA0]  }
0xc0: {  	v21 =	vmul.f32 v56, v20;
	v5 =	vmul.f32 v13, v1;
	v1 =	vld [tilespmem:$0x1FE90]  }
0xc1: {  	v62 =	vld [tilespmem:s24+$0x2B0];
	v27, _, _ =	vpop (xrf2);
	(xrf2) =	vadd.scan.msk.f32 $0xffff, v28;
	v28 =	vadd.f32 v30, v29  }
0xc2: {  	v16 =	vadd.f32 v17, v16;
	v17 =	vld [tilespmem:s24+$0x130];
	v21 =	vadd.f32 v21, v24;
	v24 =	vmul.f32 v60, v31  }
0xc3: {  	v19, _, _ =	vpop (xrf2);
	v29 =	vld [tilespmem:s25+$0x130];
	(xrf2) =	vadd.scan.msk.f32 $0xffff, v28  }
0xc4: {  	v21 =	vadd.f32 v24, v21;
	v24 =	vld [tilespmem:s25+$0x2B0]  }
0xc5: {  	v15 =	vadd.f32 v15, v16;
	v16 =	vmul.f32 v25, v61;
	v3 =	vmul.f32 v2, v1;
	v1 =	vld [tilespmem:$0x1FEB0]  }
0xc6: {  	v14, _, _ =	vpop (xrf2);
	(xrf2) =	vadd.scan.msk.f32 $0xffff, v21;
	v11 =	vadd.f32 v12, v11;
	v2 =	vld [tilespmem:$0x1FEC0]  }
0xc7: {  	v8 =	vld [tilespmem:s25+$0x3A0];
	v15 =	vadd.f32 v16, v15  }
0xc8: {  	v16 =	vld [tilespmem:s24+$0x3A0];
	v17 =	vmul.f32 v17, v29;
	v10 =	vadd.f32 v10, v11  }
0xc9: {  	v63 =	vld [tilespmem:s25+$0x3B0];
	v9, _, _ =	vpop (xrf2);
	(xrf2) =	vadd.scan.msk.f32 $0xffff, v15;
	v6 =	vadd.f32 v7, v6  }
0xca: {  	v4 =	vld [tilespmem:s24+$0x3B0];
	v10 =	vadd.f32 v17, v10  }
0xcb: {  	v34 =	vmul.f32 v62, v24;
	v13 =	vadd.f32 v5, v6;
	v1 =	vmul.f32 v2, v1  }
0xcc: {  	v33, _, _ =	vpop (xrf2);
	(xrf2) =	vadd.scan.msk.f32 $0xffff, v10  }
0xcd: {  	v35, _, _ =	vpop (xrf2);
	v2 =	vadd.f32 v34, v13;
	v1 =	vadd.f32 v1, v3;
	v3 =	vmul.f32 v16, v8  }
0xce: {  	v36 =	vbroadcast v33, $0xF;
	v37 =	vbroadcast v35, $0xF  }
0xcf: {  	v38 =	vbroadcast v9, $0xF;
	(xrf2) =	vadd.scan.msk.f32 $0xffff, v2;
	v1 =	vadd.f32 v3, v1;
	v3 =	vmul.f32 v4, v63  }
0xd0: {  	v40 =	vbroadcast v14, $0xF;
	v41, _, _ =	vpop (xrf2);
	v2 =	vsel vm0, v36, v37  }
0xd1: {  	v42 =	vbroadcast v41, $0xF;
	v2 =	vsel vm1, v2, v38;
	v1 =	vadd.f32 v3, v1  }
0xd2: {  	v2 =	vsel vm2, v2, v40;
	v3 =	vbroadcast v19, $0xF  }
0xd3: {  	v43 =	vbroadcast v27, $0xF;
	v44, _, _ =	vpop (xrf2);
	v2 =	vsel vm3, v2, v42;
	(xrf2) =	vadd.scan.msk.f32 $0xffff, v1  }
0xd4: {  	v1 =	vsel vm4, v2, v3;
	v2 =	vbroadcast v44, $0xF  }
0xd5: {  	s29 =	sshra.s32 s26, $0x2;
	v49 =	vbroadcast v0, $0xF;
	v0 =	vld [tilespmem:$0x1FE80];
	v3 =	vbroadcast v57, $0xF;
	v1 =	vsel vm5, v1, v43  }
0xd6: {  	v45 =	vld [tilespmem:s29+$0x10200];
	v46, _, _ =	vpop (xrf2);
	v1 =	vsel vm6, v1, v2;
	v2 =	vbroadcast v50, $0xF  }
0xd7: {  	v1 =	vsel vm7, v1, v3;
	v3 =	vbroadcast v46, $0xF  }
0xd8: {  	v47 =	vld [tilespmem:s29+$0x10300];
	v1 =	vsel vm8, v1, v2;
	v2 =	vbroadcast v23, $0xF  }
0xd9: {  	v48, _, _ =	vpop (xrf2);
	v1 =	vsel vm9, v1, v3;
	v3 =	vbroadcast v22, $0xF  }
0xda: {  	v1 =	vsel vm10, v1, v2;
	v2 =	vbroadcast v48, $0xF  }
0xdb: {  	v4 =	vadd.f32 v45, v0;
	v1 =	vsel vm11, v1, v3  }
0xdc: {  	v1 =	vsel vm12, v1, v2  }
0xdd: {  	v2 =	vadd.f32 v47, v4;
	v1 =	vsel vm13, v1, v49;
	v3, _, _ =	vpop (xrf2)  }
0xde: {  	v1 =	vsel vm14, v1, v3  }
0xdf: {  	v1 =	vadd.f32 v1, v2;
	_ =	sdelay $0x1  }
0xe0: {  	s25 =	sadd.s32 $0x800, s25;
	[tilespmem:s29+$0x10480] =	vst v1  }
0xe1: {  	v0 =	vld [tilespmem:s25+$0x330];
	_ =	sdelay $0x1  }
0xe2: {  	s24 =	sadd.s32 $0x800, s24  }
0xe3: {  	v22 =	vld [tilespmem:s24+$0x330]  }
0xe4: {  	v27 =	vld [tilespmem:s25+$0x320]  }
0xe5: {  	[tilespmem:$0x1FE30] =	vst v0;
	v0 =	vld [tilespmem:s25+$0x380]  }
0xe6: {  	v30 =	vld [tilespmem:s24+$0x320]  }
0xe7: {  	v34 =	vld [tilespmem:s25+$0x230]  }
0xe8: {  	v36 =	vld [tilespmem:s24+$0x230]  }
0xe9: {  	v25 =	vld [tilespmem:s25+$0x300]  }
0xea: {  	[tilespmem:$0x1FE90] =	vst v0;
	v0 =	vld [tilespmem:s24+$0x380]  }
0xeb: {  	v26 =	vld [tilespmem:s24+$0x300]  }
0xec: {  	v31 =	vld [tilespmem:s25+$0x310]  }
0xed: {  	v48 =	vld [tilespmem:s24+$0x310]  }
0xee: {  	v23 =	vld [tilespmem:s25+$0x1B0]  }
0xef: {  	[tilespmem:$0x1FEA0] =	vst v0;
	v0 =	vld [tilespmem:s25+$0x390]  }
0xf0: {  	v35 =	vld [tilespmem:s24+$0x1B0]  }
0xf1: {  	v32 =	vld [tilespmem:s25+$0x220]  }
0xf2: {  	v33 =	vld [tilespmem:s24+$0x220]  }
0xf3: {  	v42 =	vld [tilespmem:s25+$0x1A0]  }
0xf4: {  	[tilespmem:$0x1FEB0] =	vst v0;
	v0 =	vld [tilespmem:s24+$0x390]  }
0xf5: {  	v45 =	vld [tilespmem:s24+$0x1A0]  }
0xf6: {  	v54 =	vld [tilespmem:s25+$0x200]  }
0xf7: {  	v55 =	vld [tilespmem:s24+$0x200]  }
0xf8: {  	v56 =	vld [tilespmem:s25+$0x210]  }
0xf9: {  	[tilespmem:$0x1FEC0] =	vst v0;
	v0 =	vld [tilespmem:s25+$0x2A0]  }
0xfa: {  	v57 =	vld [tilespmem:s24+$0x210]  }
0xfb: {  	v40 =	vld [tilespmem:s24+$0xB0]  }
0xfc: {  	v58 =	vld [tilespmem:s25+$0x180]  }
0xfd: {  	v59 =	vld [tilespmem:s24+$0x180]  }
0xfe: {  	[tilespmem:$0x1FED0] =	vst v0;
	v0 =	vld [tilespmem:s25+$0x280]  }
0xff: {  	v60 =	vld [tilespmem:s25+$0x190]  }
0x100: {  	v61 =	vld [tilespmem:s24+$0x190]  }
0x101: {  	v39 =	vld [tilespmem:s24+$0x30]  }
0x102: {  	v52 =	vld [tilespmem:s25+$0xA0]  }
0x103: {  	[tilespmem:$0x1FEE0] =	vst v0;
	v0 =	vld [tilespmem:s24+$0x280]  }
0x104: {  	v53 =	vld [tilespmem:s24+$0xA0]  }
0x105: {  	v49 =	vld [tilespmem:s25+$0x20]  }
0x106: {  	v37 =	vld [tilespmem:s24+$0x20]  }
0x107: {  	v62 =	vld [tilespmem:s25+$0x80]  }
0x108: {  	[tilespmem:$0x1FEF0] =	vst v0;
	v0 =	vld [tilespmem:s25+$0x290]  }
0x109: {  	v63 =	vld [tilespmem:s24+$0x80]  }
0x10a: {  	v1 =	vld [tilespmem:s24+$0x90]  }
0x10b: {  	v38 =	vld [tilespmem:s25+$0xFFFFFF30]  }
0x10c: {  	v46 =	vld [tilespmem:s24+$0xFFFFFF30]  }
0x10d: {  	[tilespmem:$0x1FF00] =	vst v0;
	v0 =	vld [tilespmem:s24+$0x290]  }
0x10e: {  	v2 =	vld [tilespmem:s25+$0xFFFFFFA0]  }
0x10f: {  	v3 =	vld [tilespmem:s24+$0x0]  }
0x110: {  	v4 =	vld [tilespmem:s25+$0x10]  }
0x111: {  	v5 =	vld [tilespmem:s24+$0x10]  }
0x112: {  	[tilespmem:$0x1FF10] =	vst v0;
	v0 =	vld [tilespmem:s25+$0xB0]  }
0x113: {  	v50 =	vld [tilespmem:s25+$0xFFFFFEB0]  }
0x114: {  	v41 =	vld [tilespmem:s24+$0xFFFFFEB0]  }
0x115: {  	v6 =	vld [tilespmem:s25+$0xFFFFFF20]  }
0x116: {  	v7 =	vld [tilespmem:s24+$0xFFFFFF20]  }
0x117: {  	[tilespmem:$0x1FE40] =	vst v0;
	v0 =	vld [tilespmem:s25+$0x120]  }
0x118: {  	v24 =	vld [tilespmem:s24+$0xFFFFFF80]  }
0x119: {  	v44 =	vld [tilespmem:s25+$0xFFFFFF90]  }
0x11a: {  	v43 =	vld [tilespmem:s24+$0xFFFFFF90]  }
0x11b: {  	v8 =	vld [tilespmem:s25+$0xFFFFFEA0]  }
0x11c: {  	[tilespmem:$0x1FF20] =	vst v0;
	v0 =	vld [tilespmem:s25+$0x30]  }
0x11d: {  	v9 =	vld [tilespmem:s24+$0xFFFFFEA0]  }
0x11e: {  	v10 =	vld [tilespmem:s25+$0xFFFFFF00]  }
0x11f: {  	v11 =	vld [tilespmem:s24+$0xFFFFFF00]  }
0x120: {  	v12 =	vld [tilespmem:s25+$0xFFFFFF10]  }
0x121: {  	[tilespmem:$0x1FE50] =	vst v0;
	v0 =	vld [tilespmem:s25+$0x100]  }
0x122: {  	v13 =	vld [tilespmem:s24+$0xFFFFFF10]  }
0x123: {  	v51 =	vld [tilespmem:s25+$0xFFFFFDB0]  }
0x124: {  	v47 =	vld [tilespmem:s24+$0xFFFFFDB0]  }
0x125: {  	v20 =	vld [tilespmem:s25+$0xFFFFFE20]  }
0x126: {  	[tilespmem:$0x1FF30] =	vst v0;
	v0 =	vld [tilespmem:s24+$0x100]  }
0x127: {  	v14 =	vld [tilespmem:s25+$0xFFFFFE80]  }
0x128: {  	v15 =	vld [tilespmem:s24+$0xFFFFFE80]  }
0x129: {  	v16 =	vld [tilespmem:s25+$0xFFFFFE90]  }
0x12a: {  	v17 =	vld [tilespmem:s24+$0xFFFFFE90]  }
0x12b: {  	[tilespmem:$0x1FF40] =	vst v0;
	v0 =	vld [tilespmem:s25+$0x110]  }
0x12c: {  	v28 =	vld [tilespmem:s25+$0xFFFFFD30]  }
0x12d: {  	v29 =	vld [tilespmem:s24+$0xFFFFFD30];
	v21 =	vmul.f32 v26, v25;
	v31 =	vmul.f32 v48, v31  }
0x12e: {  	v18 =	vld [tilespmem:s25+$0xFFFFFDA0]  }
0x12f: {  	v19 =	vld [tilespmem:s24+$0xFFFFFDA0];
	v21 =	vadd.f32 v31, v21;
	v31 =	vmul.f32 v30, v27  }
0x130: {  	[tilespmem:$0x1FF50] =	vst v0;
	v0 =	vld [tilespmem:s24+$0x110]  }
0x131: {  	v21 =	vadd.f32 v31, v21;
	v31 =	vld [tilespmem:$0x1FE30]  }
0x132: {  	[tilespmem:$0x1FF70] =	vst v2;
	v2 =	vld [tilespmem:s25+$0x0]  }
0x133: {  	[tilespmem:$0x1FE60] =	vst v50;
	v50 =	vld [tilespmem:s25+$0xFFFFFF80]  }
0x134: {  	[tilespmem:$0x1FE70] =	vst v51;
	v51 =	vld [tilespmem:s25+$0xFFFFFE00];
	v48 =	vmul.f32 v55, v54;
	v57 =	vmul.f32 v57, v56  }
0x135: {  	[tilespmem:$0x1FF60] =	vst v0;
	v0 =	vld [tilespmem:s25+$0x90]  }
0x136: {  	v25 =	vld [tilespmem:s24+$0xFFFFFE00];
	v54 =	vmul.f32 v33, v32;
	v48 =	vadd.f32 v57, v48;
	v22 =	vmul.f32 v22, v31  }
0x137: {  	v26 =	vld [tilespmem:s25+$0xFFFFFE10]  }
0x138: {  	v32 =	vld [tilespmem:s25+$0xFFFFFD20];
	v34 =	vmul.f32 v36, v34;
	v21 =	vadd.f32 v22, v21;
	v22 =	vadd.f32 v54, v48  }
0x139: {  	v33 =	vld [tilespmem:s24+$0xFFFFFD20]  }
0x13a: {  	v23 =	vmul.f32 v35, v23;
	v35 =	vld [tilespmem:s24+$0xFFFFFC20];
	v0 =	vmul.f32 v1, v0;
	v1 =	vadd.f32 v34, v22  }
0x13b: {  	v55 =	vmul.f32 v59, v58;
	v56 =	vld [tilespmem:s24+$0xFFFFFD10];
	v59 =	vmul.f32 v46, v38;
	(xrf2) =	vadd.scan.msk.f32 $0xffff, v21  }
0x13c: {  	v38 =	vld [tilespmem:s25+$0xFFFFFC10];
	(xrf2) =	vadd.scan.msk.f32 $0xffff, v1;
	v1 =	vmul.f32 v3, v2;
	v2 =	vmul.f32 v5, v4  }
0x13d: {  	v27 =	vld [tilespmem:s24+$0xFFFFFE10]  }
0x13e: {  	v61 =	vmul.f32 v61, v60;
	v30 =	vld [tilespmem:s25+$0xFFFFFC30];
	v1 =	vadd.f32 v2, v1;
	v2 =	vmul.f32 v37, v49  }
0x13f: {  	v42 =	vmul.f32 v45, v42;
	v45 =	vld [tilespmem:$0x1FE40]  }
0x140: {  	v60 =	vadd.f32 v61, v55;
	v61 =	vmul.f32 v63, v62;
	v1 =	vadd.f32 v2, v1;
	v2 =	vld [tilespmem:$0x1FE50]  }
0x141: {  	v62 =	vld [tilespmem:s24+$0xFFFFFD90]  }
0x142: {  	v63 =	vmul.f32 v53, v52;
	v48 =	vld [tilespmem:s25+$0xFFFFFD80];
	v0 =	vadd.f32 v0, v61  }
0x143: {  	v36 =	vadd.f32 v42, v60;
	v21 =	vld [tilespmem:s24+$0xFFFFFD80]  }
0x144: {  	v22 =	vld [tilespmem:s25+$0xFFFFFD90];
	v4 =	vmul.f32 v40, v45;
	v0 =	vadd.f32 v63, v0  }
0x145: {  	v52 =	vld [tilespmem:s25+$0xFFFFFD00];
	v3 =	vadd.f32 v23, v36;
	v2 =	vmul.f32 v39, v2  }
0x146: {  	v55 =	vld [tilespmem:s25+$0xFFFFFD10];
	v54 =	vadd.f32 v4, v0  }
0x147: {  	v42 =	vld [tilespmem:s25+$0xFFFFFC90];
	(xrf2) =	vadd.scan.msk.f32 $0xffff, v3;
	v1 =	vadd.f32 v2, v1  }
0x148: {  	v31 =	vld [tilespmem:s24+$0xFFFFFC30];
	(xrf2) =	vadd.scan.msk.f32 $0xffff, v54  }
0x149: {  	v34 =	vld [tilespmem:s25+$0xFFFFFC20];
	v60 =	vmul.f32 v62, v22;
	v0, _, _ =	vpop (xrf2);
	(xrf2) =	vadd.scan.msk.f32 $0xffff, v1;
	v1 =	vmul.f32 v21, v48  }
0x14a: {  	v10 =	vmul.f32 v11, v10;
	v53 =	vmul.f32 v13, v12;
	v36 =	vld [tilespmem:s24+$0xFFFFFC00]  }
0x14b: {  	v6 =	vmul.f32 v7, v6;
	v63 =	vmul.f32 v19, v18;
	v62 =	vld [tilespmem:$0x1FE60];
	v1 =	vadd.f32 v60, v1  }
0x14c: {  	v58 =	vmul.f32 v17, v16;
	v57 =	vmul.f32 v15, v14;
	v10 =	vadd.f32 v53, v10;
	v3 =	vld [tilespmem:s24+$0xFFFFFD00]  }
0x14d: {  	p0 =	sne.s32 s28, $0x3C0;
	v46 =	vadd.f32 v63, v1;
	v1 =	vld [tilespmem:$0x1FE70]  }
.Ltmp0:
0x14e: {  	v8 =	vmul.f32 v9, v8;
	v7 =	vadd.f32 v58, v57;
	v40 =	vld [tilespmem:s24+$0xFFFFFC10];
	v2 =	vadd.f32 v6, v10;
	(pc) =	sbr.rel @p0 .LBB2_2-.Ltmp0, $4  }
0x14f: {  	v17 =	vmov v24;
	v37 =	vld [tilespmem:s25+$0xFFFFFC00]  }
0x150: {  	v61 =	vadd.f32 v8, v7;
	v18 =	vmovc v44;
	v44 =	vld [tilespmem:s24+$0xFFFFFC90];
	v7 =	vmul.f32 v41, v62;
	v2 =	vadd.f32 v59, v2  }
0x151: {  	v16 =	vmov v50;
	v19 =	vmov v43;
	v45 =	vmul.f32 v3, v52;
	v41 =	vld [tilespmem:s24+$0xFFFFFC80];
	v22, _, _ =	vpop (xrf2)  }
0x152: {  	s26 =	smov.u32 s28;
	s28 =	sadd.s32 $0x40, s28;
	v39 =	vld [tilespmem:s25+$0xFFFFFC80];
	v43 =	vadd.f32 v7, v61;
	v23, _, _ =	vpop (xrf2);
	v48 =	vmul.f32 v56, v55;
	(xrf2) =	vadd.scan.msk.f32 $0xffff, v2;
	v47 =	vmul.f32 v47, v1  }
0x153: {  	v1 =	vld [tilespmem:s25+$0xFFFFFCA0]  }
0x154: {  	v2 =	vld [tilespmem:s24+$0xFFFFFCA0]  }
0x155: {  	v5 =	vld [tilespmem:s25+$0xFFFFFCB0]  }
0x156: {  	v9 =	vld [tilespmem:s24+$0xFFFFFCB0]  }
0x157: {  	v11 =	vld [tilespmem:s24+$0xFFFFFE20]  }
0x158: {  	v13 =	vld [tilespmem:s25+$0xFFFFFE30]  }
0x159: {  	v52 =	vld [tilespmem:s24+$0xFFFFFE30]  }
0x15a: {  	v15 =	vld [tilespmem:s24+$0xFFFFFFA0]  }
0x15b: {  	v56 =	vld [tilespmem:s25+$0xFFFFFFB0]  }
0x15c: {  	v58 =	vld [tilespmem:s24+$0xFFFFFFB0]  }
0x15d: {  	v61 =	vld [tilespmem:s24+$0x120]  }
0x15e: {  	v63 =	vld [tilespmem:s25+$0x130]  }
0x15f: {  	v4 =	vmul.f32 v33, v32;
	v32 =	vld [tilespmem:$0x1FF70];
	v3 =	vadd.f32 v48, v45  }
0x160: {  	v33 =	vld [tilespmem:s24+$0x130]  }
0x161: {  	v12 =	vmul.f32 v29, v28;
	v50 =	vmul.f32 v35, v34;
	v35 =	vld [tilespmem:$0x1FF30];
	v3 =	vadd.f32 v4, v3  }
0x162: {  	v8 =	vadd.f32 v47, v46;
	v46 =	vld [tilespmem:$0x1FEE0];
	v10 =	vmul.f32 v44, v42;
	v49 =	vmul.f32 v41, v39  }
0x163: {  	v7 =	vmul.f32 v40, v38;
	v59 =	vmul.f32 v17, v16;
	v3 =	vadd.f32 v12, v3;
	v12 =	vld [tilespmem:$0x1FEF0]  }
0x164: {  	v60 =	vmul.f32 v19, v18;
	v38 =	vld [tilespmem:$0x1FF60];
	(xrf2) =	vadd.scan.msk.f32 $0xffff, v43;
	v1 =	vmul.f32 v2, v1;
	v4 =	vadd.f32 v10, v49  }
0x165: {  	v53 =	vmul.f32 v25, v51;
	v51 =	vld [tilespmem:$0x1FE90];
	v6 =	vmul.f32 v36, v37;
	(xrf2) =	vadd.scan.msk.f32 $0xffff, v8  }
0x166: {  	v36 =	vld [tilespmem:$0x1FF40];
	(xrf2) =	vadd.scan.msk.f32 $0xffff, v3;
	v3 =	vadd.f32 v60, v59;
	v1 =	vadd.f32 v1, v4;
	v4 =	vmul.f32 v15, v32  }
0x167: {  	v6 =	vadd.f32 v7, v6;
	v2 =	vmul.f32 v52, v13;
	v13 =	vld [tilespmem:$0x1FF10]  }
0x168: {  	v54 =	vmul.f32 v27, v26;
	v3 =	vadd.f32 v4, v3;
	v4 =	vmul.f32 v12, v46;
	v12 =	vld [tilespmem:$0x1FF00]  }
0x169: {  	v14 =	vmul.f32 v31, v30;
	v37 =	vld [tilespmem:$0x1FF50];
	v6 =	vadd.f32 v50, v6  }
0x16a: {  	v43 =	vld [tilespmem:$0x1FF20];
	v7 =	vadd.f32 v54, v53;
	v55 =	vmul.f32 v9, v5;
	v57 =	vmul.f32 v11, v20  }
0x16b: {  	v44 =	vld [tilespmem:s24+$0x2B0];
	v6 =	vadd.f32 v14, v6  }
0x16c: {  	v53 =	vld [tilespmem:$0x1FEC0];
	v62 =	vadd.f32 v57, v7;
	v1 =	vadd.f32 v55, v1  }
0x16d: {  	v39 =	vld [tilespmem:s24+$0x2A0];
	(xrf2) =	vadd.scan.msk.f32 $0xffff, v6;
	v12 =	vmul.f32 v13, v12  }
0x16e: {  	v15 =	vld [tilespmem:$0x1FEA0];
	v34 =	vadd.f32 v2, v62;
	(xrf2) =	vadd.scan.msk.f32 $0xffff, v1  }
0x16f: {  	v2 =	vmul.f32 v36, v35;
	v6 =	vmul.f32 v38, v37;
	v4 =	vadd.f32 v12, v4;
	v12 =	vld [tilespmem:$0x1FED0]  }
0x170: {  	v41 =	vld [tilespmem:s25+$0x2B0];
	v40 =	vmul.f32 v58, v56  }
0x171: {  	v42, _, _ =	vpop (xrf2);
	v52 =	vld [tilespmem:$0x1FEB0];
	v2 =	vadd.f32 v6, v2;
	v6 =	vmul.f32 v61, v43;
	(xrf2) =	vadd.scan.msk.f32 $0xffff, v34  }
0x172: {  	v48 =	vld [tilespmem:s24+$0x3A0];
	v45, _, _ =	vpop (xrf2);
	v3 =	vadd.f32 v40, v3  }
0x173: {  	v47 =	vmul.f32 v33, v63;
	v14, _, _ =	vpop (xrf2);
	v2 =	vadd.f32 v6, v2;
	v13 =	vld [tilespmem:s25+$0x3A0]  }
0x174: {  	v49, _, _ =	vpop (xrf2);
	v6 =	vmul.f32 v15, v51;
	v15 =	vld [tilespmem:s24+$0x3B0];
	(xrf2) =	vadd.scan.msk.f32 $0xffff, v3;
	v11 =	vmul.f32 v39, v12  }
0x175: {  	v50, _, _ =	vpop (xrf2);
	v2 =	vadd.f32 v47, v2;
	v12 =	vld [tilespmem:s25+$0x3B0]  }
0x176: {  	v5 =	vmul.f32 v44, v41;
	v10 =	vmul.f32 v53, v52;
	v16, _, _ =	vpop (xrf2);
	v4 =	vadd.f32 v11, v4  }
0x177: {  	(xrf2) =	vadd.scan.msk.f32 $0xffff, v2;
	v54, _, _ =	vpop (xrf2)  }
0x178: {  	v56 =	vadd.f32 v10, v6;
	v57 =	vmul.f32 v48, v13;
	v58, _, _ =	vpop (xrf2);
	v55 =	vadd.f32 v5, v4  }
0x179: {  	v59 =	vbroadcast v54, $0xF;
	v6 =	vbroadcast v58, $0xF  }
0x17a: {  	v60 =	vbroadcast v16, $0xF;
	v4 =	vadd.f32 v57, v56;
	v61 =	vmul.f32 v15, v12;
	(xrf2) =	vadd.scan.msk.f32 $0xffff, v55  }
0x17b: {  	v3 =	vbroadcast v50, $0xF;
	v63, _, _ =	vpop (xrf2);
	v62 =	vsel vm0, v59, v6  }
0x17c: {  	v6 =	vbroadcast v63, $0xF;
	v2 =	vsel vm1, v62, v60;
	v4 =	vadd.f32 v61, v4  }
0x17d: {  	v10 =	vbroadcast v49, $0xF;
	v2 =	vsel vm2, v2, v3  }
0x17e: {  	v11 =	vbroadcast v14, $0xF;
	v32, _, _ =	vpop (xrf2);
	v2 =	vsel vm3, v2, v6;
	(xrf2) =	vadd.scan.msk.f32 $0xffff, v4  }
0x17f: {  	s31 =	sshra.s32 s26, $0x2;
	v33 =	vbroadcast v32, $0xF;
	v2 =	vsel vm4, v2, v10  }
0x180: {  	v35 =	vld [tilespmem:s31+$0x10200];
	v1 =	vbroadcast v45, $0xF;
	v2 =	vsel vm5, v2, v11  }
0x181: {  	v43 =	vld [tilespmem:$0x1FE80];
	v34 =	vbroadcast v42, $0xF;
	v36, _, _ =	vpop (xrf2);
	v2 =	vsel vm6, v2, v33  }
0x182: {  	v37 =	vbroadcast v36, $0xF;
	v1 =	vsel vm7, v2, v1  }
0x183: {  	v38 =	vbroadcast v23, $0xF;
	v39 =	vld [tilespmem:s31+$0x10300];
	v1 =	vsel vm8, v1, v34  }
0x184: {  	v40 =	vbroadcast v22, $0xF;
	v1 =	vsel vm9, v1, v37;
	v41, _, _ =	vpop (xrf2)  }
0x185: {  	v1 =	vsel vm10, v1, v38;
	v42 =	vbroadcast v41, $0xF  }
0x186: {  	v0 =	vbroadcast v0, $0xF;
	v2 =	vadd.f32 v35, v43;
	v1 =	vsel vm11, v1, v40  }
0x187: {  	v1 =	vsel vm12, v1, v42  }
0x188: {  	v44 =	vadd.f32 v39, v2;
	v45, _, _ =	vpop (xrf2);
	v0 =	vsel vm13, v1, v0  }
0x189: {  	v0 =	vsel vm14, v0, v45  }
0x18a: {  	v0 =	vadd.f32 v0, v44;
	_ =	sdelay $0x1  }
0x18b: {  	s24 =	simm.s32 $0x0;
	[tilespmem:s31+$0x10480] =	vst v0  }
0x18c: {  	[hbm4b:s9+s24] =	stream.linear.scatter [tilespmem:s22], [sflag:$0x2], $0x100, $0x38;
	[tilespmem:$0x10580] =	vst v63  }
0x18d: {  	_ =	swait.ge [sflag:s15], $0x100  }
0x18e: {  	[sflag:s15] =	ssyncset.done $0x0  }
0x18f: {  	[sflag:s15] =	ssyncadd.s32 $0xFFFFFF00  }
0x190: {  	[tilespmem:s24], [sflag:$0x2] =	stream.linear.gather [hbm4b:s10+s24], $0x100, $0x38;
	[tilespmem:$0x10580] =	vst v63  }
0x191: {  	_ =	swait.ge [sflag:s15], $0x100  }
0x192: {  	[sflag:s15] =	ssyncset.done $0x0  }
0x193: {  	[sflag:s15] =	ssyncadd.s32 $0xFFFFFF00  }
0x194: {  	[tilespmem:s16], [sflag:$0x2] =	stream.linear.gather [hbm4b:s11+s24], $0x100, $0x38;
	[tilespmem:$0x10580] =	vst v63  }
0x195: {  	_ =	swait.ge [sflag:s15], $0x100  }
0x196: {  	[sflag:s15] =	ssyncset.done $0x0  }
0x197: {  	[sflag:s15] =	ssyncadd.s32 $0xFFFFFF00  }
0x198: {  	[tilespmem:s17], [sflag:$0x1] =	stream.indirect.gather [hbm4b:s1+s16], $0x1, s24, s16, $0xb8;
	[tilespmem:$0x10580] =	vst v63  }
0x199: {  	_ = 	snop  }
0x19a: {  	[tilespmem:s18], [sflag:$0x1] =	stream.indirect.gather [hbm4b:s2+s16], $0x1, s16, s16, $0xb8;
	[tilespmem:$0x10580] =	vst v63  }
0x19b: {  	_ = 	snop  }
0x19c: {  	[tilespmem:s19], [sflag:$0x1] =	stream.indirect.gather [hbm4b:s6+s16], $0x80, s24, s16, $0xb8;
	[tilespmem:$0x10580] =	vst v63  }
0x19d: {  	_ = 	snop  }
0x19e: {  	[tilespmem:s20], [sflag:$0x1] =	stream.indirect.gather [hbm4b:s6+s16], $0x80, s16, s16, $0xb8;
	[tilespmem:$0x10580] =	vst v63  }
0x19f: {  	_ =	swait.ge [sflag:s21], $0x100  }
0x1a0: {  	[sflag:s21] =	ssyncset.done $0x0  }
0x1a1: {  	[sflag:s21] =	ssyncadd.s32 $0xFFFFFF00  }
0x1a2: {  	_ =	swait.ge [sflag:s21], $0x100  }
0x1a3: {  	[sflag:s21] =	ssyncset.done $0x0  }
0x1a4: {  	[sflag:s21] =	ssyncadd.s32 $0xFFFFFF00  }
0x1a5: {  	_ =	swait.ge [sflag:s21], $0x8000  }
0x1a6: {  	[sflag:s21] =	ssyncset.done $0x0  }
0x1a7: {  	[sflag:s21] =	ssyncadd.s32 $0xFFFF8000  }
0x1a8: {  	_ =	swait.ge [sflag:s21], $0x8000  }
0x1a9: {  	[sflag:s21] =	ssyncset.done $0x0  }
0x1aa: {  	s26 =	simm.s32 $0x600;
	[sflag:s21] =	ssyncadd.s32 $0xFFFF8000  }
0x1ab: {  	s25 =	simm.s32 $0x8640;
	v6 =	vld [tilespmem:s26+$0x330]  }
0x1ac: {  	v8 =	vld [tilespmem:s25+$0x330]  }
0x1ad: {  	v46 =	vld [tilespmem:s26+$0x380]  }
0x1ae: {  	v47 =	vld [tilespmem:s25+$0x380]  }
0x1af: {  	v48 =	vld [tilespmem:s26+$0x390]  }
0x1b0: {  	v49 =	vld [tilespmem:s25+$0x390]  }
0x1b1: {  	v50 =	vld [tilespmem:s26+$0x320]  }
0x1b2: {  	v63 =	vld [tilespmem:s25+$0x320]  }
0x1b3: {  	v14 =	vld [tilespmem:s26+$0x230]  }
0x1b4: {  	v21 =	vld [tilespmem:s25+$0x230]  }
0x1b5: {  	v51 =	vld [tilespmem:s26+$0x2A0]  }
0x1b6: {  	v30 =	vld [tilespmem:s26+$0x300]  }
0x1b7: {  	v31 =	vld [tilespmem:s25+$0x300]  }
0x1b8: {  	v32 =	vld [tilespmem:s26+$0x310]  }
0x1b9: {  	v33 =	vld [tilespmem:s25+$0x310]  }
0x1ba: {  	v24 =	vld [tilespmem:s26+$0x1B0]  }
0x1bb: {  	v52 =	vld [tilespmem:s25+$0x1B0]  }
0x1bc: {  	v53 =	vld [tilespmem:s26+$0x220]  }
0x1bd: {  	v54 =	vld [tilespmem:s25+$0x220]  }
0x1be: {  	v55 =	vld [tilespmem:s26+$0x280]  }
0x1bf: {  	v56 =	vld [tilespmem:s25+$0x280]  }
0x1c0: {  	v57 =	vld [tilespmem:s26+$0x290]  }
0x1c1: {  	v58 =	vld [tilespmem:s25+$0x290]  }
0x1c2: {  	v62 =	vld [tilespmem:s26+$0x1A0]  }
0x1c3: {  	v34 =	vld [tilespmem:s25+$0x1A0]  }
0x1c4: {  	v42 =	vld [tilespmem:s26+$0x200]  }
0x1c5: {  	v43 =	vld [tilespmem:s25+$0x200]  }
0x1c6: {  	v44 =	vld [tilespmem:s26+$0x210]  }
0x1c7: {  	v45 =	vld [tilespmem:s25+$0x210]  }
0x1c8: {  	v7 =	vld [tilespmem:s26+$0xB0]  }
0x1c9: {  	v9 =	vld [tilespmem:s25+$0xB0]  }
0x1ca: {  	v59 =	vld [tilespmem:s26+$0x120]  }
0x1cb: {  	v2 =	vld [tilespmem:s25+$0x180]  }
0x1cc: {  	v3 =	vld [tilespmem:s26+$0x190]  }
0x1cd: {  	v4 =	vld [tilespmem:s26+$0x30]  }
0x1ce: {  	v5 =	vld [tilespmem:s25+$0x30]  }
0x1cf: {  	v35 =	vld [tilespmem:s26+$0xA0]  }
0x1d0: {  	v60 =	vld [tilespmem:s26+$0x100]  }
0x1d1: {  	v61 =	vld [tilespmem:s25+$0x100]  }
0x1d2: {  	v10 =	vld [tilespmem:s26+$0x110]  }
0x1d3: {  	v11 =	vld [tilespmem:s25+$0x110]  }
0x1d4: {  	v36 =	vld [tilespmem:s26+$0x20]  }
0x1d5: {  	v37 =	vld [tilespmem:s25+$0x20]  }
0x1d6: {  	v38 =	vld [tilespmem:s25+$0xFFFFFF30]  }
0x1d7: {  	v15 =	vld [tilespmem:s26+$0xFFFFFFA0]  }
0x1d8: {  	v41 =	vld [tilespmem:s25+$0x10]  }
0x1d9: {  	v12 =	vld [tilespmem:s25+$0xFFFFFEB0]  }
0x1da: {  	v16 =	vld [tilespmem:s26+$0xFFFFFF80]  }
0x1db: {  	v17 =	vld [tilespmem:s25+$0xFFFFFF80]  }
0x1dc: {  	v18 =	vld [tilespmem:s26+$0xFFFFFF90]  }
0x1dd: {  	v19 =	vld [tilespmem:s25+$0xFFFFFF90]  }
0x1de: {  	v39 =	vld [tilespmem:s26+$0xFFFFFEA0]  }
0x1df: {  	v40 =	vld [tilespmem:s25+$0xFFFFFEA0]  }
0x1e0: {  	v22 =	vld [tilespmem:s25+$0xFFFFFF00]  }
0x1e1: {  	v23 =	vld [tilespmem:s26+$0xFFFFFF10]  }
0x1e2: {  	v1 =	vld [tilespmem:s25+$0xFFFFFF10]  }
0x1e3: {  	v13 =	vld [tilespmem:s25+$0xFFFFFDB0]  }
0x1e4: {  	v20 =	vld [tilespmem:s26+$0xFFFFFE20]  }
0x1e5: {  	v28 =	vld [tilespmem:s26+$0xFFFFFD30]  }
0x1e6: {  	v29 =	vld [tilespmem:s25+$0xFFFFFD30]  }
0x1e7: {  	v25 =	vld [tilespmem:s25+$0xFFFFFE00]  }
0x1e8: {  	v26 =	vld [tilespmem:s26+$0xFFFFFE10]  }
0x1e9: {  	v27 =	vld [tilespmem:s25+$0xFFFFFE10]  }
0x1ea: {  	[tilespmem:$0x1FCE0] =	vst v48;
	v48 =	vld [tilespmem:s26+$0x180]  }
0x1eb: {  	[tilespmem:$0x1FD00] =	vst v51;
	v51 =	vld [tilespmem:s25+$0x190]  }
0x1ec: {  	[tilespmem:$0x1FD10] =	vst v55;
	v55 =	vld [tilespmem:s25+$0xA0]  }
0x1ed: {  	[tilespmem:$0x1FD40] =	vst v58;
	v58 =	vld [tilespmem:s26+$0x80]  }
0x1ee: {  	[tilespmem:$0x1FD50] =	vst v59;
	v59 =	vld [tilespmem:s25+$0x80]  }
0x1ef: {  	[tilespmem:$0x1FD60] =	vst v60;
	v60 =	vld [tilespmem:s26+$0x90]  }
0x1f0: {  	[tilespmem:$0x1FD70] =	vst v61;
	v61 =	vld [tilespmem:s25+$0x90]  }
0x1f1: {  	[tilespmem:$0x1FCF0] =	vst v49;
	v49 =	vld [tilespmem:s26+$0xFFFFFF30]  }
0x1f2: {  	[tilespmem:$0x1FDD0] =	vst v52;
	v52 =	vld [tilespmem:s26+$0x0]  }
0x1f3: {  	[tilespmem:$0x1FCC0] =	vst v46;
	v46 =	vld [tilespmem:s25+$0x0]  }
0x1f4: {  	[tilespmem:$0x1FCD0] =	vst v47;
	v47 =	vld [tilespmem:s26+$0x10]  }
0x1f5: {  	[tilespmem:$0x1FD80] =	vst v10;
	v10 =	vld [tilespmem:s26+$0xFFFFFEB0]  }
0x1f6: {  	[tilespmem:$0x1FDC0] =	vst v54;
	v54 =	vld [tilespmem:s26+$0xFFFFFF20]  }
0x1f7: {  	[tilespmem:$0x1FDB0] =	vst v53;
	v53 =	vld [tilespmem:s25+$0xFFFFFF20]  }
0x1f8: {  	[tilespmem:$0x1FDE0] =	vst v36;
	v36 =	vld [tilespmem:s26+$0xFFFFFF00]  }
0x1f9: {  	[tilespmem:$0x1FD90] =	vst v11;
	v11 =	vld [tilespmem:s26+$0xFFFFFDB0]  }
0x1fa: {  	[tilespmem:$0x1FE20] =	vst v40;
	v40 =	vld [tilespmem:s26+$0xFFFFFE80]  }
0x1fb: {  	[tilespmem:$0x1FE00] =	vst v38;
	v38 =	vld [tilespmem:s25+$0xFFFFFE80]  }
0x1fc: {  	[tilespmem:$0x1FE10] =	vst v39;
	v39 =	vld [tilespmem:s26+$0xFFFFFE90]  }
0x1fd: {  	[tilespmem:$0x1FDF0] =	vst v37;
	v37 =	vld [tilespmem:s25+$0xFFFFFE90]  }
0x1fe: {  	[tilespmem:$0x1FD30] =	vst v57;
	v57 =	vld [tilespmem:s26+$0xFFFFFDA0]  }
0x1ff: {  	[tilespmem:$0x1FD20] =	vst v56;
	v56 =	vld [tilespmem:s25+$0xFFFFFDA0]  }
0x200: {  	[tilespmem:$0x1FDA0] =	vst v50;
	v50 =	vld [tilespmem:s26+$0xFFFFFE00]  }
0x201: {  	v0 =	vmul.f32 v31, v30;
	v30 =	vld [tilespmem:s26+$0xFFFFFC30]  }
0x202: {  	v32 =	vmul.f32 v33, v32;
	v33 =	vld [tilespmem:s25+$0xFFFFFD20]  }
0x203: {  	v42 =	vmul.f32 v43, v42;
	v31 =	vld [tilespmem:$0x1FDA0]  }
0x204: {  	v43 =	vmul.f32 v45, v44;
	v44 =	vmul.f32 v2, v48;
	v48 =	vld [tilespmem:$0x1FDB0]  }
0x205: {  	v45 =	vmul.f32 v51, v3;
	v51 =	vld [tilespmem:$0x1FDC0]  }
0x206: {  	v1 =	vmul.f32 v1, v23;
	v23 =	vld [tilespmem:s25+$0xFFFFFD00]  }
0x207: {  	v0 =	vadd.f32 v32, v0;
	v32 =	vld [tilespmem:s26+$0xFFFFFD20]  }
0x208: {  	v3 =	vld [tilespmem:s26+$0xFFFFFD90];
	v63 =	vmul.f32 v63, v31  }
0x209: {  	v42 =	vadd.f32 v43, v42;
	v22 =	vmul.f32 v22, v36;
	v36 =	vld [tilespmem:s25+$0xFFFFFC00]  }
0x20a: {  	v39 =	vmul.f32 v37, v39;
	v37 =	vld [tilespmem:s26+$0xFFFFFC00];
	v0 =	vadd.f32 v63, v0;
	v63 =	vmul.f32 v51, v48  }
0x20b: {  	v38 =	vmul.f32 v38, v40;
	v40 =	vld [tilespmem:s25+$0xFFFFFC10]  }
0x20c: {  	v42 =	vadd.f32 v63, v42;
	v63 =	vld [tilespmem:$0x1FDD0]  }
0x20d: {  	v31 =	vld [tilespmem:s25+$0xFFFFFC30]  }
0x20e: {  	v34 =	vmul.f32 v34, v62;
	v44 =	vadd.f32 v45, v44;
	v45 =	vld [tilespmem:s25+$0xFFFFFD80]  }
0x20f: {  	v1 =	vadd.f32 v1, v22;
	v22 =	vmul.f32 v53, v54;
	v53 =	vld [tilespmem:$0x1FE10];
	v51 =	vmul.f32 v8, v6  }
0x210: {  	v62 =	vmul.f32 v21, v14;
	v54 =	vld [tilespmem:$0x1FE20]  }
0x211: {  	v44 =	vadd.f32 v34, v44;
	v48 =	vld [tilespmem:s26+$0xFFFFFD80];
	v0 =	vadd.f32 v51, v0;
	v2 =	vmul.f32 v63, v24  }
0x212: {  	v58 =	vmul.f32 v59, v58;
	v6 =	vmul.f32 v61, v60;
	v42 =	vadd.f32 v62, v42;
	v62 =	vld [tilespmem:$0x1FDE0]  }
0x213: {  	v8 =	vmul.f32 v55, v35;
	(xrf2) =	vadd.scan.msk.f32 $0xffff, v0;
	v63 =	vld [tilespmem:$0x1FDF0];
	v55 =	vadd.f32 v2, v44  }
0x214: {  	v60 =	vmul.f32 v46, v52;
	v52 =	vld [tilespmem:$0x1FE00];
	v59 =	vadd.f32 v6, v58;
	(xrf2) =	vadd.scan.msk.f32 $0xffff, v42  }
0x215: {  	v51 =	vld [tilespmem:s25+$0xFFFFFD90];
	(xrf2) =	vadd.scan.msk.f32 $0xffff, v55  }
0x216: {  	v41 =	vmul.f32 v41, v47;
	v0 =	vadd.f32 v8, v59;
	v8 =	vld [tilespmem:s25+$0xFFFFFD10]  }
0x217: {  	v47 =	vmul.f32 v5, v4;
	v39 =	vadd.f32 v39, v38;
	v42 =	vld [tilespmem:s26+$0xFFFFFD10]  }
0x218: {  	v38 =	vld [tilespmem:s26+$0xFFFFFC10];
	v61 =	vmul.f32 v9, v7;
	v41 =	vadd.f32 v41, v60;
	v7 =	vmul.f32 v63, v62  }
0x219: {  	v1 =	vadd.f32 v22, v1;
	v46 =	vld [tilespmem:s26+$0xFFFFFD00];
	v22 =	vmul.f32 v52, v49;
	v59 =	vmul.f32 v45, v48  }
0x21a: {  	v34 =	vld [tilespmem:s26+$0xFFFFFC20];
	v0 =	vadd.f32 v61, v0;
	v61 =	vmul.f32 v12, v10;
	v9 =	vadd.f32 v7, v41  }
0x21b: {  	v35 =	vld [tilespmem:s25+$0xFFFFFC20];
	v60 =	vmul.f32 v51, v3;
	v55 =	vmul.f32 v54, v53  }
0x21c: {  	v1 =	vadd.f32 v22, v1;
	v44 =	vld [tilespmem:s25+$0xFFFFFC90];
	v48 =	vmul.f32 v8, v42;
	v58 =	vadd.f32 v47, v9  }
0x21d: {  	v42 =	vld [tilespmem:s26+$0xFFFFFC90];
	(xrf2) =	vadd.scan.msk.f32 $0xffff, v0;
	v62 =	vadd.f32 v60, v59;
	v63 =	vmul.f32 v56, v57;
	v43 =	vadd.f32 v55, v39;
	v52, _, _ =	vpop (xrf2)  }
0x21e: {  	v45 =	vmul.f32 v23, v46;
	v39 =	vld [tilespmem:s26+$0xFFFFFC80];
	v22, _, _ =	vpop (xrf2);
	(xrf2) =	vadd.scan.msk.f32 $0xffff, v58  }
0x21f: {  	s28 =	simm.s32 $0x40;
	v41 =	vld [tilespmem:s25+$0xFFFFFC80];
	v46 =	vadd.f32 v63, v62;
	v43 =	vadd.f32 v61, v43;
	v47 =	vmul.f32 v13, v11;
	(xrf2) =	vadd.scan.msk.f32 $0xffff, v1;
	v23, _, _ =	vpop (xrf2)  }
.LBB2_4:
0x220: {  	v0 =	vld [tilespmem:s26+$0xFFFFFCA0]  }
0x221: {  	v5 =	vld [tilespmem:s25+$0xFFFFFCA0]  }
0x222: {  	v7 =	vld [tilespmem:s26+$0xFFFFFCB0]  }
0x223: {  	v8 =	vld [tilespmem:s25+$0xFFFFFCB0]  }
0x224: {  	v11 =	vld [tilespmem:s25+$0xFFFFFE20]  }
0x225: {  	v16 =	vmul.f32 v17, v16;
	v17 =	vmul.f32 v19, v18;
	v18 =	vld [tilespmem:s25+$0x120]  }
0x226: {  	v1 =	vld [tilespmem:$0x1FD60]  }
0x227: {  	v2 =	vld [tilespmem:$0x1FD70]  }
0x228: {  	v13 =	vld [tilespmem:s25+$0x2A0]  }
0x229: {  	v51 =	vld [tilespmem:$0x1FD20]  }
0x22a: {  	v53 =	vld [tilespmem:$0x1FD30]  }
0x22b: {  	v54 =	vld [tilespmem:$0x1FD40]  }
0x22c: {  	v56 =	vld [tilespmem:$0x1FD00]  }
0x22d: {  	v59 =	vld [tilespmem:$0x1FCC0]  }
0x22e: {  	v60 =	vld [tilespmem:$0x1FCD0];
	v33 =	vmul.f32 v33, v32  }
0x22f: {  	v6 =	vadd.f32 v47, v46;
	v46 =	vld [tilespmem:$0x1FD80];
	v36 =	vmul.f32 v36, v37;
	v4 =	vmul.f32 v40, v38  }
0x230: {  	v45 =	vadd.f32 v48, v45;
	(xrf2) =	vadd.scan.msk.f32 $0xffff, v43;
	v47 =	vld [tilespmem:$0x1FD90];
	v28 =	vmul.f32 v29, v28;
	v34 =	vmul.f32 v35, v34  }
0x231: {  	v48 =	vld [tilespmem:$0x1FD50];
	v16 =	vadd.f32 v17, v16;
	v9 =	vmul.f32 v41, v39;
	v10 =	vmul.f32 v44, v42  }
0x232: {  	v17 =	vld [tilespmem:s25+$0x130];
	v30 =	vmul.f32 v31, v30;
	v33 =	vadd.f32 v33, v45;
	v29 =	vadd.f32 v4, v36  }
0x233: {  	v31 =	vld [tilespmem:s26+$0xFFFFFE30];
	v24 =	vmul.f32 v25, v50;
	v25 =	vmul.f32 v27, v26;
	v32, _, _ =	vpop (xrf2);
	(xrf2) =	vadd.scan.msk.f32 $0xffff, v6;
	v42 =	vadd.f32 v10, v9  }
0x234: {  	v44 =	vld [tilespmem:s25+$0xFFFFFE30];
	v0 =	vmul.f32 v5, v0;
	v28 =	vadd.f32 v28, v33;
	v29 =	vadd.f32 v34, v29  }
0x235: {  	v26 =	vld [tilespmem:s25+$0xFFFFFFA0];
	v21 =	vmul.f32 v11, v20;
	v24 =	vadd.f32 v25, v24  }
0x236: {  	v25 =	vld [tilespmem:s25+$0xFFFFFFB0];
	v39, _, _ =	vpop (xrf2);
	v0 =	vadd.f32 v0, v42;
	(xrf2) =	vadd.scan.msk.f32 $0xffff, v28;
	v28 =	vadd.f32 v30, v29;
	v29 =	vmul.f32 v8, v7  }
0x237: {  	v11 =	vmul.f32 v2, v1;
	v12 =	vmul.f32 v47, v46;
	v30 =	vld [tilespmem:s26+$0xFFFFFFB0]  }
0x238: {  	v50 =	vld [tilespmem:$0x1FD10];
	v0 =	vadd.f32 v29, v0  }
0x239: {  	v21 =	vadd.f32 v21, v24;
	v11 =	vadd.f32 v12, v11;
	v12 =	vld [tilespmem:s25+$0x2B0];
	v27, _, _ =	vpop (xrf2);
	v24 =	vmul.f32 v44, v31;
	(xrf2) =	vadd.scan.msk.f32 $0xffff, v28  }
0x23a: {  	v15 =	vmul.f32 v26, v15;
	v19, _, _ =	vpop (xrf2);
	v28 =	vld [tilespmem:s26+$0x130];
	(xrf2) =	vadd.scan.msk.f32 $0xffff, v0  }
0x23b: {  	v33 =	vld [tilespmem:$0x1FCE0];
	v45 =	vadd.f32 v24, v21  }
0x23c: {  	v34 =	vld [tilespmem:$0x1FCF0];
	v15 =	vadd.f32 v15, v16;
	v16 =	vmul.f32 v25, v30  }
0x23d: {  	v10 =	vmul.f32 v18, v48;
	v21 =	vld [tilespmem:s26+$0x2B0];
	v14, _, _ =	vpop (xrf2);
	(xrf2) =	vadd.scan.msk.f32 $0xffff, v45  }
0x23e: {  	v6 =	vmul.f32 v51, v50;
	v7 =	vmul.f32 v54, v53;
	v8 =	vld [tilespmem:s26+$0x3A0];
	v49 =	vadd.f32 v16, v15  }
0x23f: {  	v16 =	vadd.f32 v10, v11;
	v55 =	vmul.f32 v17, v28;
	v15 =	vld [tilespmem:s25+$0x3A0]  }
0x240: {  	v57 =	vld [tilespmem:s26+$0x3B0];
	v5 =	vmul.f32 v13, v56;
	v6 =	vadd.f32 v7, v6;
	v9, _, _ =	vpop (xrf2);
	(xrf2) =	vadd.scan.msk.f32 $0xffff, v49  }
0x241: {  	v61 =	vmul.f32 v60, v59;
	v4 =	vld [tilespmem:s25+$0x3B0];
	v58 =	vadd.f32 v55, v16  }
0x242: {  	v1 =	vmul.f32 v34, v33;
	v5 =	vadd.f32 v5, v6;
	v63 =	vmul.f32 v12, v21  }
0x243: {  	v62, _, _ =	vpop (xrf2);
	(xrf2) =	vadd.scan.msk.f32 $0xffff, v58  }
0x244: {  	v1 =	vadd.f32 v1, v61;
	v35 =	vadd.f32 v63, v5;
	v36 =	vmul.f32 v15, v8;
	v3, _, _ =	vpop (xrf2)  }
0x245: {  	v37 =	vbroadcast v62, $0xF;
	v3 =	vbroadcast v3, $0xF  }
0x246: {  	v40 =	vmul.f32 v4, v57;
	v38 =	vbroadcast v9, $0xF;
	v1 =	vadd.f32 v36, v1;
	(xrf2) =	vadd.scan.msk.f32 $0xffff, v35  }
0x247: {  	v42 =	vbroadcast v14, $0xF;
	v43, _, _ =	vpop (xrf2);
	v41 =	vsel vm0, v37, v3  }
0x248: {  	v44 =	vbroadcast v43, $0xF;
	v1 =	vadd.f32 v40, v1;
	v0 =	vsel vm1, v41, v38  }
0x249: {  	v45 =	vbroadcast v19, $0xF;
	v0 =	vsel vm2, v0, v42  }
0x24a: {  	v46 =	vbroadcast v27, $0xF;
	v0 =	vsel vm3, v0, v44;
	v47, _, _ =	vpop (xrf2);
	(xrf2) =	vadd.scan.msk.f32 $0xffff, v1  }
0x24b: {  	s29 =	sshra.s32 s24, $0x2;
	v0 =	vsel vm4, v0, v45;
	v48 =	vbroadcast v47, $0xF  }
0x24c: {  	v51 =	vld [tilespmem:s29+$0x10200];
	v49 =	vbroadcast v39, $0xF;
	v0 =	vsel vm5, v0, v46  }
0x24d: {  	v50 =	vbroadcast v32, $0xF;
	v61 =	vld [tilespmem:$0x1FE80];
	v53, _, _ =	vpop (xrf2);
	v0 =	vsel vm6, v0, v48  }
0x24e: {  	v54 =	vbroadcast v53, $0xF;
	v0 =	vsel vm7, v0, v49  }
0x24f: {  	v56 =	vld [tilespmem:s29+$0x10300];
	v55 =	vbroadcast v23, $0xF;
	v0 =	vsel vm8, v0, v50  }
0x250: {  	v57 =	vbroadcast v22, $0xF;
	v58, _, _ =	vpop (xrf2);
	v0 =	vsel vm9, v0, v54  }
0x251: {  	v59 =	vbroadcast v58, $0xF;
	v0 =	vsel vm10, v0, v55  }
0x252: {  	v60 =	vbroadcast v52, $0xF;
	v3 =	vadd.f32 v51, v61;
	v0 =	vsel vm11, v0, v57  }
0x253: {  	v0 =	vsel vm12, v0, v59  }
0x254: {  	v62 =	vadd.f32 v56, v3;
	v0 =	vsel vm13, v0, v60;
	v63, _, _ =	vpop (xrf2)  }
0x255: {  	v0 =	vsel vm14, v0, v63  }
0x256: {  	v0 =	vadd.f32 v0, v62;
	_ =	sdelay $0x1  }
0x257: {  	s26 =	sadd.s32 $0x800, s26;
	[tilespmem:s29+$0x10480] =	vst v0  }
0x258: {  	s25 =	sadd.s32 $0x800, s25;
	v0 =	vld [tilespmem:s26+$0x330]  }
0x259: {  	v22 =	vld [tilespmem:s25+$0x330]  }
0x25a: {  	v4 =	vld [tilespmem:s26+$0x380]  }
0x25b: {  	v5 =	vld [tilespmem:s25+$0x380]  }
0x25c: {  	v6 =	vld [tilespmem:s26+$0x390]  }
0x25d: {  	v7 =	vld [tilespmem:s25+$0x390]  }
0x25e: {  	v27 =	vld [tilespmem:s26+$0x320]  }
0x25f: {  	v30 =	vld [tilespmem:s25+$0x320]  }
0x260: {  	v34 =	vld [tilespmem:s26+$0x230]  }
0x261: {  	v36 =	vld [tilespmem:s25+$0x230]  }
0x262: {  	v8 =	vld [tilespmem:s26+$0x2A0]  }
0x263: {  	v25 =	vld [tilespmem:s26+$0x300]  }
0x264: {  	v26 =	vld [tilespmem:s25+$0x300]  }
0x265: {  	v31 =	vld [tilespmem:s26+$0x310]  }
0x266: {  	v48 =	vld [tilespmem:s25+$0x310]  }
0x267: {  	v23 =	vld [tilespmem:s26+$0x1B0]  }
0x268: {  	v35 =	vld [tilespmem:s25+$0x1B0]  }
0x269: {  	v32 =	vld [tilespmem:s26+$0x220]  }
0x26a: {  	v33 =	vld [tilespmem:s25+$0x220]  }
0x26b: {  	v9 =	vld [tilespmem:s26+$0x280]  }
0x26c: {  	v10 =	vld [tilespmem:s25+$0x280]  }
0x26d: {  	v11 =	vld [tilespmem:s26+$0x290]  }
0x26e: {  	v37 =	vld [tilespmem:s25+$0x290]  }
0x26f: {  	v42 =	vld [tilespmem:s26+$0x1A0]  }
0x270: {  	v45 =	vld [tilespmem:s25+$0x1A0]  }
0x271: {  	v54 =	vld [tilespmem:s25+$0x200]  }
0x272: {  	v55 =	vld [tilespmem:s26+$0x210]  }
0x273: {  	v56 =	vld [tilespmem:s25+$0x210]  }
0x274: {  	v38 =	vld [tilespmem:s26+$0xB0]  }
0x275: {  	v40 =	vld [tilespmem:s25+$0xB0]  }
0x276: {  	v39 =	vld [tilespmem:s26+$0x120]  }
0x277: {  	v57 =	vld [tilespmem:s26+$0x180]  }
0x278: {  	v58 =	vld [tilespmem:s25+$0x180]  }
0x279: {  	v59 =	vld [tilespmem:s26+$0x190]  }
0x27a: {  	v60 =	vld [tilespmem:s25+$0x190]  }
0x27b: {  	v41 =	vld [tilespmem:s26+$0x30]  }
0x27c: {  	v43 =	vld [tilespmem:s25+$0x30]  }
0x27d: {  	v52 =	vld [tilespmem:s26+$0xA0]  }
0x27e: {  	v53 =	vld [tilespmem:s25+$0xA0]  }
0x27f: {  	v44 =	vld [tilespmem:s26+$0x100]  }
0x280: {  	v46 =	vld [tilespmem:s25+$0x100]  }
0x281: {  	v47 =	vld [tilespmem:s26+$0x110]  }
0x282: {  	v49 =	vld [tilespmem:s25+$0x110]  }
0x283: {  	v51 =	vld [tilespmem:s25+$0x20]  }
0x284: {  	v61 =	vld [tilespmem:s26+$0x80]  }
0x285: {  	v62 =	vld [tilespmem:s25+$0x80]  }
0x286: {  	v63 =	vld [tilespmem:s26+$0x90]  }
0x287: {  	v1 =	vld [tilespmem:s25+$0x90]  }
0x288: {  	v2 =	vld [tilespmem:s26+$0x0]  }
0x289: {  	v3 =	vld [tilespmem:s25+$0x0]  }
0x28a: {  	v50 =	vld [tilespmem:s26+$0xFFFFFEB0]  }
0x28b: {  	v24 =	vld [tilespmem:s26+$0xFFFFFF80]  }
0x28c: {  	v12 =	vld [tilespmem:s26+$0xFFFFFF10]  }
0x28d: {  	v13 =	vld [tilespmem:s25+$0xFFFFFF10]  }
0x28e: {  	v14 =	vld [tilespmem:s26+$0xFFFFFDB0]  }
0x28f: {  	v20 =	vld [tilespmem:s26+$0xFFFFFE20]  }
0x290: {  	v15 =	vld [tilespmem:s25+$0xFFFFFE80]  }
0x291: {  	v16 =	vld [tilespmem:s26+$0xFFFFFE90]  }
0x292: {  	v17 =	vld [tilespmem:s25+$0xFFFFFE90]  }
0x293: {  	v28 =	vld [tilespmem:s26+$0xFFFFFD30]  }
0x294: {  	v29 =	vld [tilespmem:s25+$0xFFFFFD30]  }
0x295: {  	v18 =	vld [tilespmem:s26+$0xFFFFFDA0]  }
0x296: {  	v19 =	vld [tilespmem:s25+$0xFFFFFDA0]  }
0x297: {  	[tilespmem:$0x1FC60] =	vst v0;
	v0 =	vld [tilespmem:s26+$0x200]  }
0x298: {  	[tilespmem:$0x1FD40] =	vst v37;
	v37 =	vld [tilespmem:s26+$0x20]  }
0x299: {  	[tilespmem:$0x1FD50] =	vst v39;
	v39 =	vld [tilespmem:s26+$0xFFFFFF30]  }
0x29a: {  	[tilespmem:$0x1FD70] =	vst v46;
	v46 =	vld [tilespmem:s25+$0xFFFFFF30]  }
0x29b: {  	[tilespmem:$0x1FC70] =	vst v38;
	v38 =	vld [tilespmem:s26+$0xFFFFFFA0]  }
0x29c: {  	[tilespmem:$0x1FCC0] =	vst v4;
	v4 =	vld [tilespmem:s26+$0x10]  }
0x29d: {  	[tilespmem:$0x1FCD0] =	vst v5;
	v5 =	vld [tilespmem:s25+$0x10]  }
0x29e: {  	[tilespmem:$0x1FC80] =	vst v41;
	v41 =	vld [tilespmem:s25+$0xFFFFFEB0]  }
0x29f: {  	[tilespmem:$0x1FCE0] =	vst v6;
	v6 =	vld [tilespmem:s26+$0xFFFFFF20]  }
0x2a0: {  	[tilespmem:$0x1FCF0] =	vst v7;
	v7 =	vld [tilespmem:s25+$0xFFFFFF20]  }
0x2a1: {  	[tilespmem:$0x1FD90] =	vst v49;
	v49 =	vld [tilespmem:s25+$0xFFFFFF80]  }
0x2a2: {  	[tilespmem:$0x1FD60] =	vst v44;
	v44 =	vld [tilespmem:s26+$0xFFFFFF90]  }
0x2a3: {  	[tilespmem:$0x1FC90] =	vst v43;
	v43 =	vld [tilespmem:s25+$0xFFFFFF90]  }
0x2a4: {  	[tilespmem:$0x1FD00] =	vst v8;
	v8 =	vld [tilespmem:s26+$0xFFFFFEA0]  }
0x2a5: {  	[tilespmem:$0x1FD10] =	vst v9;
	v9 =	vld [tilespmem:s25+$0xFFFFFEA0]  }
0x2a6: {  	[tilespmem:$0x1FD20] =	vst v10;
	v10 =	vld [tilespmem:s26+$0xFFFFFF00]  }
0x2a7: {  	[tilespmem:$0x1FD30] =	vst v11;
	v11 =	vld [tilespmem:s25+$0xFFFFFF00]  }
0x2a8: {  	[tilespmem:$0x1FD80] =	vst v47;
	v47 =	vld [tilespmem:s25+$0xFFFFFDB0]  }
0x2a9: {  	[tilespmem:$0x1FCB0] =	vst v14;
	v14 =	vld [tilespmem:s26+$0xFFFFFE80]  }
0x2aa: {  	[tilespmem:$0x1FCA0] =	vst v50;
	v50 =	vld [tilespmem:s26+$0xFFFFFE00]  }
0x2ab: {  	v21 =	vmul.f32 v26, v25;
	v25 =	vld [tilespmem:s25+$0xFFFFFE00]  }
0x2ac: {  	v26 =	vld [tilespmem:s26+$0xFFFFFE10]  }
0x2ad: {  	v31 =	vmul.f32 v48, v31;
	v48 =	vmul.f32 v33, v32;
	v32 =	vld [tilespmem:s26+$0xFFFFFD20]  }
0x2ae: {  	v33 =	vld [tilespmem:s25+$0xFFFFFD20]  }
0x2af: {  	v56 =	vmul.f32 v56, v55;
	v23 =	vmul.f32 v35, v23;
	v35 =	vld [tilespmem:s25+$0xFFFFFC20]  }
0x2b0: {  	v58 =	vmul.f32 v58, v57;
	v57 =	vmul.f32 v3, v2;
	v3 =	vld [tilespmem:s25+$0xFFFFFD00]  }
0x2b1: {  	v1 =	vmul.f32 v1, v63;
	v63 =	vld [tilespmem:s26+$0xFFFFFD10];
	v21 =	vadd.f32 v31, v21;
	v31 =	vmul.f32 v30, v27  }
0x2b2: {  	v55 =	vmul.f32 v62, v61;
	v62 =	vmul.f32 v13, v12;
	v12 =	vld [tilespmem:$0x1FC90]  }
0x2b3: {  	v21 =	vadd.f32 v31, v21;
	v31 =	vld [tilespmem:$0x1FC60]  }
0x2b4: {  	v27 =	vld [tilespmem:s25+$0xFFFFFE10]  }
0x2b5: {  	v59 =	vmul.f32 v60, v59;
	v30 =	vld [tilespmem:s26+$0xFFFFFC30]  }
0x2b6: {  	v0 =	vmul.f32 v54, v0;
	v54 =	vmul.f32 v45, v42;
	v45 =	vld [tilespmem:s25+$0xFFFFFD90]  }
0x2b7: {  	v60 =	vadd.f32 v59, v58;
	v58 =	vmul.f32 v5, v4;
	v5 =	vld [tilespmem:s26+$0xFFFFFD00];
	v10 =	vmul.f32 v11, v10  }
0x2b8: {  	v61 =	vmul.f32 v51, v37;
	v37 =	vld [tilespmem:$0x1FC80];
	v0 =	vadd.f32 v56, v0;
	v22 =	vmul.f32 v22, v31  }
0x2b9: {  	v10 =	vadd.f32 v62, v10;
	v62 =	vmul.f32 v19, v18;
	v18 =	vmov v44;
	v44 =	vld [tilespmem:s25+$0xFFFFFC90]  }
0x2ba: {  	v31 =	vld [tilespmem:s25+$0xFFFFFC30];
	v0 =	vadd.f32 v48, v0;
	v21 =	vadd.f32 v22, v21;
	v22 =	vmul.f32 v36, v34  }
0x2bb: {  	v48 =	vld [tilespmem:s26+$0xFFFFFD80];
	v36 =	vadd.f32 v54, v60  }
0x2bc: {  	v60 =	vld [tilespmem:$0x1FC70];
	v0 =	vadd.f32 v22, v0  }
0x2bd: {  	v2 =	vmul.f32 v12, v37;
	v12 =	vld [tilespmem:s25+$0xFFFFFD10];
	(xrf2) =	vadd.scan.msk.f32 $0xffff, v21;
	v59 =	vadd.f32 v23, v36  }
0x2be: {  	v37 =	vld [tilespmem:s26+$0xFFFFFC00];
	(xrf2) =	vadd.scan.msk.f32 $0xffff, v0  }
0x2bf: {  	v1 =	vadd.f32 v1, v55;
	v56 =	vmul.f32 v53, v52;
	v21 =	vld [tilespmem:s25+$0xFFFFFD80];
	(xrf2) =	vadd.scan.msk.f32 $0xffff, v59  }
0x2c0: {  	v22 =	vld [tilespmem:s26+$0xFFFFFD90];
	v0 =	vadd.f32 v58, v57  }
0x2c1: {  	v6 =	vmul.f32 v7, v6;
	v1 =	vadd.f32 v56, v1;
	v34 =	vld [tilespmem:s26+$0xFFFFFC20];
	v4 =	vmul.f32 v40, v60  }
0x2c2: {  	v42 =	vmul.f32 v17, v16;
	v57 =	vmul.f32 v46, v39;
	v0 =	vadd.f32 v61, v0;
	v61 =	vld [tilespmem:$0x1FCA0]  }
0x2c3: {  	v36 =	vld [tilespmem:s25+$0xFFFFFC00];
	v58 =	vmul.f32 v9, v8;
	v40 =	vmul.f32 v15, v14;
	v1 =	vadd.f32 v4, v1  }
0x2c4: {  	p0 =	sne.s32 s28, $0x3C0;
	v56 =	vadd.f32 v6, v10;
	v59 =	vmul.f32 v21, v48;
	v48 =	vmul.f32 v12, v63;
	v63 =	vld [tilespmem:$0x1FCB0]  }
.Ltmp1:
0x2c5: {  	v39 =	vld [tilespmem:s26+$0xFFFFFC80];
	v60 =	vmul.f32 v45, v22;
	v0 =	vadd.f32 v2, v0;
	(xrf2) =	vadd.scan.msk.f32 $0xffff, v1;
	v1 =	vadd.f32 v42, v40;
	(pc) =	sbr.rel @p0 .LBB2_4-.Ltmp1, $4  }
0x2c6: {  	v17 =	vmov v49;
	v15 =	vmov v38;
	v38 =	vld [tilespmem:s26+$0xFFFFFC10];
	v2 =	vadd.f32 v57, v56  }
0x2c7: {  	v40 =	vld [tilespmem:s25+$0xFFFFFC10];
	v1 =	vadd.f32 v58, v1;
	v6 =	vmul.f32 v41, v61;
	v52, _, _ =	vpop (xrf2);
	(xrf2) =	vadd.scan.msk.f32 $0xffff, v0;
	v0 =	vadd.f32 v60, v59  }
0x2c8: {  	v16 =	vmov v24;
	v19 =	vmov v43;
	v45 =	vmul.f32 v3, v5;
	v42 =	vld [tilespmem:s26+$0xFFFFFC90];
	v22, _, _ =	vpop (xrf2)  }
0x2c9: {  	s24 =	smov.u32 s28;
	s28 =	sadd.s32 $0x40, s28;
	v41 =	vld [tilespmem:s25+$0xFFFFFC80];
	v47 =	vmul.f32 v47, v63;
	v43 =	vadd.f32 v6, v1;
	(xrf2) =	vadd.scan.msk.f32 $0xffff, v2;
	v46 =	vadd.f32 v62, v0;
	v23, _, _ =	vpop (xrf2)  }
0x2ca: {  	v0 =	vld [tilespmem:s26+$0xFFFFFCA0]  }
0x2cb: {  	v1 =	vld [tilespmem:s25+$0xFFFFFCA0]  }
0x2cc: {  	v4 =	vld [tilespmem:s26+$0xFFFFFCB0]  }
0x2cd: {  	v8 =	vld [tilespmem:s25+$0xFFFFFCB0]  }
0x2ce: {  	v10 =	vld [tilespmem:s25+$0xFFFFFE20]  }
0x2cf: {  	v12 =	vld [tilespmem:s26+$0xFFFFFE30]  }
0x2d0: {  	v5 =	vmul.f32 v36, v37;
	v37 =	vld [tilespmem:s25+$0xFFFFFE30]  }
0x2d1: {  	v14 =	vld [tilespmem:s25+$0xFFFFFFA0]  }
0x2d2: {  	v2 =	vadd.f32 v48, v45;
	v48 =	vld [tilespmem:s26+$0x130]  }
0x2d3: {  	v53 =	vld [tilespmem:$0x1FD60]  }
0x2d4: {  	v54 =	vld [tilespmem:$0x1FD70]  }
0x2d5: {  	v55 =	vld [tilespmem:$0x1FD80]  }
0x2d6: {  	v56 =	vld [tilespmem:$0x1FD90]  }
0x2d7: {  	v57 =	vld [tilespmem:s25+$0x2A0]  }
0x2d8: {  	v59 =	vld [tilespmem:s26+$0x2B0]  }
0x2d9: {  	v3 =	vmul.f32 v33, v32;
	v61 =	vld [tilespmem:$0x1FD50]  }
0x2da: {  	v11 =	vmul.f32 v29, v28;
	v36 =	vmul.f32 v35, v34;
	v62 =	vld [tilespmem:s25+$0x2B0]  }
0x2db: {  	v45 =	vmul.f32 v19, v18;
	v18 =	vld [tilespmem:$0x1FD30];
	v6 =	vmul.f32 v40, v38  }
0x2dc: {  	v19 =	vld [tilespmem:$0x1FD40];
	v9 =	vmul.f32 v44, v42;
	v33 =	vmul.f32 v41, v39  }
0x2dd: {  	v13 =	vmul.f32 v31, v30;
	v30 =	vld [tilespmem:$0x1FCC0];
	v7 =	vadd.f32 v47, v46;
	v5 =	vadd.f32 v6, v5  }
0x2de: {  	v31 =	vld [tilespmem:$0x1FCD0];
	v2 =	vadd.f32 v3, v2;
	v0 =	vmul.f32 v1, v0;
	v3 =	vadd.f32 v9, v33  }
0x2df: {  	(xrf2) =	vadd.scan.msk.f32 $0xffff, v43;
	v43 =	vld [tilespmem:s25+$0xFFFFFFB0];
	v38 =	vmul.f32 v25, v50;
	v39 =	vmul.f32 v27, v26;
	v5 =	vadd.f32 v36, v5  }
0x2e0: {  	v46 =	vld [tilespmem:s25+$0x120];
	v2 =	vadd.f32 v11, v2;
	v40 =	vmul.f32 v8, v4;
	v0 =	vadd.f32 v0, v3  }
0x2e1: {  	(xrf2) =	vadd.scan.msk.f32 $0xffff, v7;
	v41 =	vld [tilespmem:s26+$0xFFFFFFB0];
	v42 =	vmul.f32 v10, v20;
	v6 =	vadd.f32 v39, v38;
	v5 =	vadd.f32 v13, v5  }
0x2e2: {  	v44 =	vmul.f32 v17, v16;
	v16 =	vld [tilespmem:$0x1FD10];
	(xrf2) =	vadd.scan.msk.f32 $0xffff, v2;
	v0 =	vadd.f32 v40, v0  }
0x2e3: {  	v17 =	vld [tilespmem:$0x1FD20];
	v1 =	vmul.f32 v37, v12;
	v47 =	vadd.f32 v42, v6;
	(xrf2) =	vadd.scan.msk.f32 $0xffff, v5  }
0x2e4: {  	v50 =	vld [tilespmem:s25+$0x130];
	v49 =	vmul.f32 v14, v15;
	v2 =	vadd.f32 v45, v44;
	(xrf2) =	vadd.scan.msk.f32 $0xffff, v0  }
0x2e5: {  	v27 =	vld [tilespmem:$0x1FD00];
	v51 =	vadd.f32 v1, v47;
	v1 =	vmul.f32 v54, v53;
	v5 =	vmul.f32 v56, v55  }
0x2e6: {  	v34 =	vld [tilespmem:$0x1FCE0];
	v2 =	vadd.f32 v49, v2;
	v58 =	vmul.f32 v43, v41  }
0x2e7: {  	v35 =	vld [tilespmem:$0x1FCF0];
	v60, _, _ =	vpop (xrf2);
	v1 =	vadd.f32 v5, v1;
	v5 =	vmul.f32 v46, v61;
	(xrf2) =	vadd.scan.msk.f32 $0xffff, v51  }
0x2e8: {  	v25 =	vld [tilespmem:s25+$0x3A0];
	v11 =	vmul.f32 v19, v18;
	v63, _, _ =	vpop (xrf2);
	v3 =	vmul.f32 v17, v16;
	v2 =	vadd.f32 v58, v2  }
0x2e9: {  	v20 =	vld [tilespmem:s26+$0x3A0];
	v24 =	vmul.f32 v50, v48;
	v21, _, _ =	vpop (xrf2);
	v1 =	vadd.f32 v5, v1  }
0x2ea: {  	v28 =	vld [tilespmem:s26+$0x3B0];
	v10 =	vmul.f32 v57, v27;
	v3 =	vadd.f32 v11, v3;
	v26, _, _ =	vpop (xrf2);
	(xrf2) =	vadd.scan.msk.f32 $0xffff, v2  }
0x2eb: {  	v32 =	vld [tilespmem:s25+$0x3B0];
	v4 =	vmul.f32 v62, v59;
	v29, _, _ =	vpop (xrf2);
	v1 =	vadd.f32 v24, v1  }
0x2ec: {  	v9 =	vmul.f32 v35, v34;
	v3 =	vadd.f32 v10, v3;
	v5 =	vmul.f32 v31, v30;
	v33, _, _ =	vpop (xrf2)  }
0x2ed: {  	(xrf2) =	vadd.scan.msk.f32 $0xffff, v1;
	v36, _, _ =	vpop (xrf2)  }
0x2ee: {  	v39 =	vmul.f32 v25, v20;
	v37 =	vadd.f32 v4, v3;
	v38 =	vadd.f32 v9, v5;
	v40, _, _ =	vpop (xrf2)  }
0x2ef: {  	v41 =	vbroadcast v36, $0xF;
	v5 =	vbroadcast v40, $0xF  }
0x2f0: {  	v43 =	vmul.f32 v32, v28;
	v42 =	vbroadcast v33, $0xF;
	v3 =	vadd.f32 v39, v38;
	(xrf2) =	vadd.scan.msk.f32 $0xffff, v37  }
0x2f1: {  	v2 =	vbroadcast v29, $0xF;
	v45, _, _ =	vpop (xrf2);
	v44 =	vsel vm0, v41, v5  }
0x2f2: {  	v3 =	vadd.f32 v43, v3;
	v5 =	vbroadcast v45, $0xF;
	v1 =	vsel vm1, v44, v42  }
0x2f3: {  	v46 =	vbroadcast v26, $0xF;
	v1 =	vsel vm2, v1, v2  }
0x2f4: {  	v47 =	vbroadcast v21, $0xF;
	(xrf2) =	vadd.scan.msk.f32 $0xffff, v3;
	v48, _, _ =	vpop (xrf2);
	v1 =	vsel vm3, v1, v5  }
0x2f5: {  	v49 =	vbroadcast v48, $0xF;
	v1 =	vsel vm4, v1, v46  }
0x2f6: {  	s24 =	sshra.s32 s24, $0x2;
	v0 =	vbroadcast v63, $0xF;
	v61 =	vld [tilespmem:$0x1FE80];
	v1 =	vsel vm5, v1, v47  }
0x2f7: {  	v50 =	vbroadcast v60, $0xF;
	v51 =	vld [tilespmem:s24+$0x10200];
	v53, _, _ =	vpop (xrf2);
	v1 =	vsel vm6, v1, v49  }
0x2f8: {  	v54 =	vbroadcast v53, $0xF;
	v0 =	vsel vm7, v1, v0  }
0x2f9: {  	v55 =	vbroadcast v23, $0xF;
	v56 =	vld [tilespmem:s24+$0x10300];
	v0 =	vsel vm8, v0, v50  }
0x2fa: {  	v57 =	vbroadcast v22, $0xF;
	v58, _, _ =	vpop (xrf2);
	v0 =	vsel vm9, v0, v54  }
0x2fb: {  	v59 =	vbroadcast v58, $0xF;
	v0 =	vsel vm10, v0, v55  }
0x2fc: {  	v60 =	vbroadcast v52, $0xF;
	v3 =	vadd.f32 v51, v61;
	v0 =	vsel vm11, v0, v57  }
0x2fd: {  	v0 =	vsel vm12, v0, v59  }
0x2fe: {  	v62 =	vadd.f32 v56, v3;
	v63, _, _ =	vpop (xrf2);
	v0 =	vsel vm13, v0, v60  }
0x2ff: {  	v0 =	vsel vm14, v0, v63  }
0x300: {  	s23 =	sadd.s32 $0x1, s23;
	v0 =	vadd.f32 v0, v62  }
0x301: {  	p0 =	sne.s32 s23, s13  }
.Ltmp2:
0x302: {  	[tilespmem:s24+$0x10480] =	vst v0;
	(pc) =	sbr.rel @p0 .LBB2_1-.Ltmp2, $4  }
0x303: {  	[hbm4b:s12+s3] =	stream.linear.scatter [tilespmem:s22], [sflag:$0x2], $0x100, $0x38;
	[tilespmem:$0x10580] =	vst v63  }
0x304: {  	_ =	swait.ge [sflag:s15], $0x100  }
0x305: {  	[sflag:s15] =	ssyncset.done $0x0  }
0x306: {  	[sflag:s15] =	ssyncadd.s32 $0xFFFFFF00  }
0x307: {  	_ =	sfence.sel $0x180000  }
0x308: {  	[bflag:$0x0] =	sbarrier.arrive $0xFFFF  }
0x309: {  	p0 =	sne.s32 s4, $0x0;
	_ =	strace $0x90000047  }
0x30a: {  	s0 =	sadd.s32 @!p0 $0x100000, s0;
	[bflag:$0x2] =	sbarrier.arrive $0xFFFF  }
0x30b: {  	[sflag:s0] =	ssyncadd.tile.s32 @!p0 $0x1;
	_ =	shalt  }
.Lfunc_end2:
_tile_overlayer_lowered:
.L_overlay_start_2:
0x30c: {  	(tag) =	ssettag $0x2  }
0x30d: {  	s0 =	rddreg [dreg:$0x0];
	s2 =	stileid.u32  }
0x30e: {  	s1 =	rddreg [dreg:$0x1];
	p0 =	sne.s32 s2, $0x0  }
0x30f: {  	s3 =	rddreg [dreg:$0x2];
	[bflag:$0x3] =	sbarrier.arrive $0xFFFF;
	s2 =	simm.s32 @!p0 $0x1C02  }
0x310: {  	[timem:s3], [sflag:s2] =	dma.local @!p0 [hbm:s0], s1  }
0x311: {  	s0 =	simm.s32 @!p0 $0x2  }
0x312: {  	_ =	swait.ge @!p0 [sflag:s0], s1  }
0x313: {  	s1 =	ssub.s32 @!p0 $0x0, s1;
	[sflag:s0] =	ssyncset.done @!p0 $0x0  }
0x314: {  	[sflag:s0] =	ssyncadd.s32 @!p0 s1  }
0x315: {  	[bflag:$0x3] =	sbarrier.arrive $0xFFFF  }
0x316: {  	_ =	shalt  }

</sc_bundles>
